<compile_context>
chip_gen: v7x
topology: tpu7x:2x2x1
jax: 0.10.2.dev20260603
libtpu: 0.0.44.dev20260713+nightly
codegen_flags: <defaults>
</compile_context>

<pallas_src>
import functools

import jax
import jax.numpy as jnp
from jax import lax
from jax.experimental import pallas as pl
from jax.experimental.pallas import tpu as pltpu
from jax.experimental.pallas import tpu_sc as plsc

N_NODES = 10000
N_EDGES = 320000
DIM = 128
LANES = 16
NC, NS = 2, 16
NW = NC * NS
EPW = N_EDGES // NW
CHUNK = 80
NCHUNK = EPW // CHUNK
NDUMP = 10
RPS = N_NODES // NDUMP
ZCOPY = 40
DEN_W = LANES

ROW_BLK = N_NODES // 10

_SC_PARAMS = pltpu.CompilerParams(
    needs_layout_passes=False, use_tc_tiling_on_sc=False)
_MESH = plsc.VectorSubcoreMesh(core_axis_name="c", subcore_axis_name="s")



def _proj_body(x_ref, wt_ref, b_ref, amat_ref, wh_ref, s_ref):
    wh = jnp.dot(x_ref[...], wt_ref[...], preferred_element_type=jnp.float32)
    wh = wh + b_ref[...]
    wh_ref[...] = wh
    s_ref[...] = jnp.dot(wh, amat_ref[...], preferred_element_type=jnp.float32)


def _project(x, wt, b2, amat):
    return pl.pallas_call(
        _proj_body,
        grid=(N_NODES // ROW_BLK,),
        in_specs=[
            pl.BlockSpec((ROW_BLK, DIM), lambda i: (i, 0)),
            pl.BlockSpec((DIM, DIM), lambda i: (0, 0)),
            pl.BlockSpec((1, DIM), lambda i: (0, 0)),
            pl.BlockSpec((DIM, DIM), lambda i: (0, 0)),
        ],
        out_specs=[
            pl.BlockSpec((ROW_BLK, DIM), lambda i: (i, 0)),
            pl.BlockSpec((ROW_BLK, DIM), lambda i: (i, 0)),
        ],
        out_shape=[
            jax.ShapeDtypeStruct((N_NODES, DIM), jnp.float32),
            jax.ShapeDtypeStruct((N_NODES, DIM), jnp.float32),
        ],
    )(x, wt, b2, amat)



@functools.partial(
    pl.kernel,
    out_type=jax.ShapeDtypeStruct((NW, EPW), jnp.float32),
    mesh=_MESH,
    compiler_params=_SC_PARAMS,
    scratch_types=[
        pltpu.VMEM((NCHUNK, CHUNK), jnp.int32),
        pltpu.VMEM((NCHUNK, CHUNK), jnp.int32),
        pltpu.VMEM((N_NODES,), jnp.float32),
        pltpu.VMEM((N_NODES,), jnp.float32),
        pltpu.VMEM((EPW,), jnp.float32),
    ],
)
def _attn_kernel(src_hbm, dst_hbm, s1_hbm, s2_hbm, ex_hbm,
                 sidx_v, didx_v, s1_v, s2_v, ex_v):
    cid = lax.axis_index("c")
    sid = lax.axis_index("s")
    wid = cid * NS + sid

    pltpu.sync_copy(src_hbm.at[wid], sidx_v)
    pltpu.sync_copy(dst_hbm.at[wid], didx_v)
    pltpu.sync_copy(s1_hbm, s1_v)
    pltpu.sync_copy(s2_hbm, s2_v)

    def ex_iter(j, _):
        for k in range(CHUNK // LANES):
            si = sidx_v[j, pl.ds(k * LANES, LANES)]
            di = didx_v[j, pl.ds(k * LANES, LANES)]
            e = plsc.load_gather(s1_v, [si]) + plsc.load_gather(s2_v, [di])
            e = jnp.where(e > 0.0, e, 0.01 * e)
            ex_v[pl.ds(j * CHUNK + k * LANES, LANES)] = jnp.exp(e)
        return 0

    lax.fori_loop(0, NCHUNK, ex_iter, 0)

    pltpu.sync_copy(ex_v, ex_hbm.at[wid])



@functools.partial(
    pl.kernel,
    out_type=(
        jax.ShapeDtypeStruct((NC, N_NODES, DIM), jnp.float32),
        jax.ShapeDtypeStruct((NC, N_NODES, DEN_W), jnp.float32),
    ),
    mesh=_MESH,
    compiler_params=_SC_PARAMS,
    scratch_types=[
        pltpu.VMEM((NCHUNK, CHUNK), jnp.int32),
        pltpu.VMEM((NCHUNK, CHUNK), jnp.int32),
        pltpu.VMEM((CHUNK,), jnp.float32),
        pltpu.VMEM((CHUNK, DIM), jnp.float32),
        pltpu.VMEM((CHUNK, DEN_W), jnp.float32),
        pltpu.VMEM_SHARED((N_NODES, DIM), jnp.float32),
        pltpu.VMEM_SHARED((N_NODES, DEN_W), jnp.float32),
        pltpu.SemaphoreType.DMA,
    ],
)
def _scatter_kernel(src_hbm, dst_hbm, ex_hbm, wh_hbm,
                    num_hbm, den_hbm,
                    sidx_v, didx_v, exc_v, rows_v, denc_v,
                    num_sh, den_sh, sem):
    cid = lax.axis_index("c")
    sid = lax.axis_index("s")
    wid = cid * NS + sid

    pltpu.sync_copy(src_hbm.at[wid], sidx_v)
    pltpu.sync_copy(dst_hbm.at[wid], didx_v)

    z16 = jnp.zeros((LANES,), jnp.float32)

    def zfill_iter(j, _):
        for m in range(DIM // LANES):
            rows_v[j, pl.ds(m * LANES, LANES)] = z16
        denc_v[j, pl.ds(0, DEN_W)] = z16
        return 0

    lax.fori_loop(0, ZCOPY, zfill_iter, 0)

    @pl.when(sid < NDUMP)
    def _zero():
        for t in range(RPS // ZCOPY):
            off = sid * RPS + t * ZCOPY
            pltpu.sync_copy(rows_v.at[pl.ds(0, ZCOPY)],
                            num_sh.at[pl.ds(off, ZCOPY)])
            pltpu.sync_copy(denc_v.at[pl.ds(0, ZCOPY)],
                            den_sh.at[pl.ds(off, ZCOPY)])

    plsc.subcore_barrier()

    def chunk_iter(j, _):
        gat = pltpu.async_copy(wh_hbm.at[sidx_v.at[j]], rows_v, sem)
        pltpu.sync_copy(ex_hbm.at[wid].at[pl.ds(j * CHUNK, CHUNK)], exc_v)
        gat.wait()

        def row_iter(r, _):
            exb = plsc.load_gather(exc_v, [jnp.full((LANES,), r, jnp.int32)])
            for m in range(DIM // LANES):
                sl = pl.ds(m * LANES, LANES)
                rows_v[r, sl] = rows_v[r, sl] * exb
            denc_v[r, pl.ds(0, DEN_W)] = exb
            return 0

        lax.fori_loop(0, CHUNK, row_iter, 0)

        pltpu.sync_copy(rows_v, num_sh.at[didx_v.at[j]], add=True)
        pltpu.sync_copy(denc_v, den_sh.at[didx_v.at[j]], add=True)
        return 0

    lax.fori_loop(0, NCHUNK, chunk_iter, 0)

    plsc.subcore_barrier()

    @pl.when(sid < NDUMP)
    def _dump():
        pltpu.sync_copy(num_sh.at[pl.ds(sid * RPS, RPS)],
                        num_hbm.at[cid].at[pl.ds(sid * RPS, RPS)])
        pltpu.sync_copy(den_sh.at[pl.ds(sid * RPS, RPS)],
                        den_hbm.at[cid].at[pl.ds(sid * RPS, RPS)])



def _combine_body(num_ref, den_ref, out_ref):
    num = num_ref[0] + num_ref[1]
    den = den_ref[0] + den_ref[1]
    out_ref[...] = num / jnp.maximum(den[:, :1], 1e-9)


def _combine(num, den):
    return pl.pallas_call(
        _combine_body,
        grid=(N_NODES // ROW_BLK,),
        in_specs=[
            pl.BlockSpec((NC, ROW_BLK, DIM), lambda i: (0, i, 0)),
            pl.BlockSpec((NC, ROW_BLK, DEN_W), lambda i: (0, i, 0)),
        ],
        out_specs=pl.BlockSpec((ROW_BLK, DIM), lambda i: (i, 0)),
        out_shape=jax.ShapeDtypeStruct((N_NODES, DIM), jnp.float32),
    )(num, den)



def kernel(x, edge_index, W, b, a):
    x = x.astype(jnp.float32)
    edge_index = edge_index.astype(jnp.int32)
    src = edge_index[0].reshape(NW, NCHUNK, CHUNK)
    dst = edge_index[1].reshape(NW, NCHUNK, CHUNK)
    amat = (jnp.zeros((DIM, DIM), jnp.float32)
            .at[:, 0].set(a[0, :DIM])
            .at[:, 1].set(a[0, DIM:]))
    wh, s_pad = _project(x, W.T, b.reshape(1, DIM), amat)
    s1 = s_pad[:, 0]
    s2 = s_pad[:, 1]
    ex = _attn_kernel(src, dst, s1, s2)
    num, den = _scatter_kernel(src, dst, ex, wh)
    h = _combine(num, den)
    return h

# --- scband reference (transcript-rebuilt; emitter-appended) ---
"""Pipeline reference for scband-hetero-gat-30133490549160 (READ-ONLY COPY).

The authoritative reference and input builder live on the scoring server;
editing this copy changes nothing except your own understanding.
"""

import jax, jax.numpy as jnp
import numpy as np

N = 10000
E = 320000
IN_DIM = 128
OUT_DIM = 128


def setup_inputs(seed: int = 0) -> dict:
    key = jax.random.key(seed)
    k1, k2, k3, k4 = jax.random.split(key, 4)
    x = jax.random.normal(k1, (N, IN_DIM), dtype=jnp.float32)
    edge_index = jax.random.randint(k2, (2, E), 0, N, dtype=jnp.int32)
    # Linear weight matrix for the single relation 'rel' (nn.Linear: y = x @ W.T + b)
    W = jax.random.normal(k3, (OUT_DIM, IN_DIM), dtype=jnp.float32) * 0.05
    b = jnp.zeros((OUT_DIM,), dtype=jnp.float32)
    # Attention fc: nn.Linear(2*out_dim, 1, bias=False)
    a = jax.random.normal(k4, (1, 2 * OUT_DIM), dtype=jnp.float32) * 0.05
    return {"x": x, "edge_index": edge_index, "W": W, "b": b, "a": a}


def reference(x, edge_index, W, b, a):
    src = edge_index[0]
    dst = edge_index[1]
    # wh_src / wh_dst: shared linear projection per relation
    wh = x @ W.T + b  # [N, OUT]
    wh_src = jnp.take(wh, src, axis=0)  # [E, OUT]
    wh_dst = jnp.take(wh, dst, axis=0)  # [E, OUT]
    # edge_attention: e = leaky_relu(a([wh_src || wh_dst]))
    wh2 = jnp.concatenate([wh_src, wh_dst], axis=1)  # [E, 2*OUT]
    e = wh2 @ a.T  # [E, 1]
    e = jnp.where(e > 0, e, 0.01 * e)  # leaky_relu default slope 0.01
    e = e[:, 0]  # [E]
    # reduce_func: per-destination-node softmax over incoming edges
    emax = jax.ops.segment_max(e, dst, num_segments=N)
    emax = jnp.where(jnp.isfinite(emax), emax, 0.0)  # nodes w/o in-edges
    ex = jnp.exp(e - jnp.take(emax, dst, axis=0))
    denom = jax.ops.segment_sum(ex, dst, num_segments=N)
    alpha = ex / jnp.maximum(jnp.take(denom, dst, axis=0), 1e-9)
    # h = sum_j alpha_ij * wh_src_j ; multi_update_all 'sum' over single relation
    h = jax.ops.segment_sum(alpha[:, None] * wh_src, dst, num_segments=N)
    return h

if __name__ == "__main__":
    import jax
    _d = setup_inputs()
    print(jax.jit(kernel)(*tuple(_d.values())))

</pallas_src>

<mosaic_0001>
#map = affine_map<(d0, d1) -> (0, 0, 0)>
#map1 = affine_map<(d0, d1) -> (0)>
#map2 = affine_map<(d0, d1) -> (0, 0)>
module attributes {stable_mosaic.version = 14 : i64} {
  func.func @_attn_kernel(%arg0: i32, %arg1: i32, %arg2: memref<32x125x80xi32, #tpu.memory_space<hbm>>, %arg3: memref<32x125x80xi32, #tpu.memory_space<hbm>>, %arg4: memref<10000xf32, #tpu.memory_space<hbm>>, %arg5: memref<10000xf32, #tpu.memory_space<hbm>>, %arg6: memref<32x10000xf32, #tpu.memory_space<hbm>>, %arg7: memref<125x80xi32, #tpu.memory_space<vmem>>, %arg8: memref<125x80xi32, #tpu.memory_space<vmem>>, %arg9: memref<10000xf32, #tpu.memory_space<vmem>>, %arg10: memref<10000xf32, #tpu.memory_space<vmem>>, %arg11: memref<10000xf32, #tpu.memory_space<vmem>>) attributes {dimension_semantics = [#tpu.dimension_semantics<core_parallel>, #tpu.dimension_semantics<subcore_parallel>], iteration_bounds = array<i64: 2, 16>, scalar_prefetch = 0 : i64, scratch_operands = 5 : i64, tpu.core_type = #tpu.core_type<sc_vector_subcore>, window_params = [{transform_indices = #map}, {transform_indices = #map}, {transform_indices = #map1}, {transform_indices = #map1}, {transform_indices = #map2}]} {
    %mul3A = arith.constant 16 : i32
    %mul3A_0 = arith.muli %arg0, %mul3A : i32
    %add3A = arith.addi %mul3A_0, %arg1 : i32
    "tpu.region"() ({
      %run_scoped3A = tpu.sem_alloc : memref<!tpu.dma_semaphore, #tpu.memory_space<semaphore_mem>>
      %dma_start3A = arith.constant 0 : i32
      %dma_start3A_7 = arith.constant 0 : i32
      %dma_start3A_8 = tpu.memref_slice %arg2[%add3A, %dma_start3A, %dma_start3A_7] : memref<32x125x80xi32, #tpu.memory_space<hbm>> -> memref<1x125x80xi32, #tpu.memory_space<hbm>>
      %dma_start3A_9 = tpu.memref_squeeze %dma_start3A_8 : memref<1x125x80xi32, #tpu.memory_space<hbm>> -> memref<125x80xi32, #tpu.memory_space<hbm>>
      %dma_start3A_10 = arith.constant 0 : i32
      %dma_start3A_11 = arith.constant 0 : i32
      %dma_start3A_12 = tpu.memref_slice %arg2[%add3A, %dma_start3A_10, %dma_start3A_11] : memref<32x125x80xi32, #tpu.memory_space<hbm>> -> memref<1x125x80xi32, #tpu.memory_space<hbm>>
      %dma_start3A_13 = tpu.memref_squeeze %dma_start3A_12 : memref<1x125x80xi32, #tpu.memory_space<hbm>> -> memref<125x80xi32, #tpu.memory_space<hbm>>
      tpu.enqueue_dma source(%dma_start3A_13 : memref<125x80xi32, #tpu.memory_space<hbm>>) target(%arg7 : memref<125x80xi32, #tpu.memory_space<vmem>>) target_semaphore(%run_scoped3A : memref<!tpu.dma_semaphore, #tpu.memory_space<semaphore_mem>>)
      %dma_wait3A = arith.constant 0 : i32
      %dma_wait3A_14 = arith.constant 0 : i32
      %dma_wait3A_15 = tpu.memref_slice %arg2[%add3A, %dma_wait3A, %dma_wait3A_14] : memref<32x125x80xi32, #tpu.memory_space<hbm>> -> memref<1x125x80xi32, #tpu.memory_space<hbm>>
      %dma_wait3A_16 = tpu.memref_squeeze %dma_wait3A_15 : memref<1x125x80xi32, #tpu.memory_space<hbm>> -> memref<125x80xi32, #tpu.memory_space<hbm>>
      %dma_wait3A_17 = arith.constant 0 : i32
      %dma_wait3A_18 = arith.constant 0 : i32
      %dma_wait3A_19 = tpu.memref_slice %arg2[%add3A, %dma_wait3A_17, %dma_wait3A_18] : memref<32x125x80xi32, #tpu.memory_space<hbm>> -> memref<1x125x80xi32, #tpu.memory_space<hbm>>
      %dma_wait3A_20 = tpu.memref_squeeze %dma_wait3A_19 : memref<1x125x80xi32, #tpu.memory_space<hbm>> -> memref<125x80xi32, #tpu.memory_space<hbm>>
      tpu.wait_dma2 semaphore(%run_scoped3A : memref<!tpu.dma_semaphore, #tpu.memory_space<semaphore_mem>>) src(%dma_wait3A_20 : memref<125x80xi32, #tpu.memory_space<hbm>>) dst(%arg7 : memref<125x80xi32, #tpu.memory_space<vmem>>)
      tpu.yield
    }) : () -> ()
    "tpu.region"() ({
      %run_scoped3A = tpu.sem_alloc : memref<!tpu.dma_semaphore, #tpu.memory_space<semaphore_mem>>
      %dma_start3A = arith.constant 0 : i32
      %dma_start3A_7 = arith.constant 0 : i32
      %dma_start3A_8 = tpu.memref_slice %arg3[%add3A, %dma_start3A, %dma_start3A_7] : memref<32x125x80xi32, #tpu.memory_space<hbm>> -> memref<1x125x80xi32, #tpu.memory_space<hbm>>
      %dma_start3A_9 = tpu.memref_squeeze %dma_start3A_8 : memref<1x125x80xi32, #tpu.memory_space<hbm>> -> memref<125x80xi32, #tpu.memory_space<hbm>>
      %dma_start3A_10 = arith.constant 0 : i32
      %dma_start3A_11 = arith.constant 0 : i32
      %dma_start3A_12 = tpu.memref_slice %arg3[%add3A, %dma_start3A_10, %dma_start3A_11] : memref<32x125x80xi32, #tpu.memory_space<hbm>> -> memref<1x125x80xi32, #tpu.memory_space<hbm>>
      %dma_start3A_13 = tpu.memref_squeeze %dma_start3A_12 : memref<1x125x80xi32, #tpu.memory_space<hbm>> -> memref<125x80xi32, #tpu.memory_space<hbm>>
      tpu.enqueue_dma source(%dma_start3A_13 : memref<125x80xi32, #tpu.memory_space<hbm>>) target(%arg8 : memref<125x80xi32, #tpu.memory_space<vmem>>) target_semaphore(%run_scoped3A : memref<!tpu.dma_semaphore, #tpu.memory_space<semaphore_mem>>)
      %dma_wait3A = arith.constant 0 : i32
      %dma_wait3A_14 = arith.constant 0 : i32
      %dma_wait3A_15 = tpu.memref_slice %arg3[%add3A, %dma_wait3A, %dma_wait3A_14] : memref<32x125x80xi32, #tpu.memory_space<hbm>> -> memref<1x125x80xi32, #tpu.memory_space<hbm>>
      %dma_wait3A_16 = tpu.memref_squeeze %dma_wait3A_15 : memref<1x125x80xi32, #tpu.memory_space<hbm>> -> memref<125x80xi32, #tpu.memory_space<hbm>>
      %dma_wait3A_17 = arith.constant 0 : i32
      %dma_wait3A_18 = arith.constant 0 : i32
      %dma_wait3A_19 = tpu.memref_slice %arg3[%add3A, %dma_wait3A_17, %dma_wait3A_18] : memref<32x125x80xi32, #tpu.memory_space<hbm>> -> memref<1x125x80xi32, #tpu.memory_space<hbm>>
      %dma_wait3A_20 = tpu.memref_squeeze %dma_wait3A_19 : memref<1x125x80xi32, #tpu.memory_space<hbm>> -> memref<125x80xi32, #tpu.memory_space<hbm>>
      tpu.wait_dma2 semaphore(%run_scoped3A : memref<!tpu.dma_semaphore, #tpu.memory_space<semaphore_mem>>) src(%dma_wait3A_20 : memref<125x80xi32, #tpu.memory_space<hbm>>) dst(%arg8 : memref<125x80xi32, #tpu.memory_space<vmem>>)
      tpu.yield
    }) : () -> ()
    "tpu.region"() ({
      %run_scoped3A = tpu.sem_alloc : memref<!tpu.dma_semaphore, #tpu.memory_space<semaphore_mem>>
      tpu.enqueue_dma source(%arg4 : memref<10000xf32, #tpu.memory_space<hbm>>) target(%arg9 : memref<10000xf32, #tpu.memory_space<vmem>>) target_semaphore(%run_scoped3A : memref<!tpu.dma_semaphore, #tpu.memory_space<semaphore_mem>>)
      tpu.wait_dma2 semaphore(%run_scoped3A : memref<!tpu.dma_semaphore, #tpu.memory_space<semaphore_mem>>) src(%arg4 : memref<10000xf32, #tpu.memory_space<hbm>>) dst(%arg9 : memref<10000xf32, #tpu.memory_space<vmem>>)
      tpu.yield
    }) : () -> ()
    "tpu.region"() ({
      %run_scoped3A = tpu.sem_alloc : memref<!tpu.dma_semaphore, #tpu.memory_space<semaphore_mem>>
      tpu.enqueue_dma source(%arg5 : memref<10000xf32, #tpu.memory_space<hbm>>) target(%arg10 : memref<10000xf32, #tpu.memory_space<vmem>>) target_semaphore(%run_scoped3A : memref<!tpu.dma_semaphore, #tpu.memory_space<semaphore_mem>>)
      tpu.wait_dma2 semaphore(%run_scoped3A : memref<!tpu.dma_semaphore, #tpu.memory_space<semaphore_mem>>) src(%arg5 : memref<10000xf32, #tpu.memory_space<hbm>>) dst(%arg10 : memref<10000xf32, #tpu.memory_space<vmem>>)
      tpu.yield
    }) : () -> ()
    %scan3A = arith.constant 0 : i32
    %scan3A_1 = arith.constant 0 : i32
    %scan3A_2 = arith.constant 125 : i32
    %scan3A_3 = arith.addi %scan3A_1, %scan3A_2 : i32
    %scan3A_4 = arith.constant 1 : i32
    %scan3A_5 = scf.for %scan3A_7 = %scan3A_1 to %scan3A_3 step %scan3A_4 iter_args(%scan3A_8 = %scan3A) -> (i32)  : i32 {
      %get3A = arith.index_cast %scan3A_7 : i32 to index
      %get3A_9 = arith.constant 0 : index
      %get3A_10 = tpu.vector_load %arg7[%get3A, %get3A_9] {strides = array<i32>} : memref<125x80xi32, #tpu.memory_space<vmem>>, vector<16xi32>,
      %get3A_11 = arith.index_cast %scan3A_7 : i32 to index
      %get3A_12 = arith.constant 0 : index
      %get3A_13 = tpu.vector_load %arg8[%get3A_11, %get3A_12] {strides = array<i32>} : memref<125x80xi32, #tpu.memory_space<vmem>>, vector<16xi32>,
      %gather3A = tpu.vector_load_idx %arg9[%get3A_10] : memref<10000xf32, #tpu.memory_space<vmem>>[vector<16xi32>], vector<16xf32>,
      %gather3A_14 = tpu.vector_load_idx %arg10[%get3A_13] : memref<10000xf32, #tpu.memory_space<vmem>>[vector<16xi32>], vector<16xf32>,
      %add3A_15 = arith.addf %gather3A, %gather3A_14 : vector<16xf32>
      %gt3A = arith.constant 0.000000e+00 : f32
      %gt3A_16 = vector.broadcast %gt3A : f32 to vector<16xf32>
      %gt3A_17 = arith.cmpf ogt, %add3A_15, %gt3A_16 : vector<16xf32>
      %mul3A_18 = arith.constant 0.00999999977 : f32
      %mul3A_19 = vector.broadcast %mul3A_18 : f32 to vector<16xf32>
      %mul3A_20 = arith.mulf %mul3A_19, %add3A_15 : vector<16xf32>
      %select_n3A = arith.select %gt3A_17, %add3A_15, %mul3A_20 : vector<16xi1>, vector<16xf32>
      %exp3A = math.exp %select_n3A : vector<16xf32>
      %mul3A_21 = arith.constant 80 : i32
      %mul3A_22 = arith.muli %scan3A_7, %mul3A_21 : i32
      %add3A_23 = arith.constant 0 : i32
      %add3A_24 = arith.addi %mul3A_22, %add3A_23 : i32
      %swap3A = arith.index_cast %add3A_24 : i32 to index
      %swap3A_25 = tpu.vector_load %arg11[%swap3A] {strides = array<i32>} : memref<10000xf32, #tpu.memory_space<vmem>>, vector<16xf32>,
      tpu.vector_store %arg11[%swap3A], %exp3A {strides = array<i32>} : memref<10000xf32, #tpu.memory_space<vmem>>, vector<16xf32>,
      %get3A_26 = arith.index_cast %scan3A_7 : i32 to index
      %get3A_27 = arith.constant 16 : index
      %get3A_28 = tpu.vector_load %arg7[%get3A_26, %get3A_27] {strides = array<i32>} : memref<125x80xi32, #tpu.memory_space<vmem>>, vector<16xi32>,
      %get3A_29 = arith.index_cast %scan3A_7 : i32 to index
      %get3A_30 = arith.constant 16 : index
      %get3A_31 = tpu.vector_load %arg8[%get3A_29, %get3A_30] {strides = array<i32>} : memref<125x80xi32, #tpu.memory_space<vmem>>, vector<16xi32>,
      %gather3A_32 = tpu.vector_load_idx %arg9[%get3A_28] : memref<10000xf32, #tpu.memory_space<vmem>>[vector<16xi32>], vector<16xf32>,
      %gather3A_33 = tpu.vector_load_idx %arg10[%get3A_31] : memref<10000xf32, #tpu.memory_space<vmem>>[vector<16xi32>], vector<16xf32>,
      %add3A_34 = arith.addf %gather3A_32, %gather3A_33 : vector<16xf32>
      %gt3A_35 = arith.constant 0.000000e+00 : f32
      %gt3A_36 = vector.broadcast %gt3A_35 : f32 to vector<16xf32>
      %gt3A_37 = arith.cmpf ogt, %add3A_34, %gt3A_36 : vector<16xf32>
      %mul3A_38 = arith.constant 0.00999999977 : f32
      %mul3A_39 = vector.broadcast %mul3A_38 : f32 to vector<16xf32>
      %mul3A_40 = arith.mulf %mul3A_39, %add3A_34 : vector<16xf32>
      %select_n3A_41 = arith.select %gt3A_37, %add3A_34, %mul3A_40 : vector<16xi1>, vector<16xf32>
      %exp3A_42 = math.exp %select_n3A_41 : vector<16xf32>
      %mul3A_43 = arith.constant 80 : i32
      %mul3A_44 = arith.muli %scan3A_7, %mul3A_43 : i32
      %add3A_45 = arith.constant 16 : i32
      %add3A_46 = arith.addi %mul3A_44, %add3A_45 : i32
      %swap3A_47 = arith.index_cast %add3A_46 : i32 to index
      %swap3A_48 = tpu.vector_load %arg11[%swap3A_47] {strides = array<i32>} : memref<10000xf32, #tpu.memory_space<vmem>>, vector<16xf32>,
      tpu.vector_store %arg11[%swap3A_47], %exp3A_42 {strides = array<i32>} : memref<10000xf32, #tpu.memory_space<vmem>>, vector<16xf32>,
      %get3A_49 = arith.index_cast %scan3A_7 : i32 to index
      %get3A_50 = arith.constant 32 : index
      %get3A_51 = tpu.vector_load %arg7[%get3A_49, %get3A_50] {strides = array<i32>} : memref<125x80xi32, #tpu.memory_space<vmem>>, vector<16xi32>,
      %get3A_52 = arith.index_cast %scan3A_7 : i32 to index
      %get3A_53 = arith.constant 32 : index
      %get3A_54 = tpu.vector_load %arg8[%get3A_52, %get3A_53] {strides = array<i32>} : memref<125x80xi32, #tpu.memory_space<vmem>>, vector<16xi32>,
      %gather3A_55 = tpu.vector_load_idx %arg9[%get3A_51] : memref<10000xf32, #tpu.memory_space<vmem>>[vector<16xi32>], vector<16xf32>,
      %gather3A_56 = tpu.vector_load_idx %arg10[%get3A_54] : memref<10000xf32, #tpu.memory_space<vmem>>[vector<16xi32>], vector<16xf32>,
      %add3A_57 = arith.addf %gather3A_55, %gather3A_56 : vector<16xf32>
      %gt3A_58 = arith.constant 0.000000e+00 : f32
      %gt3A_59 = vector.broadcast %gt3A_58 : f32 to vector<16xf32>
      %gt3A_60 = arith.cmpf ogt, %add3A_57, %gt3A_59 : vector<16xf32>
      %mul3A_61 = arith.constant 0.00999999977 : f32
      %mul3A_62 = vector.broadcast %mul3A_61 : f32 to vector<16xf32>
      %mul3A_63 = arith.mulf %mul3A_62, %add3A_57 : vector<16xf32>
      %select_n3A_64 = arith.select %gt3A_60, %add3A_57, %mul3A_63 : vector<16xi1>, vector<16xf32>
      %exp3A_65 = math.exp %select_n3A_64 : vector<16xf32>
      %mul3A_66 = arith.constant 80 : i32
      %mul3A_67 = arith.muli %scan3A_7, %mul3A_66 : i32
      %add3A_68 = arith.constant 32 : i32
      %add3A_69 = arith.addi %mul3A_67, %add3A_68 : i32
      %swap3A_70 = arith.index_cast %add3A_69 : i32 to index
      %swap3A_71 = tpu.vector_load %arg11[%swap3A_70] {strides = array<i32>} : memref<10000xf32, #tpu.memory_space<vmem>>, vector<16xf32>,
      tpu.vector_store %arg11[%swap3A_70], %exp3A_65 {strides = array<i32>} : memref<10000xf32, #tpu.memory_space<vmem>>, vector<16xf32>,
      %get3A_72 = arith.index_cast %scan3A_7 : i32 to index
      %get3A_73 = arith.constant 48 : index
      %get3A_74 = tpu.vector_load %arg7[%get3A_72, %get3A_73] {strides = array<i32>} : memref<125x80xi32, #tpu.memory_space<vmem>>, vector<16xi32>,
      %get3A_75 = arith.index_cast %scan3A_7 : i32 to index
      %get3A_76 = arith.constant 48 : index
      %get3A_77 = tpu.vector_load %arg8[%get3A_75, %get3A_76] {strides = array<i32>} : memref<125x80xi32, #tpu.memory_space<vmem>>, vector<16xi32>,
      %gather3A_78 = tpu.vector_load_idx %arg9[%get3A_74] : memref<10000xf32, #tpu.memory_space<vmem>>[vector<16xi32>], vector<16xf32>,
      %gather3A_79 = tpu.vector_load_idx %arg10[%get3A_77] : memref<10000xf32, #tpu.memory_space<vmem>>[vector<16xi32>], vector<16xf32>,
      %add3A_80 = arith.addf %gather3A_78, %gather3A_79 : vector<16xf32>
      %gt3A_81 = arith.constant 0.000000e+00 : f32
      %gt3A_82 = vector.broadcast %gt3A_81 : f32 to vector<16xf32>
      %gt3A_83 = arith.cmpf ogt, %add3A_80, %gt3A_82 : vector<16xf32>
      %mul3A_84 = arith.constant 0.00999999977 : f32
      %mul3A_85 = vector.broadcast %mul3A_84 : f32 to vector<16xf32>
      %mul3A_86 = arith.mulf %mul3A_85, %add3A_80 : vector<16xf32>
      %select_n3A_87 = arith.select %gt3A_83, %add3A_80, %mul3A_86 : vector<16xi1>, vector<16xf32>
      %exp3A_88 = math.exp %select_n3A_87 : vector<16xf32>
      %mul3A_89 = arith.constant 80 : i32
      %mul3A_90 = arith.muli %scan3A_7, %mul3A_89 : i32
      %add3A_91 = arith.constant 48 : i32
      %add3A_92 = arith.addi %mul3A_90, %add3A_91 : i32
      %swap3A_93 = arith.index_cast %add3A_92 : i32 to index
      %swap3A_94 = tpu.vector_load %arg11[%swap3A_93] {strides = array<i32>} : memref<10000xf32, #tpu.memory_space<vmem>>, vector<16xf32>,
      tpu.vector_store %arg11[%swap3A_93], %exp3A_88 {strides = array<i32>} : memref<10000xf32, #tpu.memory_space<vmem>>, vector<16xf32>,
      %get3A_95 = arith.index_cast %scan3A_7 : i32 to index
      %get3A_96 = arith.constant 64 : index
      %get3A_97 = tpu.vector_load %arg7[%get3A_95, %get3A_96] {strides = array<i32>} : memref<125x80xi32, #tpu.memory_space<vmem>>, vector<16xi32>,
      %get3A_98 = arith.index_cast %scan3A_7 : i32 to index
      %get3A_99 = arith.constant 64 : index
      %get3A_100 = tpu.vector_load %arg8[%get3A_98, %get3A_99] {strides = array<i32>} : memref<125x80xi32, #tpu.memory_space<vmem>>, vector<16xi32>,
      %gather3A_101 = tpu.vector_load_idx %arg9[%get3A_97] : memref<10000xf32, #tpu.memory_space<vmem>>[vector<16xi32>], vector<16xf32>,
      %gather3A_102 = tpu.vector_load_idx %arg10[%get3A_100] : memref<10000xf32, #tpu.memory_space<vmem>>[vector<16xi32>], vector<16xf32>,
      %add3A_103 = arith.addf %gather3A_101, %gather3A_102 : vector<16xf32>
      %gt3A_104 = arith.constant 0.000000e+00 : f32
      %gt3A_105 = vector.broadcast %gt3A_104 : f32 to vector<16xf32>
      %gt3A_106 = arith.cmpf ogt, %add3A_103, %gt3A_105 : vector<16xf32>
      %mul3A_107 = arith.constant 0.00999999977 : f32
      %mul3A_108 = vector.broadcast %mul3A_107 : f32 to vector<16xf32>
      %mul3A_109 = arith.mulf %mul3A_108, %add3A_103 : vector<16xf32>
      %select_n3A_110 = arith.select %gt3A_106, %add3A_103, %mul3A_109 : vector<16xi1>, vector<16xf32>
      %exp3A_111 = math.exp %select_n3A_110 : vector<16xf32>
      %mul3A_112 = arith.constant 80 : i32
      %mul3A_113 = arith.muli %scan3A_7, %mul3A_112 : i32
      %add3A_114 = arith.constant 64 : i32
      %add3A_115 = arith.addi %mul3A_113, %add3A_114 : i32
      %swap3A_116 = arith.index_cast %add3A_115 : i32 to index
      %swap3A_117 = tpu.vector_load %arg11[%swap3A_116] {strides = array<i32>} : memref<10000xf32, #tpu.memory_space<vmem>>, vector<16xf32>,
      tpu.vector_store %arg11[%swap3A_116], %exp3A_111 {strides = array<i32>} : memref<10000xf32, #tpu.memory_space<vmem>>, vector<16xf32>,
      %scan3A_118 = arith.constant 0 : i32
      scf.yield %scan3A_118 : i32
    }
    %scan3A_6 = arith.constant 125 : i32
    "tpu.region"() ({
      %run_scoped3A = tpu.sem_alloc : memref<!tpu.dma_semaphore, #tpu.memory_space<semaphore_mem>>
      %dma_start3A = arith.constant 0 : i32
      %dma_start3A_7 = tpu.memref_slice %arg6[%add3A, %dma_start3A] : memref<32x10000xf32, #tpu.memory_space<hbm>> -> memref<1x10000xf32, #tpu.memory_space<hbm>>
      %dma_start3A_8 = tpu.memref_squeeze %dma_start3A_7 : memref<1x10000xf32, #tpu.memory_space<hbm>> -> memref<10000xf32, #tpu.memory_space<hbm>>
      %dma_start3A_9 = arith.constant 0 : i32
      %dma_start3A_10 = tpu.memref_slice %arg6[%add3A, %dma_start3A_9] : memref<32x10000xf32, #tpu.memory_space<hbm>> -> memref<1x10000xf32, #tpu.memory_space<hbm>>
      %dma_start3A_11 = tpu.memref_squeeze %dma_start3A_10 : memref<1x10000xf32, #tpu.memory_space<hbm>> -> memref<10000xf32, #tpu.memory_space<hbm>>
      tpu.enqueue_dma source(%arg11 : memref<10000xf32, #tpu.memory_space<vmem>>) target(%dma_start3A_11 : memref<10000xf32, #tpu.memory_space<hbm>>) target_semaphore(%run_scoped3A : memref<!tpu.dma_semaphore, #tpu.memory_space<semaphore_mem>>)
      %dma_wait3A = arith.constant 0 : i32
      %dma_wait3A_12 = tpu.memref_slice %arg6[%add3A, %dma_wait3A] : memref<32x10000xf32, #tpu.memory_space<hbm>> -> memref<1x10000xf32, #tpu.memory_space<hbm>>
      %dma_wait3A_13 = tpu.memref_squeeze %dma_wait3A_12 : memref<1x10000xf32, #tpu.memory_space<hbm>> -> memref<10000xf32, #tpu.memory_space<hbm>>
      %dma_wait3A_14 = arith.constant 0 : i32
      %dma_wait3A_15 = tpu.memref_slice %arg6[%add3A, %dma_wait3A_14] : memref<32x10000xf32, #tpu.memory_space<hbm>> -> memref<1x10000xf32, #tpu.memory_space<hbm>>
      %dma_wait3A_16 = tpu.memref_squeeze %dma_wait3A_15 : memref<1x10000xf32, #tpu.memory_space<hbm>> -> memref<10000xf32, #tpu.memory_space<hbm>>
      tpu.wait_dma2 semaphore(%run_scoped3A : memref<!tpu.dma_semaphore, #tpu.memory_space<semaphore_mem>>) src(%arg11 : memref<10000xf32, #tpu.memory_space<vmem>>) dst(%dma_wait3A_16 : memref<10000xf32, #tpu.memory_space<hbm>>)
      tpu.yield
    }) : () -> ()
    return
  }
}

#map = affine_map<(d0, d1) -> (0, 0, 0)>
#map1 = affine_map<(d0, d1) -> (0, 0)>
module attributes {stable_mosaic.version = 14 : i64} {
  func.func @_scatter_kernel(%arg0: i32, %arg1: i32, %arg2: memref<32x125x80xi32, #tpu.memory_space<hbm>>, %arg3: memref<32x125x80xi32, #tpu.memory_space<hbm>>, %arg4: memref<32x10000xf32, #tpu.memory_space<hbm>>, %arg5: memref<10000x128xf32, #tpu.memory_space<hbm>>, %arg6: memref<2x10000x128xf32, #tpu.memory_space<hbm>>, %arg7: memref<2x10000x16xf32, #tpu.memory_space<hbm>>, %arg8: memref<125x80xi32, #tpu.memory_space<vmem>>, %arg9: memref<125x80xi32, #tpu.memory_space<vmem>>, %arg10: memref<80xf32, #tpu.memory_space<vmem>>, %arg11: memref<80x128xf32, #tpu.memory_space<vmem>>, %arg12: memref<80x16xf32, #tpu.memory_space<vmem>>, %arg13: memref<10000x128xf32, #tpu.memory_space<vmem_shared>>, %arg14: memref<10000x16xf32, #tpu.memory_space<vmem_shared>>, %arg15: memref<!tpu.dma_semaphore, #tpu.memory_space<semaphore_mem>>) attributes {dimension_semantics = [#tpu.dimension_semantics<core_parallel>, #tpu.dimension_semantics<subcore_parallel>], iteration_bounds = array<i64: 2, 16>, scalar_prefetch = 0 : i64, scratch_operands = 8 : i64, tpu.core_type = #tpu.core_type<sc_vector_subcore>, window_params = [{transform_indices = #map}, {transform_indices = #map}, {transform_indices = #map1}, {transform_indices = #map1}, {transform_indices = #map}, {transform_indices = #map}]} {
    %mul3A = arith.constant 16 : i32
    %mul3A_0 = arith.muli %arg0, %mul3A : i32
    %add3A = arith.addi %mul3A_0, %arg1 : i32
    "tpu.region"() ({
      %run_scoped3A = tpu.sem_alloc : memref<!tpu.dma_semaphore, #tpu.memory_space<semaphore_mem>>
      %dma_start3A = arith.constant 0 : i32
      %dma_start3A_23 = arith.constant 0 : i32
      %dma_start3A_24 = tpu.memref_slice %arg2[%add3A, %dma_start3A, %dma_start3A_23] : memref<32x125x80xi32, #tpu.memory_space<hbm>> -> memref<1x125x80xi32, #tpu.memory_space<hbm>>
      %dma_start3A_25 = tpu.memref_squeeze %dma_start3A_24 : memref<1x125x80xi32, #tpu.memory_space<hbm>> -> memref<125x80xi32, #tpu.memory_space<hbm>>
      %dma_start3A_26 = arith.constant 0 : i32
      %dma_start3A_27 = arith.constant 0 : i32
      %dma_start3A_28 = tpu.memref_slice %arg2[%add3A, %dma_start3A_26, %dma_start3A_27] : memref<32x125x80xi32, #tpu.memory_space<hbm>> -> memref<1x125x80xi32, #tpu.memory_space<hbm>>
      %dma_start3A_29 = tpu.memref_squeeze %dma_start3A_28 : memref<1x125x80xi32, #tpu.memory_space<hbm>> -> memref<125x80xi32, #tpu.memory_space<hbm>>
      tpu.enqueue_dma source(%dma_start3A_29 : memref<125x80xi32, #tpu.memory_space<hbm>>) target(%arg8 : memref<125x80xi32, #tpu.memory_space<vmem>>) target_semaphore(%run_scoped3A : memref<!tpu.dma_semaphore, #tpu.memory_space<semaphore_mem>>)
      %dma_wait3A = arith.constant 0 : i32
      %dma_wait3A_30 = arith.constant 0 : i32
      %dma_wait3A_31 = tpu.memref_slice %arg2[%add3A, %dma_wait3A, %dma_wait3A_30] : memref<32x125x80xi32, #tpu.memory_space<hbm>> -> memref<1x125x80xi32, #tpu.memory_space<hbm>>
      %dma_wait3A_32 = tpu.memref_squeeze %dma_wait3A_31 : memref<1x125x80xi32, #tpu.memory_space<hbm>> -> memref<125x80xi32, #tpu.memory_space<hbm>>
      %dma_wait3A_33 = arith.constant 0 : i32
      %dma_wait3A_34 = arith.constant 0 : i32
      %dma_wait3A_35 = tpu.memref_slice %arg2[%add3A, %dma_wait3A_33, %dma_wait3A_34] : memref<32x125x80xi32, #tpu.memory_space<hbm>> -> memref<1x125x80xi32, #tpu.memory_space<hbm>>
      %dma_wait3A_36 = tpu.memref_squeeze %dma_wait3A_35 : memref<1x125x80xi32, #tpu.memory_space<hbm>> -> memref<125x80xi32, #tpu.memory_space<hbm>>
      tpu.wait_dma2 semaphore(%run_scoped3A : memref<!tpu.dma_semaphore, #tpu.memory_space<semaphore_mem>>) src(%dma_wait3A_36 : memref<125x80xi32, #tpu.memory_space<hbm>>) dst(%arg8 : memref<125x80xi32, #tpu.memory_space<vmem>>)
      tpu.yield
    }) : () -> ()
    "tpu.region"() ({
      %run_scoped3A = tpu.sem_alloc : memref<!tpu.dma_semaphore, #tpu.memory_space<semaphore_mem>>
      %dma_start3A = arith.constant 0 : i32
      %dma_start3A_23 = arith.constant 0 : i32
      %dma_start3A_24 = tpu.memref_slice %arg3[%add3A, %dma_start3A, %dma_start3A_23] : memref<32x125x80xi32, #tpu.memory_space<hbm>> -> memref<1x125x80xi32, #tpu.memory_space<hbm>>
      %dma_start3A_25 = tpu.memref_squeeze %dma_start3A_24 : memref<1x125x80xi32, #tpu.memory_space<hbm>> -> memref<125x80xi32, #tpu.memory_space<hbm>>
      %dma_start3A_26 = arith.constant 0 : i32
      %dma_start3A_27 = arith.constant 0 : i32
      %dma_start3A_28 = tpu.memref_slice %arg3[%add3A, %dma_start3A_26, %dma_start3A_27] : memref<32x125x80xi32, #tpu.memory_space<hbm>> -> memref<1x125x80xi32, #tpu.memory_space<hbm>>
      %dma_start3A_29 = tpu.memref_squeeze %dma_start3A_28 : memref<1x125x80xi32, #tpu.memory_space<hbm>> -> memref<125x80xi32, #tpu.memory_space<hbm>>
      tpu.enqueue_dma source(%dma_start3A_29 : memref<125x80xi32, #tpu.memory_space<hbm>>) target(%arg9 : memref<125x80xi32, #tpu.memory_space<vmem>>) target_semaphore(%run_scoped3A : memref<!tpu.dma_semaphore, #tpu.memory_space<semaphore_mem>>)
      %dma_wait3A = arith.constant 0 : i32
      %dma_wait3A_30 = arith.constant 0 : i32
      %dma_wait3A_31 = tpu.memref_slice %arg3[%add3A, %dma_wait3A, %dma_wait3A_30] : memref<32x125x80xi32, #tpu.memory_space<hbm>> -> memref<1x125x80xi32, #tpu.memory_space<hbm>>
      %dma_wait3A_32 = tpu.memref_squeeze %dma_wait3A_31 : memref<1x125x80xi32, #tpu.memory_space<hbm>> -> memref<125x80xi32, #tpu.memory_space<hbm>>
      %dma_wait3A_33 = arith.constant 0 : i32
      %dma_wait3A_34 = arith.constant 0 : i32
      %dma_wait3A_35 = tpu.memref_slice %arg3[%add3A, %dma_wait3A_33, %dma_wait3A_34] : memref<32x125x80xi32, #tpu.memory_space<hbm>> -> memref<1x125x80xi32, #tpu.memory_space<hbm>>
      %dma_wait3A_36 = tpu.memref_squeeze %dma_wait3A_35 : memref<1x125x80xi32, #tpu.memory_space<hbm>> -> memref<125x80xi32, #tpu.memory_space<hbm>>
      tpu.wait_dma2 semaphore(%run_scoped3A : memref<!tpu.dma_semaphore, #tpu.memory_space<semaphore_mem>>) src(%dma_wait3A_36 : memref<125x80xi32, #tpu.memory_space<hbm>>) dst(%arg9 : memref<125x80xi32, #tpu.memory_space<vmem>>)
      tpu.yield
    }) : () -> ()
    %broadcast_in_dim3A = arith.constant 0.000000e+00 : f32
    %broadcast_in_dim3A_1 = vector.broadcast %broadcast_in_dim3A : f32 to vector<16xf32>
    %scan3A = arith.constant 0 : i32
    %scan3A_2 = arith.constant 0 : i32
    %scan3A_3 = arith.constant 40 : i32
    %scan3A_4 = arith.addi %scan3A_2, %scan3A_3 : i32
    %scan3A_5 = arith.constant 1 : i32
    %scan3A_6 = scf.for %scan3A_23 = %scan3A_2 to %scan3A_4 step %scan3A_5 iter_args(%scan3A_24 = %scan3A) -> (i32)  : i32 {
      %swap3A = arith.index_cast %scan3A_23 : i32 to index
      %swap3A_25 = arith.constant 0 : index
      %swap3A_26 = tpu.vector_load %arg11[%swap3A, %swap3A_25] {strides = array<i32>} : memref<80x128xf32, #tpu.memory_space<vmem>>, vector<16xf32>,
      tpu.vector_store %arg11[%swap3A, %swap3A_25], %broadcast_in_dim3A_1 {strides = array<i32>} : memref<80x128xf32, #tpu.memory_space<vmem>>, vector<16xf32>,
      %swap3A_27 = arith.index_cast %scan3A_23 : i32 to index
      %swap3A_28 = arith.constant 16 : index
      %swap3A_29 = tpu.vector_load %arg11[%swap3A_27, %swap3A_28] {strides = array<i32>} : memref<80x128xf32, #tpu.memory_space<vmem>>, vector<16xf32>,
      tpu.vector_store %arg11[%swap3A_27, %swap3A_28], %broadcast_in_dim3A_1 {strides = array<i32>} : memref<80x128xf32, #tpu.memory_space<vmem>>, vector<16xf32>,
      %swap3A_30 = arith.index_cast %scan3A_23 : i32 to index
      %swap3A_31 = arith.constant 32 : index
      %swap3A_32 = tpu.vector_load %arg11[%swap3A_30, %swap3A_31] {strides = array<i32>} : memref<80x128xf32, #tpu.memory_space<vmem>>, vector<16xf32>,
      tpu.vector_store %arg11[%swap3A_30, %swap3A_31], %broadcast_in_dim3A_1 {strides = array<i32>} : memref<80x128xf32, #tpu.memory_space<vmem>>, vector<16xf32>,
      %swap3A_33 = arith.index_cast %scan3A_23 : i32 to index
      %swap3A_34 = arith.constant 48 : index
      %swap3A_35 = tpu.vector_load %arg11[%swap3A_33, %swap3A_34] {strides = array<i32>} : memref<80x128xf32, #tpu.memory_space<vmem>>, vector<16xf32>,
      tpu.vector_store %arg11[%swap3A_33, %swap3A_34], %broadcast_in_dim3A_1 {strides = array<i32>} : memref<80x128xf32, #tpu.memory_space<vmem>>, vector<16xf32>,
      %swap3A_36 = arith.index_cast %scan3A_23 : i32 to index
      %swap3A_37 = arith.constant 64 : index
      %swap3A_38 = tpu.vector_load %arg11[%swap3A_36, %swap3A_37] {strides = array<i32>} : memref<80x128xf32, #tpu.memory_space<vmem>>, vector<16xf32>,
      tpu.vector_store %arg11[%swap3A_36, %swap3A_37], %broadcast_in_dim3A_1 {strides = array<i32>} : memref<80x128xf32, #tpu.memory_space<vmem>>, vector<16xf32>,
      %swap3A_39 = arith.index_cast %scan3A_23 : i32 to index
      %swap3A_40 = arith.constant 80 : index
      %swap3A_41 = tpu.vector_load %arg11[%swap3A_39, %swap3A_40] {strides = array<i32>} : memref<80x128xf32, #tpu.memory_space<vmem>>, vector<16xf32>,
      tpu.vector_store %arg11[%swap3A_39, %swap3A_40], %broadcast_in_dim3A_1 {strides = array<i32>} : memref<80x128xf32, #tpu.memory_space<vmem>>, vector<16xf32>,
      %swap3A_42 = arith.index_cast %scan3A_23 : i32 to index
      %swap3A_43 = arith.constant 96 : index
      %swap3A_44 = tpu.vector_load %arg11[%swap3A_42, %swap3A_43] {strides = array<i32>} : memref<80x128xf32, #tpu.memory_space<vmem>>, vector<16xf32>,
      tpu.vector_store %arg11[%swap3A_42, %swap3A_43], %broadcast_in_dim3A_1 {strides = array<i32>} : memref<80x128xf32, #tpu.memory_space<vmem>>, vector<16xf32>,
      %swap3A_45 = arith.index_cast %scan3A_23 : i32 to index
      %swap3A_46 = arith.constant 112 : index
      %swap3A_47 = tpu.vector_load %arg11[%swap3A_45, %swap3A_46] {strides = array<i32>} : memref<80x128xf32, #tpu.memory_space<vmem>>, vector<16xf32>,
      tpu.vector_store %arg11[%swap3A_45, %swap3A_46], %broadcast_in_dim3A_1 {strides = array<i32>} : memref<80x128xf32, #tpu.memory_space<vmem>>, vector<16xf32>,
      %swap3A_48 = arith.index_cast %scan3A_23 : i32 to index
      %swap3A_49 = arith.constant 0 : index
      %swap3A_50 = tpu.vector_load %arg12[%swap3A_48, %swap3A_49] {strides = array<i32>} : memref<80x16xf32, #tpu.memory_space<vmem>>, vector<16xf32>,
      tpu.vector_store %arg12[%swap3A_48, %swap3A_49], %broadcast_in_dim3A_1 {strides = array<i32>} : memref<80x16xf32, #tpu.memory_space<vmem>>, vector<16xf32>,
      %scan3A_51 = arith.constant 0 : i32
      scf.yield %scan3A_51 : i32
    }
    %scan3A_7 = arith.constant 40 : i32
    %lt3A = arith.constant 10 : i32
    %lt3A_8 = arith.cmpi slt, %arg1, %lt3A : i32
    %convert_element_type3A = arith.extui %lt3A_8 : i1 to i32
    %cond3A = arith.constant 0 : i32
    %cond3A_9 = arith.cmpi ne, %convert_element_type3A, %cond3A : i32
    scf.if %cond3A_9 {
      %mul3A_23 = arith.constant 1000 : i32
      %mul3A_24 = arith.muli %arg1, %mul3A_23 : i32
      %add3A_25 = arith.constant 0 : i32
      %add3A_26 = arith.addi %mul3A_24, %add3A_25 : i32
      "tpu.region"() ({
        %run_scoped3A = tpu.sem_alloc : memref<!tpu.dma_semaphore, #tpu.memory_space<semaphore_mem>>
        %dma_start3A = arith.constant 0 : i32
        %dma_start3A_123 = arith.constant 0 : i32
        %dma_start3A_124 = tpu.memref_slice %arg11[%dma_start3A, %dma_start3A_123] : memref<80x128xf32, #tpu.memory_space<vmem>> -> memref<40x128xf32, #tpu.memory_space<vmem>>
        %dma_start3A_125 = arith.constant 0 : i32
        %dma_start3A_126 = tpu.memref_slice %arg13[%add3A_26, %dma_start3A_125] : memref<10000x128xf32, #tpu.memory_space<vmem_shared>> -> memref<40x128xf32, #tpu.memory_space<vmem_shared>>
        %dma_start3A_127 = arith.constant 0 : i32
        %dma_start3A_128 = tpu.memref_slice %arg13[%add3A_26, %dma_start3A_127] : memref<10000x128xf32, #tpu.memory_space<vmem_shared>> -> memref<40x128xf32, #tpu.memory_space<vmem_shared>>
        %dma_start3A_129 = arith.constant 0 : i32
        %dma_start3A_130 = arith.constant 0 : i32
        %dma_start3A_131 = tpu.memref_slice %arg11[%dma_start3A_129, %dma_start3A_130] : memref<80x128xf32, #tpu.memory_space<vmem>> -> memref<40x128xf32, #tpu.memory_space<vmem>>
        tpu.enqueue_dma source(%dma_start3A_131 : memref<40x128xf32, #tpu.memory_space<vmem>>) target(%dma_start3A_128 : memref<40x128xf32, #tpu.memory_space<vmem_shared>>) target_semaphore(%run_scoped3A : memref<!tpu.dma_semaphore, #tpu.memory_space<semaphore_mem>>)
        %dma_wait3A = arith.constant 0 : i32
        %dma_wait3A_132 = arith.constant 0 : i32
        %dma_wait3A_133 = tpu.memref_slice %arg11[%dma_wait3A, %dma_wait3A_132] : memref<80x128xf32, #tpu.memory_space<vmem>> -> memref<40x128xf32, #tpu.memory_space<vmem>>
        %dma_wait3A_134 = arith.constant 0 : i32
        %dma_wait3A_135 = tpu.memref_slice %arg13[%add3A_26, %dma_wait3A_134] : memref<10000x128xf32, #tpu.memory_space<vmem_shared>> -> memref<40x128xf32, #tpu.memory_space<vmem_shared>>
        %dma_wait3A_136 = arith.constant 0 : i32
        %dma_wait3A_137 = tpu.memref_slice %arg13[%add3A_26, %dma_wait3A_136] : memref<10000x128xf32, #tpu.memory_space<vmem_shared>> -> memref<40x128xf32, #tpu.memory_space<vmem_shared>>
        %dma_wait3A_138 = arith.constant 0 : i32
        %dma_wait3A_139 = arith.constant 0 : i32
        %dma_wait3A_140 = tpu.memref_slice %arg11[%dma_wait3A_138, %dma_wait3A_139] : memref<80x128xf32, #tpu.memory_space<vmem>> -> memref<40x128xf32, #tpu.memory_space<vmem>>
        tpu.wait_dma2 semaphore(%run_scoped3A : memref<!tpu.dma_semaphore, #tpu.memory_space<semaphore_mem>>) src(%dma_wait3A_140 : memref<40x128xf32, #tpu.memory_space<vmem>>) dst(%dma_wait3A_137 : memref<40x128xf32, #tpu.memory_space<vmem_shared>>)
        tpu.yield
      }) : () -> ()
      "tpu.region"() ({
        %run_scoped3A = tpu.sem_alloc : memref<!tpu.dma_semaphore, #tpu.memory_space<semaphore_mem>>
        %dma_start3A = arith.constant 0 : i32
        %dma_start3A_123 = arith.constant 0 : i32
        %dma_start3A_124 = tpu.memref_slice %arg12[%dma_start3A, %dma_start3A_123] : memref<80x16xf32, #tpu.memory_space<vmem>> -> memref<40x16xf32, #tpu.memory_space<vmem>>
        %dma_start3A_125 = arith.constant 0 : i32
        %dma_start3A_126 = tpu.memref_slice %arg14[%add3A_26, %dma_start3A_125] : memref<10000x16xf32, #tpu.memory_space<vmem_shared>> -> memref<40x16xf32, #tpu.memory_space<vmem_shared>>
        %dma_start3A_127 = arith.constant 0 : i32
        %dma_start3A_128 = tpu.memref_slice %arg14[%add3A_26, %dma_start3A_127] : memref<10000x16xf32, #tpu.memory_space<vmem_shared>> -> memref<40x16xf32, #tpu.memory_space<vmem_shared>>
        %dma_start3A_129 = arith.constant 0 : i32
        %dma_start3A_130 = arith.constant 0 : i32
        %dma_start3A_131 = tpu.memref_slice %arg12[%dma_start3A_129, %dma_start3A_130] : memref<80x16xf32, #tpu.memory_space<vmem>> -> memref<40x16xf32, #tpu.memory_space<vmem>>
        tpu.enqueue_dma source(%dma_start3A_131 : memref<40x16xf32, #tpu.memory_space<vmem>>) target(%dma_start3A_128 : memref<40x16xf32, #tpu.memory_space<vmem_shared>>) target_semaphore(%run_scoped3A : memref<!tpu.dma_semaphore, #tpu.memory_space<semaphore_mem>>)
        %dma_wait3A = arith.constant 0 : i32
        %dma_wait3A_132 = arith.constant 0 : i32
        %dma_wait3A_133 = tpu.memref_slice %arg12[%dma_wait3A, %dma_wait3A_132] : memref<80x16xf32, #tpu.memory_space<vmem>> -> memref<40x16xf32, #tpu.memory_space<vmem>>
        %dma_wait3A_134 = arith.constant 0 : i32
        %dma_wait3A_135 = tpu.memref_slice %arg14[%add3A_26, %dma_wait3A_134] : memref<10000x16xf32, #tpu.memory_space<vmem_shared>> -> memref<40x16xf32, #tpu.memory_space<vmem_shared>>
        %dma_wait3A_136 = arith.constant 0 : i32
        %dma_wait3A_137 = tpu.memref_slice %arg14[%add3A_26, %dma_wait3A_136] : memref<10000x16xf32, #tpu.memory_space<vmem_shared>> -> memref<40x16xf32, #tpu.memory_space<vmem_shared>>
        %dma_wait3A_138 = arith.constant 0 : i32
        %dma_wait3A_139 = arith.constant 0 : i32
        %dma_wait3A_140 = tpu.memref_slice %arg12[%dma_wait3A_138, %dma_wait3A_139] : memref<80x16xf32, #tpu.memory_space<vmem>> -> memref<40x16xf32, #tpu.memory_space<vmem>>
        tpu.wait_dma2 semaphore(%run_scoped3A : memref<!tpu.dma_semaphore, #tpu.memory_space<semaphore_mem>>) src(%dma_wait3A_140 : memref<40x16xf32, #tpu.memory_space<vmem>>) dst(%dma_wait3A_137 : memref<40x16xf32, #tpu.memory_space<vmem_shared>>)
        tpu.yield
      }) : () -> ()
      %mul3A_27 = arith.constant 1000 : i32
      %mul3A_28 = arith.muli %arg1, %mul3A_27 : i32
      %add3A_29 = arith.constant 40 : i32
      %add3A_30 = arith.addi %mul3A_28, %add3A_29 : i32
      "tpu.region"() ({
        %run_scoped3A = tpu.sem_alloc : memref<!tpu.dma_semaphore, #tpu.memory_space<semaphore_mem>>
        %dma_start3A = arith.constant 0 : i32
        %dma_start3A_123 = arith.constant 0 : i32
        %dma_start3A_124 = tpu.memref_slice %arg11[%dma_start3A, %dma_start3A_123] : memref<80x128xf32, #tpu.memory_space<vmem>> -> memref<40x128xf32, #tpu.memory_space<vmem>>
        %dma_start3A_125 = arith.constant 0 : i32
        %dma_start3A_126 = tpu.memref_slice %arg13[%add3A_30, %dma_start3A_125] : memref<10000x128xf32, #tpu.memory_space<vmem_shared>> -> memref<40x128xf32, #tpu.memory_space<vmem_shared>>
        %dma_start3A_127 = arith.constant 0 : i32
        %dma_start3A_128 = tpu.memref_slice %arg13[%add3A_30, %dma_start3A_127] : memref<10000x128xf32, #tpu.memory_space<vmem_shared>> -> memref<40x128xf32, #tpu.memory_space<vmem_shared>>
        %dma_start3A_129 = arith.constant 0 : i32
        %dma_start3A_130 = arith.constant 0 : i32
        %dma_start3A_131 = tpu.memref_slice %arg11[%dma_start3A_129, %dma_start3A_130] : memref<80x128xf32, #tpu.memory_space<vmem>> -> memref<40x128xf32, #tpu.memory_space<vmem>>
        tpu.enqueue_dma source(%dma_start3A_131 : memref<40x128xf32, #tpu.memory_space<vmem>>) target(%dma_start3A_128 : memref<40x128xf32, #tpu.memory_space<vmem_shared>>) target_semaphore(%run_scoped3A : memref<!tpu.dma_semaphore, #tpu.memory_space<semaphore_mem>>)
        %dma_wait3A = arith.constant 0 : i32
        %dma_wait3A_132 = arith.constant 0 : i32
        %dma_wait3A_133 = tpu.memref_slice %arg11[%dma_wait3A, %dma_wait3A_132] : memref<80x128xf32, #tpu.memory_space<vmem>> -> memref<40x128xf32, #tpu.memory_space<vmem>>
        %dma_wait3A_134 = arith.constant 0 : i32
        %dma_wait3A_135 = tpu.memref_slice %arg13[%add3A_30, %dma_wait3A_134] : memref<10000x128xf32, #tpu.memory_space<vmem_shared>> -> memref<40x128xf32, #tpu.memory_space<vmem_shared>>
        %dma_wait3A_136 = arith.constant 0 : i32
        %dma_wait3A_137 = tpu.memref_slice %arg13[%add3A_30, %dma_wait3A_136] : memref<10000x128xf32, #tpu.memory_space<vmem_shared>> -> memref<40x128xf32, #tpu.memory_space<vmem_shared>>
        %dma_wait3A_138 = arith.constant 0 : i32
        %dma_wait3A_139 = arith.constant 0 : i32
        %dma_wait3A_140 = tpu.memref_slice %arg11[%dma_wait3A_138, %dma_wait3A_139] : memref<80x128xf32, #tpu.memory_space<vmem>> -> memref<40x128xf32, #tpu.memory_space<vmem>>
        tpu.wait_dma2 semaphore(%run_scoped3A : memref<!tpu.dma_semaphore, #tpu.memory_space<semaphore_mem>>) src(%dma_wait3A_140 : memref<40x128xf32, #tpu.memory_space<vmem>>) dst(%dma_wait3A_137 : memref<40x128xf32, #tpu.memory_space<vmem_shared>>)
        tpu.yield
      }) : () -> ()
      "tpu.region"() ({
        %run_scoped3A = tpu.sem_alloc : memref<!tpu.dma_semaphore, #tpu.memory_space<semaphore_mem>>
        %dma_start3A = arith.constant 0 : i32
        %dma_start3A_123 = arith.constant 0 : i32
        %dma_start3A_124 = tpu.memref_slice %arg12[%dma_start3A, %dma_start3A_123] : memref<80x16xf32, #tpu.memory_space<vmem>> -> memref<40x16xf32, #tpu.memory_space<vmem>>
        %dma_start3A_125 = arith.constant 0 : i32
        %dma_start3A_126 = tpu.memref_slice %arg14[%add3A_30, %dma_start3A_125] : memref<10000x16xf32, #tpu.memory_space<vmem_shared>> -> memref<40x16xf32, #tpu.memory_space<vmem_shared>>
        %dma_start3A_127 = arith.constant 0 : i32
        %dma_start3A_128 = tpu.memref_slice %arg14[%add3A_30, %dma_start3A_127] : memref<10000x16xf32, #tpu.memory_space<vmem_shared>> -> memref<40x16xf32, #tpu.memory_space<vmem_shared>>
        %dma_start3A_129 = arith.constant 0 : i32
        %dma_start3A_130 = arith.constant 0 : i32
        %dma_start3A_131 = tpu.memref_slice %arg12[%dma_start3A_129, %dma_start3A_130] : memref<80x16xf32, #tpu.memory_space<vmem>> -> memref<40x16xf32, #tpu.memory_space<vmem>>
        tpu.enqueue_dma source(%dma_start3A_131 : memref<40x16xf32, #tpu.memory_space<vmem>>) target(%dma_start3A_128 : memref<40x16xf32, #tpu.memory_space<vmem_shared>>) target_semaphore(%run_scoped3A : memref<!tpu.dma_semaphore, #tpu.memory_space<semaphore_mem>>)
        %dma_wait3A = arith.constant 0 : i32
        %dma_wait3A_132 = arith.constant 0 : i32
        %dma_wait3A_133 = tpu.memref_slice %arg12[%dma_wait3A, %dma_wait3A_132] : memref<80x16xf32, #tpu.memory_space<vmem>> -> memref<40x16xf32, #tpu.memory_space<vmem>>
        %dma_wait3A_134 = arith.constant 0 : i32
        %dma_wait3A_135 = tpu.memref_slice %arg14[%add3A_30, %dma_wait3A_134] : memref<10000x16xf32, #tpu.memory_space<vmem_shared>> -> memref<40x16xf32, #tpu.memory_space<vmem_shared>>
        %dma_wait3A_136 = arith.constant 0 : i32
        %dma_wait3A_137 = tpu.memref_slice %arg14[%add3A_30, %dma_wait3A_136] : memref<10000x16xf32, #tpu.memory_space<vmem_shared>> -> memref<40x16xf32, #tpu.memory_space<vmem_shared>>
        %dma_wait3A_138 = arith.constant 0 : i32
        %dma_wait3A_139 = arith.constant 0 : i32
        %dma_wait3A_140 = tpu.memref_slice %arg12[%dma_wait3A_138, %dma_wait3A_139] : memref<80x16xf32, #tpu.memory_space<vmem>> -> memref<40x16xf32, #tpu.memory_space<vmem>>
        tpu.wait_dma2 semaphore(%run_scoped3A : memref<!tpu.dma_semaphore, #tpu.memory_space<semaphore_mem>>) src(%dma_wait3A_140 : memref<40x16xf32, #tpu.memory_space<vmem>>) dst(%dma_wait3A_137 : memref<40x16xf32, #tpu.memory_space<vmem_shared>>)
        tpu.yield
      }) : () -> ()
      %mul3A_31 = arith.constant 1000 : i32
      %mul3A_32 = arith.muli %arg1, %mul3A_31 : i32
      %add3A_33 = arith.constant 80 : i32
      %add3A_34 = arith.addi %mul3A_32, %add3A_33 : i32
      "tpu.region"() ({
        %run_scoped3A = tpu.sem_alloc : memref<!tpu.dma_semaphore, #tpu.memory_space<semaphore_mem>>
        %dma_start3A = arith.constant 0 : i32
        %dma_start3A_123 = arith.constant 0 : i32
        %dma_start3A_124 = tpu.memref_slice %arg11[%dma_start3A, %dma_start3A_123] : memref<80x128xf32, #tpu.memory_space<vmem>> -> memref<40x128xf32, #tpu.memory_space<vmem>>
        %dma_start3A_125 = arith.constant 0 : i32
        %dma_start3A_126 = tpu.memref_slice %arg13[%add3A_34, %dma_start3A_125] : memref<10000x128xf32, #tpu.memory_space<vmem_shared>> -> memref<40x128xf32, #tpu.memory_space<vmem_shared>>
        %dma_start3A_127 = arith.constant 0 : i32
        %dma_start3A_128 = tpu.memref_slice %arg13[%add3A_34, %dma_start3A_127] : memref<10000x128xf32, #tpu.memory_space<vmem_shared>> -> memref<40x128xf32, #tpu.memory_space<vmem_shared>>
        %dma_start3A_129 = arith.constant 0 : i32
        %dma_start3A_130 = arith.constant 0 : i32
        %dma_start3A_131 = tpu.memref_slice %arg11[%dma_start3A_129, %dma_start3A_130] : memref<80x128xf32, #tpu.memory_space<vmem>> -> memref<40x128xf32, #tpu.memory_space<vmem>>
        tpu.enqueue_dma source(%dma_start3A_131 : memref<40x128xf32, #tpu.memory_space<vmem>>) target(%dma_start3A_128 : memref<40x128xf32, #tpu.memory_space<vmem_shared>>) target_semaphore(%run_scoped3A : memref<!tpu.dma_semaphore, #tpu.memory_space<semaphore_mem>>)
        %dma_wait3A = arith.constant 0 : i32
        %dma_wait3A_132 = arith.constant 0 : i32
        %dma_wait3A_133 = tpu.memref_slice %arg11[%dma_wait3A, %dma_wait3A_132] : memref<80x128xf32, #tpu.memory_space<vmem>> -> memref<40x128xf32, #tpu.memory_space<vmem>>
        %dma_wait3A_134 = arith.constant 0 : i32
        %dma_wait3A_135 = tpu.memref_slice %arg13[%add3A_34, %dma_wait3A_134] : memref<10000x128xf32, #tpu.memory_space<vmem_shared>> -> memref<40x128xf32, #tpu.memory_space<vmem_shared>>
        %dma_wait3A_136 = arith.constant 0 : i32
        %dma_wait3A_137 = tpu.memref_slice %arg13[%add3A_34, %dma_wait3A_136] : memref<10000x128xf32, #tpu.memory_space<vmem_shared>> -> memref<40x128xf32, #tpu.memory_space<vmem_shared>>
        %dma_wait3A_138 = arith.constant 0 : i32
        %dma_wait3A_139 = arith.constant 0 : i32
        %dma_wait3A_140 = tpu.memref_slice %arg11[%dma_wait3A_138, %dma_wait3A_139] : memref<80x128xf32, #tpu.memory_space<vmem>> -> memref<40x128xf32, #tpu.memory_space<vmem>>
        tpu.wait_dma2 semaphore(%run_scoped3A : memref<!tpu.dma_semaphore, #tpu.memory_space<semaphore_mem>>) src(%dma_wait3A_140 : memref<40x128xf32, #tpu.memory_space<vmem>>) dst(%dma_wait3A_137 : memref<40x128xf32, #tpu.memory_space<vmem_shared>>)
        tpu.yield
      }) : () -> ()
      "tpu.region"() ({
        %run_scoped3A = tpu.sem_alloc : memref<!tpu.dma_semaphore, #tpu.memory_space<semaphore_mem>>
        %dma_start3A = arith.constant 0 : i32
        %dma_start3A_123 = arith.constant 0 : i32
        %dma_start3A_124 = tpu.memref_slice %arg12[%dma_start3A, %dma_start3A_123] : memref<80x16xf32, #tpu.memory_space<vmem>> -> memref<40x16xf32, #tpu.memory_space<vmem>>
        %dma_start3A_125 = arith.constant 0 : i32
        %dma_start3A_126 = tpu.memref_slice %arg14[%add3A_34, %dma_start3A_125] : memref<10000x16xf32, #tpu.memory_space<vmem_shared>> -> memref<40x16xf32, #tpu.memory_space<vmem_shared>>
        %dma_start3A_127 = arith.constant 0 : i32
        %dma_start3A_128 = tpu.memref_slice %arg14[%add3A_34, %dma_start3A_127] : memref<10000x16xf32, #tpu.memory_space<vmem_shared>> -> memref<40x16xf32, #tpu.memory_space<vmem_shared>>
        %dma_start3A_129 = arith.constant 0 : i32
        %dma_start3A_130 = arith.constant 0 : i32
        %dma_start3A_131 = tpu.memref_slice %arg12[%dma_start3A_129, %dma_start3A_130] : memref<80x16xf32, #tpu.memory_space<vmem>> -> memref<40x16xf32, #tpu.memory_space<vmem>>
        tpu.enqueue_dma source(%dma_start3A_131 : memref<40x16xf32, #tpu.memory_space<vmem>>) target(%dma_start3A_128 : memref<40x16xf32, #tpu.memory_space<vmem_shared>>) target_semaphore(%run_scoped3A : memref<!tpu.dma_semaphore, #tpu.memory_space<semaphore_mem>>)
        %dma_wait3A = arith.constant 0 : i32
        %dma_wait3A_132 = arith.constant 0 : i32
        %dma_wait3A_133 = tpu.memref_slice %arg12[%dma_wait3A, %dma_wait3A_132] : memref<80x16xf32, #tpu.memory_space<vmem>> -> memref<40x16xf32, #tpu.memory_space<vmem>>
        %dma_wait3A_134 = arith.constant 0 : i32
        %dma_wait3A_135 = tpu.memref_slice %arg14[%add3A_34, %dma_wait3A_134] : memref<10000x16xf32, #tpu.memory_space<vmem_shared>> -> memref<40x16xf32, #tpu.memory_space<vmem_shared>>
        %dma_wait3A_136 = arith.constant 0 : i32
        %dma_wait3A_137 = tpu.memref_slice %arg14[%add3A_34, %dma_wait3A_136] : memref<10000x16xf32, #tpu.memory_space<vmem_shared>> -> memref<40x16xf32, #tpu.memory_space<vmem_shared>>
        %dma_wait3A_138 = arith.constant 0 : i32
        %dma_wait3A_139 = arith.constant 0 : i32
        %dma_wait3A_140 = tpu.memref_slice %arg12[%dma_wait3A_138, %dma_wait3A_139] : memref<80x16xf32, #tpu.memory_space<vmem>> -> memref<40x16xf32, #tpu.memory_space<vmem>>
        tpu.wait_dma2 semaphore(%run_scoped3A : memref<!tpu.dma_semaphore, #tpu.memory_space<semaphore_mem>>) src(%dma_wait3A_140 : memref<40x16xf32, #tpu.memory_space<vmem>>) dst(%dma_wait3A_137 : memref<40x16xf32, #tpu.memory_space<vmem_shared>>)
        tpu.yield
      }) : () -> ()
      %mul3A_35 = arith.constant 1000 : i32
      %mul3A_36 = arith.muli %arg1, %mul3A_35 : i32
      %add3A_37 = arith.constant 120 : i32
      %add3A_38 = arith.addi %mul3A_36, %add3A_37 : i32
      "tpu.region"() ({
        %run_scoped3A = tpu.sem_alloc : memref<!tpu.dma_semaphore, #tpu.memory_space<semaphore_mem>>
        %dma_start3A = arith.constant 0 : i32
        %dma_start3A_123 = arith.constant 0 : i32
        %dma_start3A_124 = tpu.memref_slice %arg11[%dma_start3A, %dma_start3A_123] : memref<80x128xf32, #tpu.memory_space<vmem>> -> memref<40x128xf32, #tpu.memory_space<vmem>>
        %dma_start3A_125 = arith.constant 0 : i32
        %dma_start3A_126 = tpu.memref_slice %arg13[%add3A_38, %dma_start3A_125] : memref<10000x128xf32, #tpu.memory_space<vmem_shared>> -> memref<40x128xf32, #tpu.memory_space<vmem_shared>>
        %dma_start3A_127 = arith.constant 0 : i32
        %dma_start3A_128 = tpu.memref_slice %arg13[%add3A_38, %dma_start3A_127] : memref<10000x128xf32, #tpu.memory_space<vmem_shared>> -> memref<40x128xf32, #tpu.memory_space<vmem_shared>>
        %dma_start3A_129 = arith.constant 0 : i32
        %dma_start3A_130 = arith.constant 0 : i32
        %dma_start3A_131 = tpu.memref_slice %arg11[%dma_start3A_129, %dma_start3A_130] : memref<80x128xf32, #tpu.memory_space<vmem>> -> memref<40x128xf32, #tpu.memory_space<vmem>>
        tpu.enqueue_dma source(%dma_start3A_131 : memref<40x128xf32, #tpu.memory_space<vmem>>) target(%dma_start3A_128 : memref<40x128xf32, #tpu.memory_space<vmem_shared>>) target_semaphore(%run_scoped3A : memref<!tpu.dma_semaphore, #tpu.memory_space<semaphore_mem>>)
        %dma_wait3A = arith.constant 0 : i32
        %dma_wait3A_132 = arith.constant 0 : i32
        %dma_wait3A_133 = tpu.memref_slice %arg11[%dma_wait3A, %dma_wait3A_132] : memref<80x128xf32, #tpu.memory_space<vmem>> -> memref<40x128xf32, #tpu.memory_space<vmem>>
        %dma_wait3A_134 = arith.constant 0 : i32
        %dma_wait3A_135 = tpu.memref_slice %arg13[%add3A_38, %dma_wait3A_134] : memref<10000x128xf32, #tpu.memory_space<vmem_shared>> -> memref<40x128xf32, #tpu.memory_space<vmem_shared>>
        %dma_wait3A_136 = arith.constant 0 : i32
        %dma_wait3A_137 = tpu.memref_slice %arg13[%add3A_38, %dma_wait3A_136] : memref<10000x128xf32, #tpu.memory_space<vmem_shared>> -> memref<40x128xf32, #tpu.memory_space<vmem_shared>>
        %dma_wait3A_138 = arith.constant 0 : i32
        %dma_wait3A_139 = arith.constant 0 : i32
        %dma_wait3A_140 = tpu.memref_slice %arg11[%dma_wait3A_138, %dma_wait3A_139] : memref<80x128xf32, #tpu.memory_space<vmem>> -> memref<40x128xf32, #tpu.memory_space<vmem>>
        tpu.wait_dma2 semaphore(%run_scoped3A : memref<!tpu.dma_semaphore, #tpu.memory_space<semaphore_mem>>) src(%dma_wait3A_140 : memref<40x128xf32, #tpu.memory_space<vmem>>) dst(%dma_wait3A_137 : memref<40x128xf32, #tpu.memory_space<vmem_shared>>)
        tpu.yield
      }) : () -> ()
      "tpu.region"() ({
        %run_scoped3A = tpu.sem_alloc : memref<!tpu.dma_semaphore, #tpu.memory_space<semaphore_mem>>
        %dma_start3A = arith.constant 0 : i32
        %dma_start3A_123 = arith.constant 0 : i32
        %dma_start3A_124 = tpu.memref_slice %arg12[%dma_start3A, %dma_start3A_123] : memref<80x16xf32, #tpu.memory_space<vmem>> -> memref<40x16xf32, #tpu.memory_space<vmem>>
        %dma_start3A_125 = arith.constant 0 : i32
        %dma_start3A_126 = tpu.memref_slice %arg14[%add3A_38, %dma_start3A_125] : memref<10000x16xf32, #tpu.memory_space<vmem_shared>> -> memref<40x16xf32, #tpu.memory_space<vmem_shared>>
        %dma_start3A_127 = arith.constant 0 : i32
        %dma_start3A_128 = tpu.memref_slice %arg14[%add3A_38, %dma_start3A_127] : memref<10000x16xf32, #tpu.memory_space<vmem_shared>> -> memref<40x16xf32, #tpu.memory_space<vmem_shared>>
        %dma_start3A_129 = arith.constant 0 : i32
        %dma_start3A_130 = arith.constant 0 : i32
        %dma_start3A_131 = tpu.memref_slice %arg12[%dma_start3A_129, %dma_start3A_130] : memref<80x16xf32, #tpu.memory_space<vmem>> -> memref<40x16xf32, #tpu.memory_space<vmem>>
        tpu.enqueue_dma source(%dma_start3A_131 : memref<40x16xf32, #tpu.memory_space<vmem>>) target(%dma_start3A_128 : memref<40x16xf32, #tpu.memory_space<vmem_shared>>) target_semaphore(%run_scoped3A : memref<!tpu.dma_semaphore, #tpu.memory_space<semaphore_mem>>)
        %dma_wait3A = arith.constant 0 : i32
        %dma_wait3A_132 = arith.constant 0 : i32
        %dma_wait3A_133 = tpu.memref_slice %arg12[%dma_wait3A, %dma_wait3A_132] : memref<80x16xf32, #tpu.memory_space<vmem>> -> memref<40x16xf32, #tpu.memory_space<vmem>>
        %dma_wait3A_134 = arith.constant 0 : i32
        %dma_wait3A_135 = tpu.memref_slice %arg14[%add3A_38, %dma_wait3A_134] : memref<10000x16xf32, #tpu.memory_space<vmem_shared>> -> memref<40x16xf32, #tpu.memory_space<vmem_shared>>
        %dma_wait3A_136 = arith.constant 0 : i32
        %dma_wait3A_137 = tpu.memref_slice %arg14[%add3A_38, %dma_wait3A_136] : memref<10000x16xf32, #tpu.memory_space<vmem_shared>> -> memref<40x16xf32, #tpu.memory_space<vmem_shared>>
        %dma_wait3A_138 = arith.constant 0 : i32
        %dma_wait3A_139 = arith.constant 0 : i32
        %dma_wait3A_140 = tpu.memref_slice %arg12[%dma_wait3A_138, %dma_wait3A_139] : memref<80x16xf32, #tpu.memory_space<vmem>> -> memref<40x16xf32, #tpu.memory_space<vmem>>
        tpu.wait_dma2 semaphore(%run_scoped3A : memref<!tpu.dma_semaphore, #tpu.memory_space<semaphore_mem>>) src(%dma_wait3A_140 : memref<40x16xf32, #tpu.memory_space<vmem>>) dst(%dma_wait3A_137 : memref<40x16xf32, #tpu.memory_space<vmem_shared>>)
        tpu.yield
      }) : () -> ()
      %mul3A_39 = arith.constant 1000 : i32
      %mul3A_40 = arith.muli %arg1, %mul3A_39 : i32
      %add3A_41 = arith.constant 160 : i32
      %add3A_42 = arith.addi %mul3A_40, %add3A_41 : i32
      "tpu.region"() ({
        %run_scoped3A = tpu.sem_alloc : memref<!tpu.dma_semaphore, #tpu.memory_space<semaphore_mem>>
        %dma_start3A = arith.constant 0 : i32
        %dma_start3A_123 = arith.constant 0 : i32
        %dma_start3A_124 = tpu.memref_slice %arg11[%dma_start3A, %dma_start3A_123] : memref<80x128xf32, #tpu.memory_space<vmem>> -> memref<40x128xf32, #tpu.memory_space<vmem>>
        %dma_start3A_125 = arith.constant 0 : i32
        %dma_start3A_126 = tpu.memref_slice %arg13[%add3A_42, %dma_start3A_125] : memref<10000x128xf32, #tpu.memory_space<vmem_shared>> -> memref<40x128xf32, #tpu.memory_space<vmem_shared>>
        %dma_start3A_127 = arith.constant 0 : i32
        %dma_start3A_128 = tpu.memref_slice %arg13[%add3A_42, %dma_start3A_127] : memref<10000x128xf32, #tpu.memory_space<vmem_shared>> -> memref<40x128xf32, #tpu.memory_space<vmem_shared>>
        %dma_start3A_129 = arith.constant 0 : i32
        %dma_start3A_130 = arith.constant 0 : i32
        %dma_start3A_131 = tpu.memref_slice %arg11[%dma_start3A_129, %dma_start3A_130] : memref<80x128xf32, #tpu.memory_space<vmem>> -> memref<40x128xf32, #tpu.memory_space<vmem>>
        tpu.enqueue_dma source(%dma_start3A_131 : memref<40x128xf32, #tpu.memory_space<vmem>>) target(%dma_start3A_128 : memref<40x128xf32, #tpu.memory_space<vmem_shared>>) target_semaphore(%run_scoped3A : memref<!tpu.dma_semaphore, #tpu.memory_space<semaphore_mem>>)
        %dma_wait3A = arith.constant 0 : i32
        %dma_wait3A_132 = arith.constant 0 : i32
        %dma_wait3A_133 = tpu.memref_slice %arg11[%dma_wait3A, %dma_wait3A_132] : memref<80x128xf32, #tpu.memory_space<vmem>> -> memref<40x128xf32, #tpu.memory_space<vmem>>
        %dma_wait3A_134 = arith.constant 0 : i32
        %dma_wait3A_135 = tpu.memref_slice %arg13[%add3A_42, %dma_wait3A_134] : memref<10000x128xf32, #tpu.memory_space<vmem_shared>> -> memref<40x128xf32, #tpu.memory_space<vmem_shared>>
        %dma_wait3A_136 = arith.constant 0 : i32
        %dma_wait3A_137 = tpu.memref_slice %arg13[%add3A_42, %dma_wait3A_136] : memref<10000x128xf32, #tpu.memory_space<vmem_shared>> -> memref<40x128xf32, #tpu.memory_space<vmem_shared>>
        %dma_wait3A_138 = arith.constant 0 : i32
        %dma_wait3A_139 = arith.constant 0 : i32
        %dma_wait3A_140 = tpu.memref_slice %arg11[%dma_wait3A_138, %dma_wait3A_139] : memref<80x128xf32, #tpu.memory_space<vmem>> -> memref<40x128xf32, #tpu.memory_space<vmem>>
        tpu.wait_dma2 semaphore(%run_scoped3A : memref<!tpu.dma_semaphore, #tpu.memory_space<semaphore_mem>>) src(%dma_wait3A_140 : memref<40x128xf32, #tpu.memory_space<vmem>>) dst(%dma_wait3A_137 : memref<40x128xf32, #tpu.memory_space<vmem_shared>>)
        tpu.yield
      }) : () -> ()
      "tpu.region"() ({
        %run_scoped3A = tpu.sem_alloc : memref<!tpu.dma_semaphore, #tpu.memory_space<semaphore_mem>>
        %dma_start3A = arith.constant 0 : i32
        %dma_start3A_123 = arith.constant 0 : i32
        %dma_start3A_124 = tpu.memref_slice %arg12[%dma_start3A, %dma_start3A_123] : memref<80x16xf32, #tpu.memory_space<vmem>> -> memref<40x16xf32, #tpu.memory_space<vmem>>
        %dma_start3A_125 = arith.constant 0 : i32
        %dma_start3A_126 = tpu.memref_slice %arg14[%add3A_42, %dma_start3A_125] : memref<10000x16xf32, #tpu.memory_space<vmem_shared>> -> memref<40x16xf32, #tpu.memory_space<vmem_shared>>
        %dma_start3A_127 = arith.constant 0 : i32
        %dma_start3A_128 = tpu.memref_slice %arg14[%add3A_42, %dma_start3A_127] : memref<10000x16xf32, #tpu.memory_space<vmem_shared>> -> memref<40x16xf32, #tpu.memory_space<vmem_shared>>
        %dma_start3A_129 = arith.constant 0 : i32
        %dma_start3A_130 = arith.constant 0 : i32
        %dma_start3A_131 = tpu.memref_slice %arg12[%dma_start3A_129, %dma_start3A_130] : memref<80x16xf32, #tpu.memory_space<vmem>> -> memref<40x16xf32, #tpu.memory_space<vmem>>
        tpu.enqueue_dma source(%dma_start3A_131 : memref<40x16xf32, #tpu.memory_space<vmem>>) target(%dma_start3A_128 : memref<40x16xf32, #tpu.memory_space<vmem_shared>>) target_semaphore(%run_scoped3A : memref<!tpu.dma_semaphore, #tpu.memory_space<semaphore_mem>>)
        %dma_wait3A = arith.constant 0 : i32
        %dma_wait3A_132 = arith.constant 0 : i32
        %dma_wait3A_133 = tpu.memref_slice %arg12[%dma_wait3A, %dma_wait3A_132] : memref<80x16xf32, #tpu.memory_space<vmem>> -> memref<40x16xf32, #tpu.memory_space<vmem>>
        %dma_wait3A_134 = arith.constant 0 : i32
        %dma_wait3A_135 = tpu.memref_slice %arg14[%add3A_42, %dma_wait3A_134] : memref<10000x16xf32, #tpu.memory_space<vmem_shared>> -> memref<40x16xf32, #tpu.memory_space<vmem_shared>>
        %dma_wait3A_136 = arith.constant 0 : i32
        %dma_wait3A_137 = tpu.memref_slice %arg14[%add3A_42, %dma_wait3A_136] : memref<10000x16xf32, #tpu.memory_space<vmem_shared>> -> memref<40x16xf32, #tpu.memory_space<vmem_shared>>
        %dma_wait3A_138 = arith.constant 0 : i32
        %dma_wait3A_139 = arith.constant 0 : i32
        %dma_wait3A_140 = tpu.memref_slice %arg12[%dma_wait3A_138, %dma_wait3A_139] : memref<80x16xf32, #tpu.memory_space<vmem>> -> memref<40x16xf32, #tpu.memory_space<vmem>>
        tpu.wait_dma2 semaphore(%run_scoped3A : memref<!tpu.dma_semaphore, #tpu.memory_space<semaphore_mem>>) src(%dma_wait3A_140 : memref<40x16xf32, #tpu.memory_space<vmem>>) dst(%dma_wait3A_137 : memref<40x16xf32, #tpu.memory_space<vmem_shared>>)
        tpu.yield
      }) : () -> ()
      %mul3A_43 = arith.constant 1000 : i32
      %mul3A_44 = arith.muli %arg1, %mul3A_43 : i32
      %add3A_45 = arith.constant 200 : i32
      %add3A_46 = arith.addi %mul3A_44, %add3A_45 : i32
      "tpu.region"() ({
        %run_scoped3A = tpu.sem_alloc : memref<!tpu.dma_semaphore, #tpu.memory_space<semaphore_mem>>
        %dma_start3A = arith.constant 0 : i32
        %dma_start3A_123 = arith.constant 0 : i32
        %dma_start3A_124 = tpu.memref_slice %arg11[%dma_start3A, %dma_start3A_123] : memref<80x128xf32, #tpu.memory_space<vmem>> -> memref<40x128xf32, #tpu.memory_space<vmem>>
        %dma_start3A_125 = arith.constant 0 : i32
        %dma_start3A_126 = tpu.memref_slice %arg13[%add3A_46, %dma_start3A_125] : memref<10000x128xf32, #tpu.memory_space<vmem_shared>> -> memref<40x128xf32, #tpu.memory_space<vmem_shared>>
        %dma_start3A_127 = arith.constant 0 : i32
        %dma_start3A_128 = tpu.memref_slice %arg13[%add3A_46, %dma_start3A_127] : memref<10000x128xf32, #tpu.memory_space<vmem_shared>> -> memref<40x128xf32, #tpu.memory_space<vmem_shared>>
        %dma_start3A_129 = arith.constant 0 : i32
        %dma_start3A_130 = arith.constant 0 : i32
        %dma_start3A_131 = tpu.memref_slice %arg11[%dma_start3A_129, %dma_start3A_130] : memref<80x128xf32, #tpu.memory_space<vmem>> -> memref<40x128xf32, #tpu.memory_space<vmem>>
        tpu.enqueue_dma source(%dma_start3A_131 : memref<40x128xf32, #tpu.memory_space<vmem>>) target(%dma_start3A_128 : memref<40x128xf32, #tpu.memory_space<vmem_shared>>) target_semaphore(%run_scoped3A : memref<!tpu.dma_semaphore, #tpu.memory_space<semaphore_mem>>)
        %dma_wait3A = arith.constant 0 : i32
        %dma_wait3A_132 = arith.constant 0 : i32
        %dma_wait3A_133 = tpu.memref_slice %arg11[%dma_wait3A, %dma_wait3A_132] : memref<80x128xf32, #tpu.memory_space<vmem>> -> memref<40x128xf32, #tpu.memory_space<vmem>>
        %dma_wait3A_134 = arith.constant 0 : i32
        %dma_wait3A_135 = tpu.memref_slice %arg13[%add3A_46, %dma_wait3A_134] : memref<10000x128xf32, #tpu.memory_space<vmem_shared>> -> memref<40x128xf32, #tpu.memory_space<vmem_shared>>
        %dma_wait3A_136 = arith.constant 0 : i32
        %dma_wait3A_137 = tpu.memref_slice %arg13[%add3A_46, %dma_wait3A_136] : memref<10000x128xf32, #tpu.memory_space<vmem_shared>> -> memref<40x128xf32, #tpu.memory_space<vmem_shared>>
        %dma_wait3A_138 = arith.constant 0 : i32
        %dma_wait3A_139 = arith.constant 0 : i32
        %dma_wait3A_140 = tpu.memref_slice %arg11[%dma_wait3A_138, %dma_wait3A_139] : memref<80x128xf32, #tpu.memory_space<vmem>> -> memref<40x128xf32, #tpu.memory_space<vmem>>
        tpu.wait_dma2 semaphore(%run_scoped3A : memref<!tpu.dma_semaphore, #tpu.memory_space<semaphore_mem>>) src(%dma_wait3A_140 : memref<40x128xf32, #tpu.memory_space<vmem>>) dst(%dma_wait3A_137 : memref<40x128xf32, #tpu.memory_space<vmem_shared>>)
        tpu.yield
      }) : () -> ()
      "tpu.region"() ({
        %run_scoped3A = tpu.sem_alloc : memref<!tpu.dma_semaphore, #tpu.memory_space<semaphore_mem>>
        %dma_start3A = arith.constant 0 : i32
        %dma_start3A_123 = arith.constant 0 : i32
        %dma_start3A_124 = tpu.memref_slice %arg12[%dma_start3A, %dma_start3A_123] : memref<80x16xf32, #tpu.memory_space<vmem>> -> memref<40x16xf32, #tpu.memory_space<vmem>>
        %dma_start3A_125 = arith.constant 0 : i32
        %dma_start3A_126 = tpu.memref_slice %arg14[%add3A_46, %dma_start3A_125] : memref<10000x16xf32, #tpu.memory_space<vmem_shared>> -> memref<40x16xf32, #tpu.memory_space<vmem_shared>>
        %dma_start3A_127 = arith.constant 0 : i32
        %dma_start3A_128 = tpu.memref_slice %arg14[%add3A_46, %dma_start3A_127] : memref<10000x16xf32, #tpu.memory_space<vmem_shared>> -> memref<40x16xf32, #tpu.memory_space<vmem_shared>>
        %dma_start3A_129 = arith.constant 0 : i32
        %dma_start3A_130 = arith.constant 0 : i32
        %dma_start3A_131 = tpu.memref_slice %arg12[%dma_start3A_129, %dma_start3A_130] : memref<80x16xf32, #tpu.memory_space<vmem>> -> memref<40x16xf32, #tpu.memory_space<vmem>>
        tpu.enqueue_dma source(%dma_start3A_131 : memref<40x16xf32, #tpu.memory_space<vmem>>) target(%dma_start3A_128 : memref<40x16xf32, #tpu.memory_space<vmem_shared>>) target_semaphore(%run_scoped3A : memref<!tpu.dma_semaphore, #tpu.memory_space<semaphore_mem>>)
        %dma_wait3A = arith.constant 0 : i32
        %dma_wait3A_132 = arith.constant 0 : i32
        %dma_wait3A_133 = tpu.memref_slice %arg12[%dma_wait3A, %dma_wait3A_132] : memref<80x16xf32, #tpu.memory_space<vmem>> -> memref<40x16xf32, #tpu.memory_space<vmem>>
        %dma_wait3A_134 = arith.constant 0 : i32
        %dma_wait3A_135 = tpu.memref_slice %arg14[%add3A_46, %dma_wait3A_134] : memref<10000x16xf32, #tpu.memory_space<vmem_shared>> -> memref<40x16xf32, #tpu.memory_space<vmem_shared>>
        %dma_wait3A_136 = arith.constant 0 : i32
        %dma_wait3A_137 = tpu.memref_slice %arg14[%add3A_46, %dma_wait3A_136] : memref<10000x16xf32, #tpu.memory_space<vmem_shared>> -> memref<40x16xf32, #tpu.memory_space<vmem_shared>>
        %dma_wait3A_138 = arith.constant 0 : i32
        %dma_wait3A_139 = arith.constant 0 : i32
        %dma_wait3A_140 = tpu.memref_slice %arg12[%dma_wait3A_138, %dma_wait3A_139] : memref<80x16xf32, #tpu.memory_space<vmem>> -> memref<40x16xf32, #tpu.memory_space<vmem>>
        tpu.wait_dma2 semaphore(%run_scoped3A : memref<!tpu.dma_semaphore, #tpu.memory_space<semaphore_mem>>) src(%dma_wait3A_140 : memref<40x16xf32, #tpu.memory_space<vmem>>) dst(%dma_wait3A_137 : memref<40x16xf32, #tpu.memory_space<vmem_shared>>)
        tpu.yield
      }) : () -> ()
      %mul3A_47 = arith.constant 1000 : i32
      %mul3A_48 = arith.muli %arg1, %mul3A_47 : i32
      %add3A_49 = arith.constant 240 : i32
      %add3A_50 = arith.addi %mul3A_48, %add3A_49 : i32
      "tpu.region"() ({
        %run_scoped3A = tpu.sem_alloc : memref<!tpu.dma_semaphore, #tpu.memory_space<semaphore_mem>>
        %dma_start3A = arith.constant 0 : i32
        %dma_start3A_123 = arith.constant 0 : i32
        %dma_start3A_124 = tpu.memref_slice %arg11[%dma_start3A, %dma_start3A_123] : memref<80x128xf32, #tpu.memory_space<vmem>> -> memref<40x128xf32, #tpu.memory_space<vmem>>
        %dma_start3A_125 = arith.constant 0 : i32
        %dma_start3A_126 = tpu.memref_slice %arg13[%add3A_50, %dma_start3A_125] : memref<10000x128xf32, #tpu.memory_space<vmem_shared>> -> memref<40x128xf32, #tpu.memory_space<vmem_shared>>
        %dma_start3A_127 = arith.constant 0 : i32
        %dma_start3A_128 = tpu.memref_slice %arg13[%add3A_50, %dma_start3A_127] : memref<10000x128xf32, #tpu.memory_space<vmem_shared>> -> memref<40x128xf32, #tpu.memory_space<vmem_shared>>
        %dma_start3A_129 = arith.constant 0 : i32
        %dma_start3A_130 = arith.constant 0 : i32
        %dma_start3A_131 = tpu.memref_slice %arg11[%dma_start3A_129, %dma_start3A_130] : memref<80x128xf32, #tpu.memory_space<vmem>> -> memref<40x128xf32, #tpu.memory_space<vmem>>
        tpu.enqueue_dma source(%dma_start3A_131 : memref<40x128xf32, #tpu.memory_space<vmem>>) target(%dma_start3A_128 : memref<40x128xf32, #tpu.memory_space<vmem_shared>>) target_semaphore(%run_scoped3A : memref<!tpu.dma_semaphore, #tpu.memory_space<semaphore_mem>>)
        %dma_wait3A = arith.constant 0 : i32
        %dma_wait3A_132 = arith.constant 0 : i32
        %dma_wait3A_133 = tpu.memref_slice %arg11[%dma_wait3A, %dma_wait3A_132] : memref<80x128xf32, #tpu.memory_space<vmem>> -> memref<40x128xf32, #tpu.memory_space<vmem>>
        %dma_wait3A_134 = arith.constant 0 : i32
        %dma_wait3A_135 = tpu.memref_slice %arg13[%add3A_50, %dma_wait3A_134] : memref<10000x128xf32, #tpu.memory_space<vmem_shared>> -> memref<40x128xf32, #tpu.memory_space<vmem_shared>>
        %dma_wait3A_136 = arith.constant 0 : i32
        %dma_wait3A_137 = tpu.memref_slice %arg13[%add3A_50, %dma_wait3A_136] : memref<10000x128xf32, #tpu.memory_space<vmem_shared>> -> memref<40x128xf32, #tpu.memory_space<vmem_shared>>
        %dma_wait3A_138 = arith.constant 0 : i32
        %dma_wait3A_139 = arith.constant 0 : i32
        %dma_wait3A_140 = tpu.memref_slice %arg11[%dma_wait3A_138, %dma_wait3A_139] : memref<80x128xf32, #tpu.memory_space<vmem>> -> memref<40x128xf32, #tpu.memory_space<vmem>>
        tpu.wait_dma2 semaphore(%run_scoped3A : memref<!tpu.dma_semaphore, #tpu.memory_space<semaphore_mem>>) src(%dma_wait3A_140 : memref<40x128xf32, #tpu.memory_space<vmem>>) dst(%dma_wait3A_137 : memref<40x128xf32, #tpu.memory_space<vmem_shared>>)
        tpu.yield
      }) : () -> ()
      "tpu.region"() ({
        %run_scoped3A = tpu.sem_alloc : memref<!tpu.dma_semaphore, #tpu.memory_space<semaphore_mem>>
        %dma_start3A = arith.constant 0 : i32
        %dma_start3A_123 = arith.constant 0 : i32
        %dma_start3A_124 = tpu.memref_slice %arg12[%dma_start3A, %dma_start3A_123] : memref<80x16xf32, #tpu.memory_space<vmem>> -> memref<40x16xf32, #tpu.memory_space<vmem>>
        %dma_start3A_125 = arith.constant 0 : i32
        %dma_start3A_126 = tpu.memref_slice %arg14[%add3A_50, %dma_start3A_125] : memref<10000x16xf32, #tpu.memory_space<vmem_shared>> -> memref<40x16xf32, #tpu.memory_space<vmem_shared>>
        %dma_start3A_127 = arith.constant 0 : i32
        %dma_start3A_128 = tpu.memref_slice %arg14[%add3A_50, %dma_start3A_127] : memref<10000x16xf32, #tpu.memory_space<vmem_shared>> -> memref<40x16xf32, #tpu.memory_space<vmem_shared>>
        %dma_start3A_129 = arith.constant 0 : i32
        %dma_start3A_130 = arith.constant 0 : i32
        %dma_start3A_131 = tpu.memref_slice %arg12[%dma_start3A_129, %dma_start3A_130] : memref<80x16xf32, #tpu.memory_space<vmem>> -> memref<40x16xf32, #tpu.memory_space<vmem>>
        tpu.enqueue_dma source(%dma_start3A_131 : memref<40x16xf32, #tpu.memory_space<vmem>>) target(%dma_start3A_128 : memref<40x16xf32, #tpu.memory_space<vmem_shared>>) target_semaphore(%run_scoped3A : memref<!tpu.dma_semaphore, #tpu.memory_space<semaphore_mem>>)
        %dma_wait3A = arith.constant 0 : i32
        %dma_wait3A_132 = arith.constant 0 : i32
        %dma_wait3A_133 = tpu.memref_slice %arg12[%dma_wait3A, %dma_wait3A_132] : memref<80x16xf32, #tpu.memory_space<vmem>> -> memref<40x16xf32, #tpu.memory_space<vmem>>
        %dma_wait3A_134 = arith.constant 0 : i32
        %dma_wait3A_135 = tpu.memref_slice %arg14[%add3A_50, %dma_wait3A_134] : memref<10000x16xf32, #tpu.memory_space<vmem_shared>> -> memref<40x16xf32, #tpu.memory_space<vmem_shared>>
        %dma_wait3A_136 = arith.constant 0 : i32
        %dma_wait3A_137 = tpu.memref_slice %arg14[%add3A_50, %dma_wait3A_136] : memref<10000x16xf32, #tpu.memory_space<vmem_shared>> -> memref<40x16xf32, #tpu.memory_space<vmem_shared>>
        %dma_wait3A_138 = arith.constant 0 : i32
        %dma_wait3A_139 = arith.constant 0 : i32
        %dma_wait3A_140 = tpu.memref_slice %arg12[%dma_wait3A_138, %dma_wait3A_139] : memref<80x16xf32, #tpu.memory_space<vmem>> -> memref<40x16xf32, #tpu.memory_space<vmem>>
        tpu.wait_dma2 semaphore(%run_scoped3A : memref<!tpu.dma_semaphore, #tpu.memory_space<semaphore_mem>>) src(%dma_wait3A_140 : memref<40x16xf32, #tpu.memory_space<vmem>>) dst(%dma_wait3A_137 : memref<40x16xf32, #tpu.memory_space<vmem_shared>>)
        tpu.yield
      }) : () -> ()
      %mul3A_51 = arith.constant 1000 : i32
      %mul3A_52 = arith.muli %arg1, %mul3A_51 : i32
      %add3A_53 = arith.constant 280 : i32
      %add3A_54 = arith.addi %mul3A_52, %add3A_53 : i32
      "tpu.region"() ({
        %run_scoped3A = tpu.sem_alloc : memref<!tpu.dma_semaphore, #tpu.memory_space<semaphore_mem>>
        %dma_start3A = arith.constant 0 : i32
        %dma_start3A_123 = arith.constant 0 : i32
        %dma_start3A_124 = tpu.memref_slice %arg11[%dma_start3A, %dma_start3A_123] : memref<80x128xf32, #tpu.memory_space<vmem>> -> memref<40x128xf32, #tpu.memory_space<vmem>>
        %dma_start3A_125 = arith.constant 0 : i32
        %dma_start3A_126 = tpu.memref_slice %arg13[%add3A_54, %dma_start3A_125] : memref<10000x128xf32, #tpu.memory_space<vmem_shared>> -> memref<40x128xf32, #tpu.memory_space<vmem_shared>>
        %dma_start3A_127 = arith.constant 0 : i32
        %dma_start3A_128 = tpu.memref_slice %arg13[%add3A_54, %dma_start3A_127] : memref<10000x128xf32, #tpu.memory_space<vmem_shared>> -> memref<40x128xf32, #tpu.memory_space<vmem_shared>>
        %dma_start3A_129 = arith.constant 0 : i32
        %dma_start3A_130 = arith.constant 0 : i32
        %dma_start3A_131 = tpu.memref_slice %arg11[%dma_start3A_129, %dma_start3A_130] : memref<80x128xf32, #tpu.memory_space<vmem>> -> memref<40x128xf32, #tpu.memory_space<vmem>>
        tpu.enqueue_dma source(%dma_start3A_131 : memref<40x128xf32, #tpu.memory_space<vmem>>) target(%dma_start3A_128 : memref<40x128xf32, #tpu.memory_space<vmem_shared>>) target_semaphore(%run_scoped3A : memref<!tpu.dma_semaphore, #tpu.memory_space<semaphore_mem>>)
        %dma_wait3A = arith.constant 0 : i32
        %dma_wait3A_132 = arith.constant 0 : i32
        %dma_wait3A_133 = tpu.memref_slice %arg11[%dma_wait3A, %dma_wait3A_132] : memref<80x128xf32, #tpu.memory_space<vmem>> -> memref<40x128xf32, #tpu.memory_space<vmem>>
        %dma_wait3A_134 = arith.constant 0 : i32
        %dma_wait3A_135 = tpu.memref_slice %arg13[%add3A_54, %dma_wait3A_134] : memref<10000x128xf32, #tpu.memory_space<vmem_shared>> -> memref<40x128xf32, #tpu.memory_space<vmem_shared>>
        %dma_wait3A_136 = arith.constant 0 : i32
        %dma_wait3A_137 = tpu.memref_slice %arg13[%add3A_54, %dma_wait3A_136] : memref<10000x128xf32, #tpu.memory_space<vmem_shared>> -> memref<40x128xf32, #tpu.memory_space<vmem_shared>>
        %dma_wait3A_138 = arith.constant 0 : i32
        %dma_wait3A_139 = arith.constant 0 : i32
        %dma_wait3A_140 = tpu.memref_slice %arg11[%dma_wait3A_138, %dma_wait3A_139] : memref<80x128xf32, #tpu.memory_space<vmem>> -> memref<40x128xf32, #tpu.memory_space<vmem>>
        tpu.wait_dma2 semaphore(%run_scoped3A : memref<!tpu.dma_semaphore, #tpu.memory_space<semaphore_mem>>) src(%dma_wait3A_140 : memref<40x128xf32, #tpu.memory_space<vmem>>) dst(%dma_wait3A_137 : memref<40x128xf32, #tpu.memory_space<vmem_shared>>)
        tpu.yield
      }) : () -> ()
      "tpu.region"() ({
        %run_scoped3A = tpu.sem_alloc : memref<!tpu.dma_semaphore, #tpu.memory_space<semaphore_mem>>
        %dma_start3A = arith.constant 0 : i32
        %dma_start3A_123 = arith.constant 0 : i32
        %dma_start3A_124 = tpu.memref_slice %arg12[%dma_start3A, %dma_start3A_123] : memref<80x16xf32, #tpu.memory_space<vmem>> -> memref<40x16xf32, #tpu.memory_space<vmem>>
        %dma_start3A_125 = arith.constant 0 : i32
        %dma_start3A_126 = tpu.memref_slice %arg14[%add3A_54, %dma_start3A_125] : memref<10000x16xf32, #tpu.memory_space<vmem_shared>> -> memref<40x16xf32, #tpu.memory_space<vmem_shared>>
        %dma_start3A_127 = arith.constant 0 : i32
        %dma_start3A_128 = tpu.memref_slice %arg14[%add3A_54, %dma_start3A_127] : memref<10000x16xf32, #tpu.memory_space<vmem_shared>> -> memref<40x16xf32, #tpu.memory_space<vmem_shared>>
        %dma_start3A_129 = arith.constant 0 : i32
        %dma_start3A_130 = arith.constant 0 : i32
        %dma_start3A_131 = tpu.memref_slice %arg12[%dma_start3A_129, %dma_start3A_130] : memref<80x16xf32, #tpu.memory_space<vmem>> -> memref<40x16xf32, #tpu.memory_space<vmem>>
        tpu.enqueue_dma source(%dma_start3A_131 : memref<40x16xf32, #tpu.memory_space<vmem>>) target(%dma_start3A_128 : memref<40x16xf32, #tpu.memory_space<vmem_shared>>) target_semaphore(%run_scoped3A : memref<!tpu.dma_semaphore, #tpu.memory_space<semaphore_mem>>)
        %dma_wait3A = arith.constant 0 : i32
        %dma_wait3A_132 = arith.constant 0 : i32
        %dma_wait3A_133 = tpu.memref_slice %arg12[%dma_wait3A, %dma_wait3A_132] : memref<80x16xf32, #tpu.memory_space<vmem>> -> memref<40x16xf32, #tpu.memory_space<vmem>>
        %dma_wait3A_134 = arith.constant 0 : i32
        %dma_wait3A_135 = tpu.memref_slice %arg14[%add3A_54, %dma_wait3A_134] : memref<10000x16xf32, #tpu.memory_space<vmem_shared>> -> memref<40x16xf32, #tpu.memory_space<vmem_shared>>
        %dma_wait3A_136 = arith.constant 0 : i32
        %dma_wait3A_137 = tpu.memref_slice %arg14[%add3A_54, %dma_wait3A_136] : memref<10000x16xf32, #tpu.memory_space<vmem_shared>> -> memref<40x16xf32, #tpu.memory_space<vmem_shared>>
        %dma_wait3A_138 = arith.constant 0 : i32
        %dma_wait3A_139 = arith.constant 0 : i32
        %dma_wait3A_140 = tpu.memref_slice %arg12[%dma_wait3A_138, %dma_wait3A_139] : memref<80x16xf32, #tpu.memory_space<vmem>> -> memref<40x16xf32, #tpu.memory_space<vmem>>
        tpu.wait_dma2 semaphore(%run_scoped3A : memref<!tpu.dma_semaphore, #tpu.memory_space<semaphore_mem>>) src(%dma_wait3A_140 : memref<40x16xf32, #tpu.memory_space<vmem>>) dst(%dma_wait3A_137 : memref<40x16xf32, #tpu.memory_space<vmem_shared>>)
        tpu.yield
      }) : () -> ()
      %mul3A_55 = arith.constant 1000 : i32
      %mul3A_56 = arith.muli %arg1, %mul3A_55 : i32
      %add3A_57 = arith.constant 320 : i32
      %add3A_58 = arith.addi %mul3A_56, %add3A_57 : i32
      "tpu.region"() ({
        %run_scoped3A = tpu.sem_alloc : memref<!tpu.dma_semaphore, #tpu.memory_space<semaphore_mem>>
        %dma_start3A = arith.constant 0 : i32
        %dma_start3A_123 = arith.constant 0 : i32
        %dma_start3A_124 = tpu.memref_slice %arg11[%dma_start3A, %dma_start3A_123] : memref<80x128xf32, #tpu.memory_space<vmem>> -> memref<40x128xf32, #tpu.memory_space<vmem>>
        %dma_start3A_125 = arith.constant 0 : i32
        %dma_start3A_126 = tpu.memref_slice %arg13[%add3A_58, %dma_start3A_125] : memref<10000x128xf32, #tpu.memory_space<vmem_shared>> -> memref<40x128xf32, #tpu.memory_space<vmem_shared>>
        %dma_start3A_127 = arith.constant 0 : i32
        %dma_start3A_128 = tpu.memref_slice %arg13[%add3A_58, %dma_start3A_127] : memref<10000x128xf32, #tpu.memory_space<vmem_shared>> -> memref<40x128xf32, #tpu.memory_space<vmem_shared>>
        %dma_start3A_129 = arith.constant 0 : i32
        %dma_start3A_130 = arith.constant 0 : i32
        %dma_start3A_131 = tpu.memref_slice %arg11[%dma_start3A_129, %dma_start3A_130] : memref<80x128xf32, #tpu.memory_space<vmem>> -> memref<40x128xf32, #tpu.memory_space<vmem>>
        tpu.enqueue_dma source(%dma_start3A_131 : memref<40x128xf32, #tpu.memory_space<vmem>>) target(%dma_start3A_128 : memref<40x128xf32, #tpu.memory_space<vmem_shared>>) target_semaphore(%run_scoped3A : memref<!tpu.dma_semaphore, #tpu.memory_space<semaphore_mem>>)
        %dma_wait3A = arith.constant 0 : i32
        %dma_wait3A_132 = arith.constant 0 : i32
        %dma_wait3A_133 = tpu.memref_slice %arg11[%dma_wait3A, %dma_wait3A_132] : memref<80x128xf32, #tpu.memory_space<vmem>> -> memref<40x128xf32, #tpu.memory_space<vmem>>
        %dma_wait3A_134 = arith.constant 0 : i32
        %dma_wait3A_135 = tpu.memref_slice %arg13[%add3A_58, %dma_wait3A_134] : memref<10000x128xf32, #tpu.memory_space<vmem_shared>> -> memref<40x128xf32, #tpu.memory_space<vmem_shared>>
        %dma_wait3A_136 = arith.constant 0 : i32
        %dma_wait3A_137 = tpu.memref_slice %arg13[%add3A_58, %dma_wait3A_136] : memref<10000x128xf32, #tpu.memory_space<vmem_shared>> -> memref<40x128xf32, #tpu.memory_space<vmem_shared>>
        %dma_wait3A_138 = arith.constant 0 : i32
        %dma_wait3A_139 = arith.constant 0 : i32
        %dma_wait3A_140 = tpu.memref_slice %arg11[%dma_wait3A_138, %dma_wait3A_139] : memref<80x128xf32, #tpu.memory_space<vmem>> -> memref<40x128xf32, #tpu.memory_space<vmem>>
        tpu.wait_dma2 semaphore(%run_scoped3A : memref<!tpu.dma_semaphore, #tpu.memory_space<semaphore_mem>>) src(%dma_wait3A_140 : memref<40x128xf32, #tpu.memory_space<vmem>>) dst(%dma_wait3A_137 : memref<40x128xf32, #tpu.memory_space<vmem_shared>>)
        tpu.yield
      }) : () -> ()
      "tpu.region"() ({
        %run_scoped3A = tpu.sem_alloc : memref<!tpu.dma_semaphore, #tpu.memory_space<semaphore_mem>>
        %dma_start3A = arith.constant 0 : i32
        %dma_start3A_123 = arith.constant 0 : i32
        %dma_start3A_124 = tpu.memref_slice %arg12[%dma_start3A, %dma_start3A_123] : memref<80x16xf32, #tpu.memory_space<vmem>> -> memref<40x16xf32, #tpu.memory_space<vmem>>
        %dma_start3A_125 = arith.constant 0 : i32
        %dma_start3A_126 = tpu.memref_slice %arg14[%add3A_58, %dma_start3A_125] : memref<10000x16xf32, #tpu.memory_space<vmem_shared>> -> memref<40x16xf32, #tpu.memory_space<vmem_shared>>
        %dma_start3A_127 = arith.constant 0 : i32
        %dma_start3A_128 = tpu.memref_slice %arg14[%add3A_58, %dma_start3A_127] : memref<10000x16xf32, #tpu.memory_space<vmem_shared>> -> memref<40x16xf32, #tpu.memory_space<vmem_shared>>
        %dma_start3A_129 = arith.constant 0 : i32
        %dma_start3A_130 = arith.constant 0 : i32
        %dma_start3A_131 = tpu.memref_slice %arg12[%dma_start3A_129, %dma_start3A_130] : memref<80x16xf32, #tpu.memory_space<vmem>> -> memref<40x16xf32, #tpu.memory_space<vmem>>
        tpu.enqueue_dma source(%dma_start3A_131 : memref<40x16xf32, #tpu.memory_space<vmem>>) target(%dma_start3A_128 : memref<40x16xf32, #tpu.memory_space<vmem_shared>>) target_semaphore(%run_scoped3A : memref<!tpu.dma_semaphore, #tpu.memory_space<semaphore_mem>>)
        %dma_wait3A = arith.constant 0 : i32
        %dma_wait3A_132 = arith.constant 0 : i32
        %dma_wait3A_133 = tpu.memref_slice %arg12[%dma_wait3A, %dma_wait3A_132] : memref<80x16xf32, #tpu.memory_space<vmem>> -> memref<40x16xf32, #tpu.memory_space<vmem>>
        %dma_wait3A_134 = arith.constant 0 : i32
        %dma_wait3A_135 = tpu.memref_slice %arg14[%add3A_58, %dma_wait3A_134] : memref<10000x16xf32, #tpu.memory_space<vmem_shared>> -> memref<40x16xf32, #tpu.memory_space<vmem_shared>>
        %dma_wait3A_136 = arith.constant 0 : i32
        %dma_wait3A_137 = tpu.memref_slice %arg14[%add3A_58, %dma_wait3A_136] : memref<10000x16xf32, #tpu.memory_space<vmem_shared>> -> memref<40x16xf32, #tpu.memory_space<vmem_shared>>
        %dma_wait3A_138 = arith.constant 0 : i32
        %dma_wait3A_139 = arith.constant 0 : i32
        %dma_wait3A_140 = tpu.memref_slice %arg12[%dma_wait3A_138, %dma_wait3A_139] : memref<80x16xf32, #tpu.memory_space<vmem>> -> memref<40x16xf32, #tpu.memory_space<vmem>>
        tpu.wait_dma2 semaphore(%run_scoped3A : memref<!tpu.dma_semaphore, #tpu.memory_space<semaphore_mem>>) src(%dma_wait3A_140 : memref<40x16xf32, #tpu.memory_space<vmem>>) dst(%dma_wait3A_137 : memref<40x16xf32, #tpu.memory_space<vmem_shared>>)
        tpu.yield
      }) : () -> ()
      %mul3A_59 = arith.constant 1000 : i32
      %mul3A_60 = arith.muli %arg1, %mul3A_59 : i32
      %add3A_61 = arith.constant 360 : i32
      %add3A_62 = arith.addi %mul3A_60, %add3A_61 : i32
      "tpu.region"() ({
        %run_scoped3A = tpu.sem_alloc : memref<!tpu.dma_semaphore, #tpu.memory_space<semaphore_mem>>
        %dma_start3A = arith.constant 0 : i32
        %dma_start3A_123 = arith.constant 0 : i32
        %dma_start3A_124 = tpu.memref_slice %arg11[%dma_start3A, %dma_start3A_123] : memref<80x128xf32, #tpu.memory_space<vmem>> -> memref<40x128xf32, #tpu.memory_space<vmem>>
        %dma_start3A_125 = arith.constant 0 : i32
        %dma_start3A_126 = tpu.memref_slice %arg13[%add3A_62, %dma_start3A_125] : memref<10000x128xf32, #tpu.memory_space<vmem_shared>> -> memref<40x128xf32, #tpu.memory_space<vmem_shared>>
        %dma_start3A_127 = arith.constant 0 : i32
        %dma_start3A_128 = tpu.memref_slice %arg13[%add3A_62, %dma_start3A_127] : memref<10000x128xf32, #tpu.memory_space<vmem_shared>> -> memref<40x128xf32, #tpu.memory_space<vmem_shared>>
        %dma_start3A_129 = arith.constant 0 : i32
        %dma_start3A_130 = arith.constant 0 : i32
        %dma_start3A_131 = tpu.memref_slice %arg11[%dma_start3A_129, %dma_start3A_130] : memref<80x128xf32, #tpu.memory_space<vmem>> -> memref<40x128xf32, #tpu.memory_space<vmem>>
        tpu.enqueue_dma source(%dma_start3A_131 : memref<40x128xf32, #tpu.memory_space<vmem>>) target(%dma_start3A_128 : memref<40x128xf32, #tpu.memory_space<vmem_shared>>) target_semaphore(%run_scoped3A : memref<!tpu.dma_semaphore, #tpu.memory_space<semaphore_mem>>)
        %dma_wait3A = arith.constant 0 : i32
        %dma_wait3A_132 = arith.constant 0 : i32
        %dma_wait3A_133 = tpu.memref_slice %arg11[%dma_wait3A, %dma_wait3A_132] : memref<80x128xf32, #tpu.memory_space<vmem>> -> memref<40x128xf32, #tpu.memory_space<vmem>>
        %dma_wait3A_134 = arith.constant 0 : i32
        %dma_wait3A_135 = tpu.memref_slice %arg13[%add3A_62, %dma_wait3A_134] : memref<10000x128xf32, #tpu.memory_space<vmem_shared>> -> memref<40x128xf32, #tpu.memory_space<vmem_shared>>
        %dma_wait3A_136 = arith.constant 0 : i32
        %dma_wait3A_137 = tpu.memref_slice %arg13[%add3A_62, %dma_wait3A_136] : memref<10000x128xf32, #tpu.memory_space<vmem_shared>> -> memref<40x128xf32, #tpu.memory_space<vmem_shared>>
        %dma_wait3A_138 = arith.constant 0 : i32
        %dma_wait3A_139 = arith.constant 0 : i32
        %dma_wait3A_140 = tpu.memref_slice %arg11[%dma_wait3A_138, %dma_wait3A_139] : memref<80x128xf32, #tpu.memory_space<vmem>> -> memref<40x128xf32, #tpu.memory_space<vmem>>
        tpu.wait_dma2 semaphore(%run_scoped3A : memref<!tpu.dma_semaphore, #tpu.memory_space<semaphore_mem>>) src(%dma_wait3A_140 : memref<40x128xf32, #tpu.memory_space<vmem>>) dst(%dma_wait3A_137 : memref<40x128xf32, #tpu.memory_space<vmem_shared>>)
        tpu.yield
      }) : () -> ()
      "tpu.region"() ({
        %run_scoped3A = tpu.sem_alloc : memref<!tpu.dma_semaphore, #tpu.memory_space<semaphore_mem>>
        %dma_start3A = arith.constant 0 : i32
        %dma_start3A_123 = arith.constant 0 : i32
        %dma_start3A_124 = tpu.memref_slice %arg12[%dma_start3A, %dma_start3A_123] : memref<80x16xf32, #tpu.memory_space<vmem>> -> memref<40x16xf32, #tpu.memory_space<vmem>>
        %dma_start3A_125 = arith.constant 0 : i32
        %dma_start3A_126 = tpu.memref_slice %arg14[%add3A_62, %dma_start3A_125] : memref<10000x16xf32, #tpu.memory_space<vmem_shared>> -> memref<40x16xf32, #tpu.memory_space<vmem_shared>>
        %dma_start3A_127 = arith.constant 0 : i32
        %dma_start3A_128 = tpu.memref_slice %arg14[%add3A_62, %dma_start3A_127] : memref<10000x16xf32, #tpu.memory_space<vmem_shared>> -> memref<40x16xf32, #tpu.memory_space<vmem_shared>>
        %dma_start3A_129 = arith.constant 0 : i32
        %dma_start3A_130 = arith.constant 0 : i32
        %dma_start3A_131 = tpu.memref_slice %arg12[%dma_start3A_129, %dma_start3A_130] : memref<80x16xf32, #tpu.memory_space<vmem>> -> memref<40x16xf32, #tpu.memory_space<vmem>>
        tpu.enqueue_dma source(%dma_start3A_131 : memref<40x16xf32, #tpu.memory_space<vmem>>) target(%dma_start3A_128 : memref<40x16xf32, #tpu.memory_space<vmem_shared>>) target_semaphore(%run_scoped3A : memref<!tpu.dma_semaphore, #tpu.memory_space<semaphore_mem>>)
        %dma_wait3A = arith.constant 0 : i32
        %dma_wait3A_132 = arith.constant 0 : i32
        %dma_wait3A_133 = tpu.memref_slice %arg12[%dma_wait3A, %dma_wait3A_132] : memref<80x16xf32, #tpu.memory_space<vmem>> -> memref<40x16xf32, #tpu.memory_space<vmem>>
        %dma_wait3A_134 = arith.constant 0 : i32
        %dma_wait3A_135 = tpu.memref_slice %arg14[%add3A_62, %dma_wait3A_134] : memref<10000x16xf32, #tpu.memory_space<vmem_shared>> -> memref<40x16xf32, #tpu.memory_space<vmem_shared>>
        %dma_wait3A_136 = arith.constant 0 : i32
        %dma_wait3A_137 = tpu.memref_slice %arg14[%add3A_62, %dma_wait3A_136] : memref<10000x16xf32, #tpu.memory_space<vmem_shared>> -> memref<40x16xf32, #tpu.memory_space<vmem_shared>>
        %dma_wait3A_138 = arith.constant 0 : i32
        %dma_wait3A_139 = arith.constant 0 : i32
        %dma_wait3A_140 = tpu.memref_slice %arg12[%dma_wait3A_138, %dma_wait3A_139] : memref<80x16xf32, #tpu.memory_space<vmem>> -> memref<40x16xf32, #tpu.memory_space<vmem>>
        tpu.wait_dma2 semaphore(%run_scoped3A : memref<!tpu.dma_semaphore, #tpu.memory_space<semaphore_mem>>) src(%dma_wait3A_140 : memref<40x16xf32, #tpu.memory_space<vmem>>) dst(%dma_wait3A_137 : memref<40x16xf32, #tpu.memory_space<vmem_shared>>)
        tpu.yield
      }) : () -> ()
      %mul3A_63 = arith.constant 1000 : i32
      %mul3A_64 = arith.muli %arg1, %mul3A_63 : i32
      %add3A_65 = arith.constant 400 : i32
      %add3A_66 = arith.addi %mul3A_64, %add3A_65 : i32
      "tpu.region"() ({
        %run_scoped3A = tpu.sem_alloc : memref<!tpu.dma_semaphore, #tpu.memory_space<semaphore_mem>>
        %dma_start3A = arith.constant 0 : i32
        %dma_start3A_123 = arith.constant 0 : i32
        %dma_start3A_124 = tpu.memref_slice %arg11[%dma_start3A, %dma_start3A_123] : memref<80x128xf32, #tpu.memory_space<vmem>> -> memref<40x128xf32, #tpu.memory_space<vmem>>
        %dma_start3A_125 = arith.constant 0 : i32
        %dma_start3A_126 = tpu.memref_slice %arg13[%add3A_66, %dma_start3A_125] : memref<10000x128xf32, #tpu.memory_space<vmem_shared>> -> memref<40x128xf32, #tpu.memory_space<vmem_shared>>
        %dma_start3A_127 = arith.constant 0 : i32
        %dma_start3A_128 = tpu.memref_slice %arg13[%add3A_66, %dma_start3A_127] : memref<10000x128xf32, #tpu.memory_space<vmem_shared>> -> memref<40x128xf32, #tpu.memory_space<vmem_shared>>
        %dma_start3A_129 = arith.constant 0 : i32
        %dma_start3A_130 = arith.constant 0 : i32
        %dma_start3A_131 = tpu.memref_slice %arg11[%dma_start3A_129, %dma_start3A_130] : memref<80x128xf32, #tpu.memory_space<vmem>> -> memref<40x128xf32, #tpu.memory_space<vmem>>
        tpu.enqueue_dma source(%dma_start3A_131 : memref<40x128xf32, #tpu.memory_space<vmem>>) target(%dma_start3A_128 : memref<40x128xf32, #tpu.memory_space<vmem_shared>>) target_semaphore(%run_scoped3A : memref<!tpu.dma_semaphore, #tpu.memory_space<semaphore_mem>>)
        %dma_wait3A = arith.constant 0 : i32
        %dma_wait3A_132 = arith.constant 0 : i32
        %dma_wait3A_133 = tpu.memref_slice %arg11[%dma_wait3A, %dma_wait3A_132] : memref<80x128xf32, #tpu.memory_space<vmem>> -> memref<40x128xf32, #tpu.memory_space<vmem>>
        %dma_wait3A_134 = arith.constant 0 : i32
        %dma_wait3A_135 = tpu.memref_slice %arg13[%add3A_66, %dma_wait3A_134] : memref<10000x128xf32, #tpu.memory_space<vmem_shared>> -> memref<40x128xf32, #tpu.memory_space<vmem_shared>>
        %dma_wait3A_136 = arith.constant 0 : i32
        %dma_wait3A_137 = tpu.memref_slice %arg13[%add3A_66, %dma_wait3A_136] : memref<10000x128xf32, #tpu.memory_space<vmem_shared>> -> memref<40x128xf32, #tpu.memory_space<vmem_shared>>
        %dma_wait3A_138 = arith.constant 0 : i32
        %dma_wait3A_139 = arith.constant 0 : i32
        %dma_wait3A_140 = tpu.memref_slice %arg11[%dma_wait3A_138, %dma_wait3A_139] : memref<80x128xf32, #tpu.memory_space<vmem>> -> memref<40x128xf32, #tpu.memory_space<vmem>>
        tpu.wait_dma2 semaphore(%run_scoped3A : memref<!tpu.dma_semaphore, #tpu.memory_space<semaphore_mem>>) src(%dma_wait3A_140 : memref<40x128xf32, #tpu.memory_space<vmem>>) dst(%dma_wait3A_137 : memref<40x128xf32, #tpu.memory_space<vmem_shared>>)
        tpu.yield
      }) : () -> ()
      "tpu.region"() ({
        %run_scoped3A = tpu.sem_alloc : memref<!tpu.dma_semaphore, #tpu.memory_space<semaphore_mem>>
        %dma_start3A = arith.constant 0 : i32
        %dma_start3A_123 = arith.constant 0 : i32
        %dma_start3A_124 = tpu.memref_slice %arg12[%dma_start3A, %dma_start3A_123] : memref<80x16xf32, #tpu.memory_space<vmem>> -> memref<40x16xf32, #tpu.memory_space<vmem>>
        %dma_start3A_125 = arith.constant 0 : i32
        %dma_start3A_126 = tpu.memref_slice %arg14[%add3A_66, %dma_start3A_125] : memref<10000x16xf32, #tpu.memory_space<vmem_shared>> -> memref<40x16xf32, #tpu.memory_space<vmem_shared>>
        %dma_start3A_127 = arith.constant 0 : i32
        %dma_start3A_128 = tpu.memref_slice %arg14[%add3A_66, %dma_start3A_127] : memref<10000x16xf32, #tpu.memory_space<vmem_shared>> -> memref<40x16xf32, #tpu.memory_space<vmem_shared>>
        %dma_start3A_129 = arith.constant 0 : i32
        %dma_start3A_130 = arith.constant 0 : i32
        %dma_start3A_131 = tpu.memref_slice %arg12[%dma_start3A_129, %dma_start3A_130] : memref<80x16xf32, #tpu.memory_space<vmem>> -> memref<40x16xf32, #tpu.memory_space<vmem>>
        tpu.enqueue_dma source(%dma_start3A_131 : memref<40x16xf32, #tpu.memory_space<vmem>>) target(%dma_start3A_128 : memref<40x16xf32, #tpu.memory_space<vmem_shared>>) target_semaphore(%run_scoped3A : memref<!tpu.dma_semaphore, #tpu.memory_space<semaphore_mem>>)
        %dma_wait3A = arith.constant 0 : i32
        %dma_wait3A_132 = arith.constant 0 : i32
        %dma_wait3A_133 = tpu.memref_slice %arg12[%dma_wait3A, %dma_wait3A_132] : memref<80x16xf32, #tpu.memory_space<vmem>> -> memref<40x16xf32, #tpu.memory_space<vmem>>
        %dma_wait3A_134 = arith.constant 0 : i32
        %dma_wait3A_135 = tpu.memref_slice %arg14[%add3A_66, %dma_wait3A_134] : memref<10000x16xf32, #tpu.memory_space<vmem_shared>> -> memref<40x16xf32, #tpu.memory_space<vmem_shared>>
        %dma_wait3A_136 = arith.constant 0 : i32
        %dma_wait3A_137 = tpu.memref_slice %arg14[%add3A_66, %dma_wait3A_136] : memref<10000x16xf32, #tpu.memory_space<vmem_shared>> -> memref<40x16xf32, #tpu.memory_space<vmem_shared>>
        %dma_wait3A_138 = arith.constant 0 : i32
        %dma_wait3A_139 = arith.constant 0 : i32
        %dma_wait3A_140 = tpu.memref_slice %arg12[%dma_wait3A_138, %dma_wait3A_139] : memref<80x16xf32, #tpu.memory_space<vmem>> -> memref<40x16xf32, #tpu.memory_space<vmem>>
        tpu.wait_dma2 semaphore(%run_scoped3A : memref<!tpu.dma_semaphore, #tpu.memory_space<semaphore_mem>>) src(%dma_wait3A_140 : memref<40x16xf32, #tpu.memory_space<vmem>>) dst(%dma_wait3A_137 : memref<40x16xf32, #tpu.memory_space<vmem_shared>>)
        tpu.yield
      }) : () -> ()
      %mul3A_67 = arith.constant 1000 : i32
      %mul3A_68 = arith.muli %arg1, %mul3A_67 : i32
      %add3A_69 = arith.constant 440 : i32
      %add3A_70 = arith.addi %mul3A_68, %add3A_69 : i32
      "tpu.region"() ({
        %run_scoped3A = tpu.sem_alloc : memref<!tpu.dma_semaphore, #tpu.memory_space<semaphore_mem>>
        %dma_start3A = arith.constant 0 : i32
        %dma_start3A_123 = arith.constant 0 : i32
        %dma_start3A_124 = tpu.memref_slice %arg11[%dma_start3A, %dma_start3A_123] : memref<80x128xf32, #tpu.memory_space<vmem>> -> memref<40x128xf32, #tpu.memory_space<vmem>>
        %dma_start3A_125 = arith.constant 0 : i32
        %dma_start3A_126 = tpu.memref_slice %arg13[%add3A_70, %dma_start3A_125] : memref<10000x128xf32, #tpu.memory_space<vmem_shared>> -> memref<40x128xf32, #tpu.memory_space<vmem_shared>>
        %dma_start3A_127 = arith.constant 0 : i32
        %dma_start3A_128 = tpu.memref_slice %arg13[%add3A_70, %dma_start3A_127] : memref<10000x128xf32, #tpu.memory_space<vmem_shared>> -> memref<40x128xf32, #tpu.memory_space<vmem_shared>>
        %dma_start3A_129 = arith.constant 0 : i32
        %dma_start3A_130 = arith.constant 0 : i32
        %dma_start3A_131 = tpu.memref_slice %arg11[%dma_start3A_129, %dma_start3A_130] : memref<80x128xf32, #tpu.memory_space<vmem>> -> memref<40x128xf32, #tpu.memory_space<vmem>>
        tpu.enqueue_dma source(%dma_start3A_131 : memref<40x128xf32, #tpu.memory_space<vmem>>) target(%dma_start3A_128 : memref<40x128xf32, #tpu.memory_space<vmem_shared>>) target_semaphore(%run_scoped3A : memref<!tpu.dma_semaphore, #tpu.memory_space<semaphore_mem>>)
        %dma_wait3A = arith.constant 0 : i32
        %dma_wait3A_132 = arith.constant 0 : i32
        %dma_wait3A_133 = tpu.memref_slice %arg11[%dma_wait3A, %dma_wait3A_132] : memref<80x128xf32, #tpu.memory_space<vmem>> -> memref<40x128xf32, #tpu.memory_space<vmem>>
        %dma_wait3A_134 = arith.constant 0 : i32
        %dma_wait3A_135 = tpu.memref_slice %arg13[%add3A_70, %dma_wait3A_134] : memref<10000x128xf32, #tpu.memory_space<vmem_shared>> -> memref<40x128xf32, #tpu.memory_space<vmem_shared>>
        %dma_wait3A_136 = arith.constant 0 : i32
        %dma_wait3A_137 = tpu.memref_slice %arg13[%add3A_70, %dma_wait3A_136] : memref<10000x128xf32, #tpu.memory_space<vmem_shared>> -> memref<40x128xf32, #tpu.memory_space<vmem_shared>>
        %dma_wait3A_138 = arith.constant 0 : i32
        %dma_wait3A_139 = arith.constant 0 : i32
        %dma_wait3A_140 = tpu.memref_slice %arg11[%dma_wait3A_138, %dma_wait3A_139] : memref<80x128xf32, #tpu.memory_space<vmem>> -> memref<40x128xf32, #tpu.memory_space<vmem>>
        tpu.wait_dma2 semaphore(%run_scoped3A : memref<!tpu.dma_semaphore, #tpu.memory_space<semaphore_mem>>) src(%dma_wait3A_140 : memref<40x128xf32, #tpu.memory_space<vmem>>) dst(%dma_wait3A_137 : memref<40x128xf32, #tpu.memory_space<vmem_shared>>)
        tpu.yield
      }) : () -> ()
      "tpu.region"() ({
        %run_scoped3A = tpu.sem_alloc : memref<!tpu.dma_semaphore, #tpu.memory_space<semaphore_mem>>
        %dma_start3A = arith.constant 0 : i32
        %dma_start3A_123 = arith.constant 0 : i32
        %dma_start3A_124 = tpu.memref_slice %arg12[%dma_start3A, %dma_start3A_123] : memref<80x16xf32, #tpu.memory_space<vmem>> -> memref<40x16xf32, #tpu.memory_space<vmem>>
        %dma_start3A_125 = arith.constant 0 : i32
        %dma_start3A_126 = tpu.memref_slice %arg14[%add3A_70, %dma_start3A_125] : memref<10000x16xf32, #tpu.memory_space<vmem_shared>> -> memref<40x16xf32, #tpu.memory_space<vmem_shared>>
        %dma_start3A_127 = arith.constant 0 : i32
        %dma_start3A_128 = tpu.memref_slice %arg14[%add3A_70, %dma_start3A_127] : memref<10000x16xf32, #tpu.memory_space<vmem_shared>> -> memref<40x16xf32, #tpu.memory_space<vmem_shared>>
        %dma_start3A_129 = arith.constant 0 : i32
        %dma_start3A_130 = arith.constant 0 : i32
        %dma_start3A_131 = tpu.memref_slice %arg12[%dma_start3A_129, %dma_start3A_130] : memref<80x16xf32, #tpu.memory_space<vmem>> -> memref<40x16xf32, #tpu.memory_space<vmem>>
        tpu.enqueue_dma source(%dma_start3A_131 : memref<40x16xf32, #tpu.memory_space<vmem>>) target(%dma_start3A_128 : memref<40x16xf32, #tpu.memory_space<vmem_shared>>) target_semaphore(%run_scoped3A : memref<!tpu.dma_semaphore, #tpu.memory_space<semaphore_mem>>)
        %dma_wait3A = arith.constant 0 : i32
        %dma_wait3A_132 = arith.constant 0 : i32
        %dma_wait3A_133 = tpu.memref_slice %arg12[%dma_wait3A, %dma_wait3A_132] : memref<80x16xf32, #tpu.memory_space<vmem>> -> memref<40x16xf32, #tpu.memory_space<vmem>>
        %dma_wait3A_134 = arith.constant 0 : i32
        %dma_wait3A_135 = tpu.memref_slice %arg14[%add3A_70, %dma_wait3A_134] : memref<10000x16xf32, #tpu.memory_space<vmem_shared>> -> memref<40x16xf32, #tpu.memory_space<vmem_shared>>
        %dma_wait3A_136 = arith.constant 0 : i32
        %dma_wait3A_137 = tpu.memref_slice %arg14[%add3A_70, %dma_wait3A_136] : memref<10000x16xf32, #tpu.memory_space<vmem_shared>> -> memref<40x16xf32, #tpu.memory_space<vmem_shared>>
        %dma_wait3A_138 = arith.constant 0 : i32
        %dma_wait3A_139 = arith.constant 0 : i32
        %dma_wait3A_140 = tpu.memref_slice %arg12[%dma_wait3A_138, %dma_wait3A_139] : memref<80x16xf32, #tpu.memory_space<vmem>> -> memref<40x16xf32, #tpu.memory_space<vmem>>
        tpu.wait_dma2 semaphore(%run_scoped3A : memref<!tpu.dma_semaphore, #tpu.memory_space<semaphore_mem>>) src(%dma_wait3A_140 : memref<40x16xf32, #tpu.memory_space<vmem>>) dst(%dma_wait3A_137 : memref<40x16xf32, #tpu.memory_space<vmem_shared>>)
        tpu.yield
      }) : () -> ()
      %mul3A_71 = arith.constant 1000 : i32
      %mul3A_72 = arith.muli %arg1, %mul3A_71 : i32
      %add3A_73 = arith.constant 480 : i32
      %add3A_74 = arith.addi %mul3A_72, %add3A_73 : i32
      "tpu.region"() ({
        %run_scoped3A = tpu.sem_alloc : memref<!tpu.dma_semaphore, #tpu.memory_space<semaphore_mem>>
        %dma_start3A = arith.constant 0 : i32
        %dma_start3A_123 = arith.constant 0 : i32
        %dma_start3A_124 = tpu.memref_slice %arg11[%dma_start3A, %dma_start3A_123] : memref<80x128xf32, #tpu.memory_space<vmem>> -> memref<40x128xf32, #tpu.memory_space<vmem>>
        %dma_start3A_125 = arith.constant 0 : i32
        %dma_start3A_126 = tpu.memref_slice %arg13[%add3A_74, %dma_start3A_125] : memref<10000x128xf32, #tpu.memory_space<vmem_shared>> -> memref<40x128xf32, #tpu.memory_space<vmem_shared>>
        %dma_start3A_127 = arith.constant 0 : i32
        %dma_start3A_128 = tpu.memref_slice %arg13[%add3A_74, %dma_start3A_127] : memref<10000x128xf32, #tpu.memory_space<vmem_shared>> -> memref<40x128xf32, #tpu.memory_space<vmem_shared>>
        %dma_start3A_129 = arith.constant 0 : i32
        %dma_start3A_130 = arith.constant 0 : i32
        %dma_start3A_131 = tpu.memref_slice %arg11[%dma_start3A_129, %dma_start3A_130] : memref<80x128xf32, #tpu.memory_space<vmem>> -> memref<40x128xf32, #tpu.memory_space<vmem>>
        tpu.enqueue_dma source(%dma_start3A_131 : memref<40x128xf32, #tpu.memory_space<vmem>>) target(%dma_start3A_128 : memref<40x128xf32, #tpu.memory_space<vmem_shared>>) target_semaphore(%run_scoped3A : memref<!tpu.dma_semaphore, #tpu.memory_space<semaphore_mem>>)
        %dma_wait3A = arith.constant 0 : i32
        %dma_wait3A_132 = arith.constant 0 : i32
        %dma_wait3A_133 = tpu.memref_slice %arg11[%dma_wait3A, %dma_wait3A_132] : memref<80x128xf32, #tpu.memory_space<vmem>> -> memref<40x128xf32, #tpu.memory_space<vmem>>
        %dma_wait3A_134 = arith.constant 0 : i32
        %dma_wait3A_135 = tpu.memref_slice %arg13[%add3A_74, %dma_wait3A_134] : memref<10000x128xf32, #tpu.memory_space<vmem_shared>> -> memref<40x128xf32, #tpu.memory_space<vmem_shared>>
        %dma_wait3A_136 = arith.constant 0 : i32
        %dma_wait3A_137 = tpu.memref_slice %arg13[%add3A_74, %dma_wait3A_136] : memref<10000x128xf32, #tpu.memory_space<vmem_shared>> -> memref<40x128xf32, #tpu.memory_space<vmem_shared>>
        %dma_wait3A_138 = arith.constant 0 : i32
        %dma_wait3A_139 = arith.constant 0 : i32
        %dma_wait3A_140 = tpu.memref_slice %arg11[%dma_wait3A_138, %dma_wait3A_139] : memref<80x128xf32, #tpu.memory_space<vmem>> -> memref<40x128xf32, #tpu.memory_space<vmem>>
        tpu.wait_dma2 semaphore(%run_scoped3A : memref<!tpu.dma_semaphore, #tpu.memory_space<semaphore_mem>>) src(%dma_wait3A_140 : memref<40x128xf32, #tpu.memory_space<vmem>>) dst(%dma_wait3A_137 : memref<40x128xf32, #tpu.memory_space<vmem_shared>>)
        tpu.yield
      }) : () -> ()
      "tpu.region"() ({
        %run_scoped3A = tpu.sem_alloc : memref<!tpu.dma_semaphore, #tpu.memory_space<semaphore_mem>>
        %dma_start3A = arith.constant 0 : i32
        %dma_start3A_123 = arith.constant 0 : i32
        %dma_start3A_124 = tpu.memref_slice %arg12[%dma_start3A, %dma_start3A_123] : memref<80x16xf32, #tpu.memory_space<vmem>> -> memref<40x16xf32, #tpu.memory_space<vmem>>
        %dma_start3A_125 = arith.constant 0 : i32
        %dma_start3A_126 = tpu.memref_slice %arg14[%add3A_74, %dma_start3A_125] : memref<10000x16xf32, #tpu.memory_space<vmem_shared>> -> memref<40x16xf32, #tpu.memory_space<vmem_shared>>
        %dma_start3A_127 = arith.constant 0 : i32
        %dma_start3A_128 = tpu.memref_slice %arg14[%add3A_74, %dma_start3A_127] : memref<10000x16xf32, #tpu.memory_space<vmem_shared>> -> memref<40x16xf32, #tpu.memory_space<vmem_shared>>
        %dma_start3A_129 = arith.constant 0 : i32
        %dma_start3A_130 = arith.constant 0 : i32
        %dma_start3A_131 = tpu.memref_slice %arg12[%dma_start3A_129, %dma_start3A_130] : memref<80x16xf32, #tpu.memory_space<vmem>> -> memref<40x16xf32, #tpu.memory_space<vmem>>
        tpu.enqueue_dma source(%dma_start3A_131 : memref<40x16xf32, #tpu.memory_space<vmem>>) target(%dma_start3A_128 : memref<40x16xf32, #tpu.memory_space<vmem_shared>>) target_semaphore(%run_scoped3A : memref<!tpu.dma_semaphore, #tpu.memory_space<semaphore_mem>>)
        %dma_wait3A = arith.constant 0 : i32
        %dma_wait3A_132 = arith.constant 0 : i32
        %dma_wait3A_133 = tpu.memref_slice %arg12[%dma_wait3A, %dma_wait3A_132] : memref<80x16xf32, #tpu.memory_space<vmem>> -> memref<40x16xf32, #tpu.memory_space<vmem>>
        %dma_wait3A_134 = arith.constant 0 : i32
        %dma_wait3A_135 = tpu.memref_slice %arg14[%add3A_74, %dma_wait3A_134] : memref<10000x16xf32, #tpu.memory_space<vmem_shared>> -> memref<40x16xf32, #tpu.memory_space<vmem_shared>>
        %dma_wait3A_136 = arith.constant 0 : i32
        %dma_wait3A_137 = tpu.memref_slice %arg14[%add3A_74, %dma_wait3A_136] : memref<10000x16xf32, #tpu.memory_space<vmem_shared>> -> memref<40x16xf32, #tpu.memory_space<vmem_shared>>
        %dma_wait3A_138 = arith.constant 0 : i32
        %dma_wait3A_139 = arith.constant 0 : i32
        %dma_wait3A_140 = tpu.memref_slice %arg12[%dma_wait3A_138, %dma_wait3A_139] : memref<80x16xf32, #tpu.memory_space<vmem>> -> memref<40x16xf32, #tpu.memory_space<vmem>>
        tpu.wait_dma2 semaphore(%run_scoped3A : memref<!tpu.dma_semaphore, #tpu.memory_space<semaphore_mem>>) src(%dma_wait3A_140 : memref<40x16xf32, #tpu.memory_space<vmem>>) dst(%dma_wait3A_137 : memref<40x16xf32, #tpu.memory_space<vmem_shared>>)
        tpu.yield
      }) : () -> ()
      %mul3A_75 = arith.constant 1000 : i32
      %mul3A_76 = arith.muli %arg1, %mul3A_75 : i32
      %add3A_77 = arith.constant 520 : i32
      %add3A_78 = arith.addi %mul3A_76, %add3A_77 : i32
      "tpu.region"() ({
        %run_scoped3A = tpu.sem_alloc : memref<!tpu.dma_semaphore, #tpu.memory_space<semaphore_mem>>
        %dma_start3A = arith.constant 0 : i32
        %dma_start3A_123 = arith.constant 0 : i32
        %dma_start3A_124 = tpu.memref_slice %arg11[%dma_start3A, %dma_start3A_123] : memref<80x128xf32, #tpu.memory_space<vmem>> -> memref<40x128xf32, #tpu.memory_space<vmem>>
        %dma_start3A_125 = arith.constant 0 : i32
        %dma_start3A_126 = tpu.memref_slice %arg13[%add3A_78, %dma_start3A_125] : memref<10000x128xf32, #tpu.memory_space<vmem_shared>> -> memref<40x128xf32, #tpu.memory_space<vmem_shared>>
        %dma_start3A_127 = arith.constant 0 : i32
        %dma_start3A_128 = tpu.memref_slice %arg13[%add3A_78, %dma_start3A_127] : memref<10000x128xf32, #tpu.memory_space<vmem_shared>> -> memref<40x128xf32, #tpu.memory_space<vmem_shared>>
        %dma_start3A_129 = arith.constant 0 : i32
        %dma_start3A_130 = arith.constant 0 : i32
        %dma_start3A_131 = tpu.memref_slice %arg11[%dma_start3A_129, %dma_start3A_130] : memref<80x128xf32, #tpu.memory_space<vmem>> -> memref<40x128xf32, #tpu.memory_space<vmem>>
        tpu.enqueue_dma source(%dma_start3A_131 : memref<40x128xf32, #tpu.memory_space<vmem>>) target(%dma_start3A_128 : memref<40x128xf32, #tpu.memory_space<vmem_shared>>) target_semaphore(%run_scoped3A : memref<!tpu.dma_semaphore, #tpu.memory_space<semaphore_mem>>)
        %dma_wait3A = arith.constant 0 : i32
        %dma_wait3A_132 = arith.constant 0 : i32
        %dma_wait3A_133 = tpu.memref_slice %arg11[%dma_wait3A, %dma_wait3A_132] : memref<80x128xf32, #tpu.memory_space<vmem>> -> memref<40x128xf32, #tpu.memory_space<vmem>>
        %dma_wait3A_134 = arith.constant 0 : i32
        %dma_wait3A_135 = tpu.memref_slice %arg13[%add3A_78, %dma_wait3A_134] : memref<10000x128xf32, #tpu.memory_space<vmem_shared>> -> memref<40x128xf32, #tpu.memory_space<vmem_shared>>
        %dma_wait3A_136 = arith.constant 0 : i32
        %dma_wait3A_137 = tpu.memref_slice %arg13[%add3A_78, %dma_wait3A_136] : memref<10000x128xf32, #tpu.memory_space<vmem_shared>> -> memref<40x128xf32, #tpu.memory_space<vmem_shared>>
        %dma_wait3A_138 = arith.constant 0 : i32
        %dma_wait3A_139 = arith.constant 0 : i32
        %dma_wait3A_140 = tpu.memref_slice %arg11[%dma_wait3A_138, %dma_wait3A_139] : memref<80x128xf32, #tpu.memory_space<vmem>> -> memref<40x128xf32, #tpu.memory_space<vmem>>
        tpu.wait_dma2 semaphore(%run_scoped3A : memref<!tpu.dma_semaphore, #tpu.memory_space<semaphore_mem>>) src(%dma_wait3A_140 : memref<40x128xf32, #tpu.memory_space<vmem>>) dst(%dma_wait3A_137 : memref<40x128xf32, #tpu.memory_space<vmem_shared>>)
        tpu.yield
      }) : () -> ()
      "tpu.region"() ({
        %run_scoped3A = tpu.sem_alloc : memref<!tpu.dma_semaphore, #tpu.memory_space<semaphore_mem>>
        %dma_start3A = arith.constant 0 : i32
        %dma_start3A_123 = arith.constant 0 : i32
        %dma_start3A_124 = tpu.memref_slice %arg12[%dma_start3A, %dma_start3A_123] : memref<80x16xf32, #tpu.memory_space<vmem>> -> memref<40x16xf32, #tpu.memory_space<vmem>>
        %dma_start3A_125 = arith.constant 0 : i32
        %dma_start3A_126 = tpu.memref_slice %arg14[%add3A_78, %dma_start3A_125] : memref<10000x16xf32, #tpu.memory_space<vmem_shared>> -> memref<40x16xf32, #tpu.memory_space<vmem_shared>>
        %dma_start3A_127 = arith.constant 0 : i32
        %dma_start3A_128 = tpu.memref_slice %arg14[%add3A_78, %dma_start3A_127] : memref<10000x16xf32, #tpu.memory_space<vmem_shared>> -> memref<40x16xf32, #tpu.memory_space<vmem_shared>>
        %dma_start3A_129 = arith.constant 0 : i32
        %dma_start3A_130 = arith.constant 0 : i32
        %dma_start3A_131 = tpu.memref_slice %arg12[%dma_start3A_129, %dma_start3A_130] : memref<80x16xf32, #tpu.memory_space<vmem>> -> memref<40x16xf32, #tpu.memory_space<vmem>>
        tpu.enqueue_dma source(%dma_start3A_131 : memref<40x16xf32, #tpu.memory_space<vmem>>) target(%dma_start3A_128 : memref<40x16xf32, #tpu.memory_space<vmem_shared>>) target_semaphore(%run_scoped3A : memref<!tpu.dma_semaphore, #tpu.memory_space<semaphore_mem>>)
        %dma_wait3A = arith.constant 0 : i32
        %dma_wait3A_132 = arith.constant 0 : i32
        %dma_wait3A_133 = tpu.memref_slice %arg12[%dma_wait3A, %dma_wait3A_132] : memref<80x16xf32, #tpu.memory_space<vmem>> -> memref<40x16xf32, #tpu.memory_space<vmem>>
        %dma_wait3A_134 = arith.constant 0 : i32
        %dma_wait3A_135 = tpu.memref_slice %arg14[%add3A_78, %dma_wait3A_134] : memref<10000x16xf32, #tpu.memory_space<vmem_shared>> -> memref<40x16xf32, #tpu.memory_space<vmem_shared>>
        %dma_wait3A_136 = arith.constant 0 : i32
        %dma_wait3A_137 = tpu.memref_slice %arg14[%add3A_78, %dma_wait3A_136] : memref<10000x16xf32, #tpu.memory_space<vmem_shared>> -> memref<40x16xf32, #tpu.memory_space<vmem_shared>>
        %dma_wait3A_138 = arith.constant 0 : i32
        %dma_wait3A_139 = arith.constant 0 : i32
        %dma_wait3A_140 = tpu.memref_slice %arg12[%dma_wait3A_138, %dma_wait3A_139] : memref<80x16xf32, #tpu.memory_space<vmem>> -> memref<40x16xf32, #tpu.memory_space<vmem>>
        tpu.wait_dma2 semaphore(%run_scoped3A : memref<!tpu.dma_semaphore, #tpu.memory_space<semaphore_mem>>) src(%dma_wait3A_140 : memref<40x16xf32, #tpu.memory_space<vmem>>) dst(%dma_wait3A_137 : memref<40x16xf32, #tpu.memory_space<vmem_shared>>)
        tpu.yield
      }) : () -> ()
      %mul3A_79 = arith.constant 1000 : i32
      %mul3A_80 = arith.muli %arg1, %mul3A_79 : i32
      %add3A_81 = arith.constant 560 : i32
      %add3A_82 = arith.addi %mul3A_80, %add3A_81 : i32
      "tpu.region"() ({
        %run_scoped3A = tpu.sem_alloc : memref<!tpu.dma_semaphore, #tpu.memory_space<semaphore_mem>>
        %dma_start3A = arith.constant 0 : i32
        %dma_start3A_123 = arith.constant 0 : i32
        %dma_start3A_124 = tpu.memref_slice %arg11[%dma_start3A, %dma_start3A_123] : memref<80x128xf32, #tpu.memory_space<vmem>> -> memref<40x128xf32, #tpu.memory_space<vmem>>
        %dma_start3A_125 = arith.constant 0 : i32
        %dma_start3A_126 = tpu.memref_slice %arg13[%add3A_82, %dma_start3A_125] : memref<10000x128xf32, #tpu.memory_space<vmem_shared>> -> memref<40x128xf32, #tpu.memory_space<vmem_shared>>
        %dma_start3A_127 = arith.constant 0 : i32
        %dma_start3A_128 = tpu.memref_slice %arg13[%add3A_82, %dma_start3A_127] : memref<10000x128xf32, #tpu.memory_space<vmem_shared>> -> memref<40x128xf32, #tpu.memory_space<vmem_shared>>
        %dma_start3A_129 = arith.constant 0 : i32
        %dma_start3A_130 = arith.constant 0 : i32
        %dma_start3A_131 = tpu.memref_slice %arg11[%dma_start3A_129, %dma_start3A_130] : memref<80x128xf32, #tpu.memory_space<vmem>> -> memref<40x128xf32, #tpu.memory_space<vmem>>
        tpu.enqueue_dma source(%dma_start3A_131 : memref<40x128xf32, #tpu.memory_space<vmem>>) target(%dma_start3A_128 : memref<40x128xf32, #tpu.memory_space<vmem_shared>>) target_semaphore(%run_scoped3A : memref<!tpu.dma_semaphore, #tpu.memory_space<semaphore_mem>>)
        %dma_wait3A = arith.constant 0 : i32
        %dma_wait3A_132 = arith.constant 0 : i32
        %dma_wait3A_133 = tpu.memref_slice %arg11[%dma_wait3A, %dma_wait3A_132] : memref<80x128xf32, #tpu.memory_space<vmem>> -> memref<40x128xf32, #tpu.memory_space<vmem>>
        %dma_wait3A_134 = arith.constant 0 : i32
        %dma_wait3A_135 = tpu.memref_slice %arg13[%add3A_82, %dma_wait3A_134] : memref<10000x128xf32, #tpu.memory_space<vmem_shared>> -> memref<40x128xf32, #tpu.memory_space<vmem_shared>>
        %dma_wait3A_136 = arith.constant 0 : i32
        %dma_wait3A_137 = tpu.memref_slice %arg13[%add3A_82, %dma_wait3A_136] : memref<10000x128xf32, #tpu.memory_space<vmem_shared>> -> memref<40x128xf32, #tpu.memory_space<vmem_shared>>
        %dma_wait3A_138 = arith.constant 0 : i32
        %dma_wait3A_139 = arith.constant 0 : i32
        %dma_wait3A_140 = tpu.memref_slice %arg11[%dma_wait3A_138, %dma_wait3A_139] : memref<80x128xf32, #tpu.memory_space<vmem>> -> memref<40x128xf32, #tpu.memory_space<vmem>>
        tpu.wait_dma2 semaphore(%run_scoped3A : memref<!tpu.dma_semaphore, #tpu.memory_space<semaphore_mem>>) src(%dma_wait3A_140 : memref<40x128xf32, #tpu.memory_space<vmem>>) dst(%dma_wait3A_137 : memref<40x128xf32, #tpu.memory_space<vmem_shared>>)
        tpu.yield
      }) : () -> ()
      "tpu.region"() ({
        %run_scoped3A = tpu.sem_alloc : memref<!tpu.dma_semaphore, #tpu.memory_space<semaphore_mem>>
        %dma_start3A = arith.constant 0 : i32
        %dma_start3A_123 = arith.constant 0 : i32
        %dma_start3A_124 = tpu.memref_slice %arg12[%dma_start3A, %dma_start3A_123] : memref<80x16xf32, #tpu.memory_space<vmem>> -> memref<40x16xf32, #tpu.memory_space<vmem>>
        %dma_start3A_125 = arith.constant 0 : i32
        %dma_start3A_126 = tpu.memref_slice %arg14[%add3A_82, %dma_start3A_125] : memref<10000x16xf32, #tpu.memory_space<vmem_shared>> -> memref<40x16xf32, #tpu.memory_space<vmem_shared>>
        %dma_start3A_127 = arith.constant 0 : i32
        %dma_start3A_128 = tpu.memref_slice %arg14[%add3A_82, %dma_start3A_127] : memref<10000x16xf32, #tpu.memory_space<vmem_shared>> -> memref<40x16xf32, #tpu.memory_space<vmem_shared>>
        %dma_start3A_129 = arith.constant 0 : i32
        %dma_start3A_130 = arith.constant 0 : i32
        %dma_start3A_131 = tpu.memref_slice %arg12[%dma_start3A_129, %dma_start3A_130] : memref<80x16xf32, #tpu.memory_space<vmem>> -> memref<40x16xf32, #tpu.memory_space<vmem>>
        tpu.enqueue_dma source(%dma_start3A_131 : memref<40x16xf32, #tpu.memory_space<vmem>>) target(%dma_start3A_128 : memref<40x16xf32, #tpu.memory_space<vmem_shared>>) target_semaphore(%run_scoped3A : memref<!tpu.dma_semaphore, #tpu.memory_space<semaphore_mem>>)
        %dma_wait3A = arith.constant 0 : i32
        %dma_wait3A_132 = arith.constant 0 : i32
        %dma_wait3A_133 = tpu.memref_slice %arg12[%dma_wait3A, %dma_wait3A_132] : memref<80x16xf32, #tpu.memory_space<vmem>> -> memref<40x16xf32, #tpu.memory_space<vmem>>
        %dma_wait3A_134 = arith.constant 0 : i32
        %dma_wait3A_135 = tpu.memref_slice %arg14[%add3A_82, %dma_wait3A_134] : memref<10000x16xf32, #tpu.memory_space<vmem_shared>> -> memref<40x16xf32, #tpu.memory_space<vmem_shared>>
        %dma_wait3A_136 = arith.constant 0 : i32
        %dma_wait3A_137 = tpu.memref_slice %arg14[%add3A_82, %dma_wait3A_136] : memref<10000x16xf32, #tpu.memory_space<vmem_shared>> -> memref<40x16xf32, #tpu.memory_space<vmem_shared>>
        %dma_wait3A_138 = arith.constant 0 : i32
        %dma_wait3A_139 = arith.constant 0 : i32
        %dma_wait3A_140 = tpu.memref_slice %arg12[%dma_wait3A_138, %dma_wait3A_139] : memref<80x16xf32, #tpu.memory_space<vmem>> -> memref<40x16xf32, #tpu.memory_space<vmem>>
        tpu.wait_dma2 semaphore(%run_scoped3A : memref<!tpu.dma_semaphore, #tpu.memory_space<semaphore_mem>>) src(%dma_wait3A_140 : memref<40x16xf32, #tpu.memory_space<vmem>>) dst(%dma_wait3A_137 : memref<40x16xf32, #tpu.memory_space<vmem_shared>>)
        tpu.yield
      }) : () -> ()
      %mul3A_83 = arith.constant 1000 : i32
      %mul3A_84 = arith.muli %arg1, %mul3A_83 : i32
      %add3A_85 = arith.constant 600 : i32
      %add3A_86 = arith.addi %mul3A_84, %add3A_85 : i32
      "tpu.region"() ({
        %run_scoped3A = tpu.sem_alloc : memref<!tpu.dma_semaphore, #tpu.memory_space<semaphore_mem>>
        %dma_start3A = arith.constant 0 : i32
        %dma_start3A_123 = arith.constant 0 : i32
        %dma_start3A_124 = tpu.memref_slice %arg11[%dma_start3A, %dma_start3A_123] : memref<80x128xf32, #tpu.memory_space<vmem>> -> memref<40x128xf32, #tpu.memory_space<vmem>>
        %dma_start3A_125 = arith.constant 0 : i32
        %dma_start3A_126 = tpu.memref_slice %arg13[%add3A_86, %dma_start3A_125] : memref<10000x128xf32, #tpu.memory_space<vmem_shared>> -> memref<40x128xf32, #tpu.memory_space<vmem_shared>>
        %dma_start3A_127 = arith.constant 0 : i32
        %dma_start3A_128 = tpu.memref_slice %arg13[%add3A_86, %dma_start3A_127] : memref<10000x128xf32, #tpu.memory_space<vmem_shared>> -> memref<40x128xf32, #tpu.memory_space<vmem_shared>>
        %dma_start3A_129 = arith.constant 0 : i32
        %dma_start3A_130 = arith.constant 0 : i32
        %dma_start3A_131 = tpu.memref_slice %arg11[%dma_start3A_129, %dma_start3A_130] : memref<80x128xf32, #tpu.memory_space<vmem>> -> memref<40x128xf32, #tpu.memory_space<vmem>>
        tpu.enqueue_dma source(%dma_start3A_131 : memref<40x128xf32, #tpu.memory_space<vmem>>) target(%dma_start3A_128 : memref<40x128xf32, #tpu.memory_space<vmem_shared>>) target_semaphore(%run_scoped3A : memref<!tpu.dma_semaphore, #tpu.memory_space<semaphore_mem>>)
        %dma_wait3A = arith.constant 0 : i32
        %dma_wait3A_132 = arith.constant 0 : i32
        %dma_wait3A_133 = tpu.memref_slice %arg11[%dma_wait3A, %dma_wait3A_132] : memref<80x128xf32, #tpu.memory_space<vmem>> -> memref<40x128xf32, #tpu.memory_space<vmem>>
        %dma_wait3A_134 = arith.constant 0 : i32
        %dma_wait3A_135 = tpu.memref_slice %arg13[%add3A_86, %dma_wait3A_134] : memref<10000x128xf32, #tpu.memory_space<vmem_shared>> -> memref<40x128xf32, #tpu.memory_space<vmem_shared>>
        %dma_wait3A_136 = arith.constant 0 : i32
        %dma_wait3A_137 = tpu.memref_slice %arg13[%add3A_86, %dma_wait3A_136] : memref<10000x128xf32, #tpu.memory_space<vmem_shared>> -> memref<40x128xf32, #tpu.memory_space<vmem_shared>>
        %dma_wait3A_138 = arith.constant 0 : i32
        %dma_wait3A_139 = arith.constant 0 : i32
        %dma_wait3A_140 = tpu.memref_slice %arg11[%dma_wait3A_138, %dma_wait3A_139] : memref<80x128xf32, #tpu.memory_space<vmem>> -> memref<40x128xf32, #tpu.memory_space<vmem>>
        tpu.wait_dma2 semaphore(%run_scoped3A : memref<!tpu.dma_semaphore, #tpu.memory_space<semaphore_mem>>) src(%dma_wait3A_140 : memref<40x128xf32, #tpu.memory_space<vmem>>) dst(%dma_wait3A_137 : memref<40x128xf32, #tpu.memory_space<vmem_shared>>)
        tpu.yield
      }) : () -> ()
      "tpu.region"() ({
        %run_scoped3A = tpu.sem_alloc : memref<!tpu.dma_semaphore, #tpu.memory_space<semaphore_mem>>
        %dma_start3A = arith.constant 0 : i32
        %dma_start3A_123 = arith.constant 0 : i32
        %dma_start3A_124 = tpu.memref_slice %arg12[%dma_start3A, %dma_start3A_123] : memref<80x16xf32, #tpu.memory_space<vmem>> -> memref<40x16xf32, #tpu.memory_space<vmem>>
        %dma_start3A_125 = arith.constant 0 : i32
        %dma_start3A_126 = tpu.memref_slice %arg14[%add3A_86, %dma_start3A_125] : memref<10000x16xf32, #tpu.memory_space<vmem_shared>> -> memref<40x16xf32, #tpu.memory_space<vmem_shared>>
        %dma_start3A_127 = arith.constant 0 : i32
        %dma_start3A_128 = tpu.memref_slice %arg14[%add3A_86, %dma_start3A_127] : memref<10000x16xf32, #tpu.memory_space<vmem_shared>> -> memref<40x16xf32, #tpu.memory_space<vmem_shared>>
        %dma_start3A_129 = arith.constant 0 : i32
        %dma_start3A_130 = arith.constant 0 : i32
        %dma_start3A_131 = tpu.memref_slice %arg12[%dma_start3A_129, %dma_start3A_130] : memref<80x16xf32, #tpu.memory_space<vmem>> -> memref<40x16xf32, #tpu.memory_space<vmem>>
        tpu.enqueue_dma source(%dma_start3A_131 : memref<40x16xf32, #tpu.memory_space<vmem>>) target(%dma_start3A_128 : memref<40x16xf32, #tpu.memory_space<vmem_shared>>) target_semaphore(%run_scoped3A : memref<!tpu.dma_semaphore, #tpu.memory_space<semaphore_mem>>)
        %dma_wait3A = arith.constant 0 : i32
        %dma_wait3A_132 = arith.constant 0 : i32
        %dma_wait3A_133 = tpu.memref_slice %arg12[%dma_wait3A, %dma_wait3A_132] : memref<80x16xf32, #tpu.memory_space<vmem>> -> memref<40x16xf32, #tpu.memory_space<vmem>>
        %dma_wait3A_134 = arith.constant 0 : i32
        %dma_wait3A_135 = tpu.memref_slice %arg14[%add3A_86, %dma_wait3A_134] : memref<10000x16xf32, #tpu.memory_space<vmem_shared>> -> memref<40x16xf32, #tpu.memory_space<vmem_shared>>
        %dma_wait3A_136 = arith.constant 0 : i32
        %dma_wait3A_137 = tpu.memref_slice %arg14[%add3A_86, %dma_wait3A_136] : memref<10000x16xf32, #tpu.memory_space<vmem_shared>> -> memref<40x16xf32, #tpu.memory_space<vmem_shared>>
        %dma_wait3A_138 = arith.constant 0 : i32
        %dma_wait3A_139 = arith.constant 0 : i32
        %dma_wait3A_140 = tpu.memref_slice %arg12[%dma_wait3A_138, %dma_wait3A_139] : memref<80x16xf32, #tpu.memory_space<vmem>> -> memref<40x16xf32, #tpu.memory_space<vmem>>
        tpu.wait_dma2 semaphore(%run_scoped3A : memref<!tpu.dma_semaphore, #tpu.memory_space<semaphore_mem>>) src(%dma_wait3A_140 : memref<40x16xf32, #tpu.memory_space<vmem>>) dst(%dma_wait3A_137 : memref<40x16xf32, #tpu.memory_space<vmem_shared>>)
        tpu.yield
      }) : () -> ()
      %mul3A_87 = arith.constant 1000 : i32
      %mul3A_88 = arith.muli %arg1, %mul3A_87 : i32
      %add3A_89 = arith.constant 640 : i32
      %add3A_90 = arith.addi %mul3A_88, %add3A_89 : i32
      "tpu.region"() ({
        %run_scoped3A = tpu.sem_alloc : memref<!tpu.dma_semaphore, #tpu.memory_space<semaphore_mem>>
        %dma_start3A = arith.constant 0 : i32
        %dma_start3A_123 = arith.constant 0 : i32
        %dma_start3A_124 = tpu.memref_slice %arg11[%dma_start3A, %dma_start3A_123] : memref<80x128xf32, #tpu.memory_space<vmem>> -> memref<40x128xf32, #tpu.memory_space<vmem>>
        %dma_start3A_125 = arith.constant 0 : i32
        %dma_start3A_126 = tpu.memref_slice %arg13[%add3A_90, %dma_start3A_125] : memref<10000x128xf32, #tpu.memory_space<vmem_shared>> -> memref<40x128xf32, #tpu.memory_space<vmem_shared>>
        %dma_start3A_127 = arith.constant 0 : i32
        %dma_start3A_128 = tpu.memref_slice %arg13[%add3A_90, %dma_start3A_127] : memref<10000x128xf32, #tpu.memory_space<vmem_shared>> -> memref<40x128xf32, #tpu.memory_space<vmem_shared>>
        %dma_start3A_129 = arith.constant 0 : i32
        %dma_start3A_130 = arith.constant 0 : i32
        %dma_start3A_131 = tpu.memref_slice %arg11[%dma_start3A_129, %dma_start3A_130] : memref<80x128xf32, #tpu.memory_space<vmem>> -> memref<40x128xf32, #tpu.memory_space<vmem>>
        tpu.enqueue_dma source(%dma_start3A_131 : memref<40x128xf32, #tpu.memory_space<vmem>>) target(%dma_start3A_128 : memref<40x128xf32, #tpu.memory_space<vmem_shared>>) target_semaphore(%run_scoped3A : memref<!tpu.dma_semaphore, #tpu.memory_space<semaphore_mem>>)
        %dma_wait3A = arith.constant 0 : i32
        %dma_wait3A_132 = arith.constant 0 : i32
        %dma_wait3A_133 = tpu.memref_slice %arg11[%dma_wait3A, %dma_wait3A_132] : memref<80x128xf32, #tpu.memory_space<vmem>> -> memref<40x128xf32, #tpu.memory_space<vmem>>
        %dma_wait3A_134 = arith.constant 0 : i32
        %dma_wait3A_135 = tpu.memref_slice %arg13[%add3A_90, %dma_wait3A_134] : memref<10000x128xf32, #tpu.memory_space<vmem_shared>> -> memref<40x128xf32, #tpu.memory_space<vmem_shared>>
        %dma_wait3A_136 = arith.constant 0 : i32
        %dma_wait3A_137 = tpu.memref_slice %arg13[%add3A_90, %dma_wait3A_136] : memref<10000x128xf32, #tpu.memory_space<vmem_shared>> -> memref<40x128xf32, #tpu.memory_space<vmem_shared>>
        %dma_wait3A_138 = arith.constant 0 : i32
        %dma_wait3A_139 = arith.constant 0 : i32
        %dma_wait3A_140 = tpu.memref_slice %arg11[%dma_wait3A_138, %dma_wait3A_139] : memref<80x128xf32, #tpu.memory_space<vmem>> -> memref<40x128xf32, #tpu.memory_space<vmem>>
        tpu.wait_dma2 semaphore(%run_scoped3A : memref<!tpu.dma_semaphore, #tpu.memory_space<semaphore_mem>>) src(%dma_wait3A_140 : memref<40x128xf32, #tpu.memory_space<vmem>>) dst(%dma_wait3A_137 : memref<40x128xf32, #tpu.memory_space<vmem_shared>>)
        tpu.yield
      }) : () -> ()
      "tpu.region"() ({
        %run_scoped3A = tpu.sem_alloc : memref<!tpu.dma_semaphore, #tpu.memory_space<semaphore_mem>>
        %dma_start3A = arith.constant 0 : i32
        %dma_start3A_123 = arith.constant 0 : i32
        %dma_start3A_124 = tpu.memref_slice %arg12[%dma_start3A, %dma_start3A_123] : memref<80x16xf32, #tpu.memory_space<vmem>> -> memref<40x16xf32, #tpu.memory_space<vmem>>
        %dma_start3A_125 = arith.constant 0 : i32
        %dma_start3A_126 = tpu.memref_slice %arg14[%add3A_90, %dma_start3A_125] : memref<10000x16xf32, #tpu.memory_space<vmem_shared>> -> memref<40x16xf32, #tpu.memory_space<vmem_shared>>
        %dma_start3A_127 = arith.constant 0 : i32
        %dma_start3A_128 = tpu.memref_slice %arg14[%add3A_90, %dma_start3A_127] : memref<10000x16xf32, #tpu.memory_space<vmem_shared>> -> memref<40x16xf32, #tpu.memory_space<vmem_shared>>
        %dma_start3A_129 = arith.constant 0 : i32
        %dma_start3A_130 = arith.constant 0 : i32
        %dma_start3A_131 = tpu.memref_slice %arg12[%dma_start3A_129, %dma_start3A_130] : memref<80x16xf32, #tpu.memory_space<vmem>> -> memref<40x16xf32, #tpu.memory_space<vmem>>
        tpu.enqueue_dma source(%dma_start3A_131 : memref<40x16xf32, #tpu.memory_space<vmem>>) target(%dma_start3A_128 : memref<40x16xf32, #tpu.memory_space<vmem_shared>>) target_semaphore(%run_scoped3A : memref<!tpu.dma_semaphore, #tpu.memory_space<semaphore_mem>>)
        %dma_wait3A = arith.constant 0 : i32
        %dma_wait3A_132 = arith.constant 0 : i32
        %dma_wait3A_133 = tpu.memref_slice %arg12[%dma_wait3A, %dma_wait3A_132] : memref<80x16xf32, #tpu.memory_space<vmem>> -> memref<40x16xf32, #tpu.memory_space<vmem>>
        %dma_wait3A_134 = arith.constant 0 : i32
        %dma_wait3A_135 = tpu.memref_slice %arg14[%add3A_90, %dma_wait3A_134] : memref<10000x16xf32, #tpu.memory_space<vmem_shared>> -> memref<40x16xf32, #tpu.memory_space<vmem_shared>>
        %dma_wait3A_136 = arith.constant 0 : i32
        %dma_wait3A_137 = tpu.memref_slice %arg14[%add3A_90, %dma_wait3A_136] : memref<10000x16xf32, #tpu.memory_space<vmem_shared>> -> memref<40x16xf32, #tpu.memory_space<vmem_shared>>
        %dma_wait3A_138 = arith.constant 0 : i32
        %dma_wait3A_139 = arith.constant 0 : i32
        %dma_wait3A_140 = tpu.memref_slice %arg12[%dma_wait3A_138, %dma_wait3A_139] : memref<80x16xf32, #tpu.memory_space<vmem>> -> memref<40x16xf32, #tpu.memory_space<vmem>>
        tpu.wait_dma2 semaphore(%run_scoped3A : memref<!tpu.dma_semaphore, #tpu.memory_space<semaphore_mem>>) src(%dma_wait3A_140 : memref<40x16xf32, #tpu.memory_space<vmem>>) dst(%dma_wait3A_137 : memref<40x16xf32, #tpu.memory_space<vmem_shared>>)
        tpu.yield
      }) : () -> ()
      %mul3A_91 = arith.constant 1000 : i32
      %mul3A_92 = arith.muli %arg1, %mul3A_91 : i32
      %add3A_93 = arith.constant 680 : i32
      %add3A_94 = arith.addi %mul3A_92, %add3A_93 : i32
      "tpu.region"() ({
        %run_scoped3A = tpu.sem_alloc : memref<!tpu.dma_semaphore, #tpu.memory_space<semaphore_mem>>
        %dma_start3A = arith.constant 0 : i32
        %dma_start3A_123 = arith.constant 0 : i32
        %dma_start3A_124 = tpu.memref_slice %arg11[%dma_start3A, %dma_start3A_123] : memref<80x128xf32, #tpu.memory_space<vmem>> -> memref<40x128xf32, #tpu.memory_space<vmem>>
        %dma_start3A_125 = arith.constant 0 : i32
        %dma_start3A_126 = tpu.memref_slice %arg13[%add3A_94, %dma_start3A_125] : memref<10000x128xf32, #tpu.memory_space<vmem_shared>> -> memref<40x128xf32, #tpu.memory_space<vmem_shared>>
        %dma_start3A_127 = arith.constant 0 : i32
        %dma_start3A_128 = tpu.memref_slice %arg13[%add3A_94, %dma_start3A_127] : memref<10000x128xf32, #tpu.memory_space<vmem_shared>> -> memref<40x128xf32, #tpu.memory_space<vmem_shared>>
        %dma_start3A_129 = arith.constant 0 : i32
        %dma_start3A_130 = arith.constant 0 : i32
        %dma_start3A_131 = tpu.memref_slice %arg11[%dma_start3A_129, %dma_start3A_130] : memref<80x128xf32, #tpu.memory_space<vmem>> -> memref<40x128xf32, #tpu.memory_space<vmem>>
        tpu.enqueue_dma source(%dma_start3A_131 : memref<40x128xf32, #tpu.memory_space<vmem>>) target(%dma_start3A_128 : memref<40x128xf32, #tpu.memory_space<vmem_shared>>) target_semaphore(%run_scoped3A : memref<!tpu.dma_semaphore, #tpu.memory_space<semaphore_mem>>)
        %dma_wait3A = arith.constant 0 : i32
        %dma_wait3A_132 = arith.constant 0 : i32
        %dma_wait3A_133 = tpu.memref_slice %arg11[%dma_wait3A, %dma_wait3A_132] : memref<80x128xf32, #tpu.memory_space<vmem>> -> memref<40x128xf32, #tpu.memory_space<vmem>>
        %dma_wait3A_134 = arith.constant 0 : i32
        %dma_wait3A_135 = tpu.memref_slice %arg13[%add3A_94, %dma_wait3A_134] : memref<10000x128xf32, #tpu.memory_space<vmem_shared>> -> memref<40x128xf32, #tpu.memory_space<vmem_shared>>
        %dma_wait3A_136 = arith.constant 0 : i32
        %dma_wait3A_137 = tpu.memref_slice %arg13[%add3A_94, %dma_wait3A_136] : memref<10000x128xf32, #tpu.memory_space<vmem_shared>> -> memref<40x128xf32, #tpu.memory_space<vmem_shared>>
        %dma_wait3A_138 = arith.constant 0 : i32
        %dma_wait3A_139 = arith.constant 0 : i32
        %dma_wait3A_140 = tpu.memref_slice %arg11[%dma_wait3A_138, %dma_wait3A_139] : memref<80x128xf32, #tpu.memory_space<vmem>> -> memref<40x128xf32, #tpu.memory_space<vmem>>
        tpu.wait_dma2 semaphore(%run_scoped3A : memref<!tpu.dma_semaphore, #tpu.memory_space<semaphore_mem>>) src(%dma_wait3A_140 : memref<40x128xf32, #tpu.memory_space<vmem>>) dst(%dma_wait3A_137 : memref<40x128xf32, #tpu.memory_space<vmem_shared>>)
        tpu.yield
      }) : () -> ()
      "tpu.region"() ({
        %run_scoped3A = tpu.sem_alloc : memref<!tpu.dma_semaphore, #tpu.memory_space<semaphore_mem>>
        %dma_start3A = arith.constant 0 : i32
        %dma_start3A_123 = arith.constant 0 : i32
        %dma_start3A_124 = tpu.memref_slice %arg12[%dma_start3A, %dma_start3A_123] : memref<80x16xf32, #tpu.memory_space<vmem>> -> memref<40x16xf32, #tpu.memory_space<vmem>>
        %dma_start3A_125 = arith.constant 0 : i32
        %dma_start3A_126 = tpu.memref_slice %arg14[%add3A_94, %dma_start3A_125] : memref<10000x16xf32, #tpu.memory_space<vmem_shared>> -> memref<40x16xf32, #tpu.memory_space<vmem_shared>>
        %dma_start3A_127 = arith.constant 0 : i32
        %dma_start3A_128 = tpu.memref_slice %arg14[%add3A_94, %dma_start3A_127] : memref<10000x16xf32, #tpu.memory_space<vmem_shared>> -> memref<40x16xf32, #tpu.memory_space<vmem_shared>>
        %dma_start3A_129 = arith.constant 0 : i32
        %dma_start3A_130 = arith.constant 0 : i32
        %dma_start3A_131 = tpu.memref_slice %arg12[%dma_start3A_129, %dma_start3A_130] : memref<80x16xf32, #tpu.memory_space<vmem>> -> memref<40x16xf32, #tpu.memory_space<vmem>>
        tpu.enqueue_dma source(%dma_start3A_131 : memref<40x16xf32, #tpu.memory_space<vmem>>) target(%dma_start3A_128 : memref<40x16xf32, #tpu.memory_space<vmem_shared>>) target_semaphore(%run_scoped3A : memref<!tpu.dma_semaphore, #tpu.memory_space<semaphore_mem>>)
        %dma_wait3A = arith.constant 0 : i32
        %dma_wait3A_132 = arith.constant 0 : i32
        %dma_wait3A_133 = tpu.memref_slice %arg12[%dma_wait3A, %dma_wait3A_132] : memref<80x16xf32, #tpu.memory_space<vmem>> -> memref<40x16xf32, #tpu.memory_space<vmem>>
        %dma_wait3A_134 = arith.constant 0 : i32
        %dma_wait3A_135 = tpu.memref_slice %arg14[%add3A_94, %dma_wait3A_134] : memref<10000x16xf32, #tpu.memory_space<vmem_shared>> -> memref<40x16xf32, #tpu.memory_space<vmem_shared>>
        %dma_wait3A_136 = arith.constant 0 : i32
        %dma_wait3A_137 = tpu.memref_slice %arg14[%add3A_94, %dma_wait3A_136] : memref<10000x16xf32, #tpu.memory_space<vmem_shared>> -> memref<40x16xf32, #tpu.memory_space<vmem_shared>>
        %dma_wait3A_138 = arith.constant 0 : i32
        %dma_wait3A_139 = arith.constant 0 : i32
        %dma_wait3A_140 = tpu.memref_slice %arg12[%dma_wait3A_138, %dma_wait3A_139] : memref<80x16xf32, #tpu.memory_space<vmem>> -> memref<40x16xf32, #tpu.memory_space<vmem>>
        tpu.wait_dma2 semaphore(%run_scoped3A : memref<!tpu.dma_semaphore, #tpu.memory_space<semaphore_mem>>) src(%dma_wait3A_140 : memref<40x16xf32, #tpu.memory_space<vmem>>) dst(%dma_wait3A_137 : memref<40x16xf32, #tpu.memory_space<vmem_shared>>)
        tpu.yield
      }) : () -> ()
      %mul3A_95 = arith.constant 1000 : i32
      %mul3A_96 = arith.muli %arg1, %mul3A_95 : i32
      %add3A_97 = arith.constant 720 : i32
      %add3A_98 = arith.addi %mul3A_96, %add3A_97 : i32
      "tpu.region"() ({
        %run_scoped3A = tpu.sem_alloc : memref<!tpu.dma_semaphore, #tpu.memory_space<semaphore_mem>>
        %dma_start3A = arith.constant 0 : i32
        %dma_start3A_123 = arith.constant 0 : i32
        %dma_start3A_124 = tpu.memref_slice %arg11[%dma_start3A, %dma_start3A_123] : memref<80x128xf32, #tpu.memory_space<vmem>> -> memref<40x128xf32, #tpu.memory_space<vmem>>
        %dma_start3A_125 = arith.constant 0 : i32
        %dma_start3A_126 = tpu.memref_slice %arg13[%add3A_98, %dma_start3A_125] : memref<10000x128xf32, #tpu.memory_space<vmem_shared>> -> memref<40x128xf32, #tpu.memory_space<vmem_shared>>
        %dma_start3A_127 = arith.constant 0 : i32
        %dma_start3A_128 = tpu.memref_slice %arg13[%add3A_98, %dma_start3A_127] : memref<10000x128xf32, #tpu.memory_space<vmem_shared>> -> memref<40x128xf32, #tpu.memory_space<vmem_shared>>
        %dma_start3A_129 = arith.constant 0 : i32
        %dma_start3A_130 = arith.constant 0 : i32
        %dma_start3A_131 = tpu.memref_slice %arg11[%dma_start3A_129, %dma_start3A_130] : memref<80x128xf32, #tpu.memory_space<vmem>> -> memref<40x128xf32, #tpu.memory_space<vmem>>
        tpu.enqueue_dma source(%dma_start3A_131 : memref<40x128xf32, #tpu.memory_space<vmem>>) target(%dma_start3A_128 : memref<40x128xf32, #tpu.memory_space<vmem_shared>>) target_semaphore(%run_scoped3A : memref<!tpu.dma_semaphore, #tpu.memory_space<semaphore_mem>>)
        %dma_wait3A = arith.constant 0 : i32
        %dma_wait3A_132 = arith.constant 0 : i32
        %dma_wait3A_133 = tpu.memref_slice %arg11[%dma_wait3A, %dma_wait3A_132] : memref<80x128xf32, #tpu.memory_space<vmem>> -> memref<40x128xf32, #tpu.memory_space<vmem>>
        %dma_wait3A_134 = arith.constant 0 : i32
        %dma_wait3A_135 = tpu.memref_slice %arg13[%add3A_98, %dma_wait3A_134] : memref<10000x128xf32, #tpu.memory_space<vmem_shared>> -> memref<40x128xf32, #tpu.memory_space<vmem_shared>>
        %dma_wait3A_136 = arith.constant 0 : i32
        %dma_wait3A_137 = tpu.memref_slice %arg13[%add3A_98, %dma_wait3A_136] : memref<10000x128xf32, #tpu.memory_space<vmem_shared>> -> memref<40x128xf32, #tpu.memory_space<vmem_shared>>
        %dma_wait3A_138 = arith.constant 0 : i32
        %dma_wait3A_139 = arith.constant 0 : i32
        %dma_wait3A_140 = tpu.memref_slice %arg11[%dma_wait3A_138, %dma_wait3A_139] : memref<80x128xf32, #tpu.memory_space<vmem>> -> memref<40x128xf32, #tpu.memory_space<vmem>>
        tpu.wait_dma2 semaphore(%run_scoped3A : memref<!tpu.dma_semaphore, #tpu.memory_space<semaphore_mem>>) src(%dma_wait3A_140 : memref<40x128xf32, #tpu.memory_space<vmem>>) dst(%dma_wait3A_137 : memref<40x128xf32, #tpu.memory_space<vmem_shared>>)
        tpu.yield
      }) : () -> ()
      "tpu.region"() ({
        %run_scoped3A = tpu.sem_alloc : memref<!tpu.dma_semaphore, #tpu.memory_space<semaphore_mem>>
        %dma_start3A = arith.constant 0 : i32
        %dma_start3A_123 = arith.constant 0 : i32
        %dma_start3A_124 = tpu.memref_slice %arg12[%dma_start3A, %dma_start3A_123] : memref<80x16xf32, #tpu.memory_space<vmem>> -> memref<40x16xf32, #tpu.memory_space<vmem>>
        %dma_start3A_125 = arith.constant 0 : i32
        %dma_start3A_126 = tpu.memref_slice %arg14[%add3A_98, %dma_start3A_125] : memref<10000x16xf32, #tpu.memory_space<vmem_shared>> -> memref<40x16xf32, #tpu.memory_space<vmem_shared>>
        %dma_start3A_127 = arith.constant 0 : i32
        %dma_start3A_128 = tpu.memref_slice %arg14[%add3A_98, %dma_start3A_127] : memref<10000x16xf32, #tpu.memory_space<vmem_shared>> -> memref<40x16xf32, #tpu.memory_space<vmem_shared>>
        %dma_start3A_129 = arith.constant 0 : i32
        %dma_start3A_130 = arith.constant 0 : i32
        %dma_start3A_131 = tpu.memref_slice %arg12[%dma_start3A_129, %dma_start3A_130] : memref<80x16xf32, #tpu.memory_space<vmem>> -> memref<40x16xf32, #tpu.memory_space<vmem>>
        tpu.enqueue_dma source(%dma_start3A_131 : memref<40x16xf32, #tpu.memory_space<vmem>>) target(%dma_start3A_128 : memref<40x16xf32, #tpu.memory_space<vmem_shared>>) target_semaphore(%run_scoped3A : memref<!tpu.dma_semaphore, #tpu.memory_space<semaphore_mem>>)
        %dma_wait3A = arith.constant 0 : i32
        %dma_wait3A_132 = arith.constant 0 : i32
        %dma_wait3A_133 = tpu.memref_slice %arg12[%dma_wait3A, %dma_wait3A_132] : memref<80x16xf32, #tpu.memory_space<vmem>> -> memref<40x16xf32, #tpu.memory_space<vmem>>
        %dma_wait3A_134 = arith.constant 0 : i32
        %dma_wait3A_135 = tpu.memref_slice %arg14[%add3A_98, %dma_wait3A_134] : memref<10000x16xf32, #tpu.memory_space<vmem_shared>> -> memref<40x16xf32, #tpu.memory_space<vmem_shared>>
        %dma_wait3A_136 = arith.constant 0 : i32
        %dma_wait3A_137 = tpu.memref_slice %arg14[%add3A_98, %dma_wait3A_136] : memref<10000x16xf32, #tpu.memory_space<vmem_shared>> -> memref<40x16xf32, #tpu.memory_space<vmem_shared>>
        %dma_wait3A_138 = arith.constant 0 : i32
        %dma_wait3A_139 = arith.constant 0 : i32
        %dma_wait3A_140 = tpu.memref_slice %arg12[%dma_wait3A_138, %dma_wait3A_139] : memref<80x16xf32, #tpu.memory_space<vmem>> -> memref<40x16xf32, #tpu.memory_space<vmem>>
        tpu.wait_dma2 semaphore(%run_scoped3A : memref<!tpu.dma_semaphore, #tpu.memory_space<semaphore_mem>>) src(%dma_wait3A_140 : memref<40x16xf32, #tpu.memory_space<vmem>>) dst(%dma_wait3A_137 : memref<40x16xf32, #tpu.memory_space<vmem_shared>>)
        tpu.yield
      }) : () -> ()
      %mul3A_99 = arith.constant 1000 : i32
      %mul3A_100 = arith.muli %arg1, %mul3A_99 : i32
      %add3A_101 = arith.constant 760 : i32
      %add3A_102 = arith.addi %mul3A_100, %add3A_101 : i32
      "tpu.region"() ({
        %run_scoped3A = tpu.sem_alloc : memref<!tpu.dma_semaphore, #tpu.memory_space<semaphore_mem>>
        %dma_start3A = arith.constant 0 : i32
        %dma_start3A_123 = arith.constant 0 : i32
        %dma_start3A_124 = tpu.memref_slice %arg11[%dma_start3A, %dma_start3A_123] : memref<80x128xf32, #tpu.memory_space<vmem>> -> memref<40x128xf32, #tpu.memory_space<vmem>>
        %dma_start3A_125 = arith.constant 0 : i32
        %dma_start3A_126 = tpu.memref_slice %arg13[%add3A_102, %dma_start3A_125] : memref<10000x128xf32, #tpu.memory_space<vmem_shared>> -> memref<40x128xf32, #tpu.memory_space<vmem_shared>>
        %dma_start3A_127 = arith.constant 0 : i32
        %dma_start3A_128 = tpu.memref_slice %arg13[%add3A_102, %dma_start3A_127] : memref<10000x128xf32, #tpu.memory_space<vmem_shared>> -> memref<40x128xf32, #tpu.memory_space<vmem_shared>>
        %dma_start3A_129 = arith.constant 0 : i32
        %dma_start3A_130 = arith.constant 0 : i32
        %dma_start3A_131 = tpu.memref_slice %arg11[%dma_start3A_129, %dma_start3A_130] : memref<80x128xf32, #tpu.memory_space<vmem>> -> memref<40x128xf32, #tpu.memory_space<vmem>>
        tpu.enqueue_dma source(%dma_start3A_131 : memref<40x128xf32, #tpu.memory_space<vmem>>) target(%dma_start3A_128 : memref<40x128xf32, #tpu.memory_space<vmem_shared>>) target_semaphore(%run_scoped3A : memref<!tpu.dma_semaphore, #tpu.memory_space<semaphore_mem>>)
        %dma_wait3A = arith.constant 0 : i32
        %dma_wait3A_132 = arith.constant 0 : i32
        %dma_wait3A_133 = tpu.memref_slice %arg11[%dma_wait3A, %dma_wait3A_132] : memref<80x128xf32, #tpu.memory_space<vmem>> -> memref<40x128xf32, #tpu.memory_space<vmem>>
        %dma_wait3A_134 = arith.constant 0 : i32
        %dma_wait3A_135 = tpu.memref_slice %arg13[%add3A_102, %dma_wait3A_134] : memref<10000x128xf32, #tpu.memory_space<vmem_shared>> -> memref<40x128xf32, #tpu.memory_space<vmem_shared>>
        %dma_wait3A_136 = arith.constant 0 : i32
        %dma_wait3A_137 = tpu.memref_slice %arg13[%add3A_102, %dma_wait3A_136] : memref<10000x128xf32, #tpu.memory_space<vmem_shared>> -> memref<40x128xf32, #tpu.memory_space<vmem_shared>>
        %dma_wait3A_138 = arith.constant 0 : i32
        %dma_wait3A_139 = arith.constant 0 : i32
        %dma_wait3A_140 = tpu.memref_slice %arg11[%dma_wait3A_138, %dma_wait3A_139] : memref<80x128xf32, #tpu.memory_space<vmem>> -> memref<40x128xf32, #tpu.memory_space<vmem>>
        tpu.wait_dma2 semaphore(%run_scoped3A : memref<!tpu.dma_semaphore, #tpu.memory_space<semaphore_mem>>) src(%dma_wait3A_140 : memref<40x128xf32, #tpu.memory_space<vmem>>) dst(%dma_wait3A_137 : memref<40x128xf32, #tpu.memory_space<vmem_shared>>)
        tpu.yield
      }) : () -> ()
      "tpu.region"() ({
        %run_scoped3A = tpu.sem_alloc : memref<!tpu.dma_semaphore, #tpu.memory_space<semaphore_mem>>
        %dma_start3A = arith.constant 0 : i32
        %dma_start3A_123 = arith.constant 0 : i32
        %dma_start3A_124 = tpu.memref_slice %arg12[%dma_start3A, %dma_start3A_123] : memref<80x16xf32, #tpu.memory_space<vmem>> -> memref<40x16xf32, #tpu.memory_space<vmem>>
        %dma_start3A_125 = arith.constant 0 : i32
        %dma_start3A_126 = tpu.memref_slice %arg14[%add3A_102, %dma_start3A_125] : memref<10000x16xf32, #tpu.memory_space<vmem_shared>> -> memref<40x16xf32, #tpu.memory_space<vmem_shared>>
        %dma_start3A_127 = arith.constant 0 : i32
        %dma_start3A_128 = tpu.memref_slice %arg14[%add3A_102, %dma_start3A_127] : memref<10000x16xf32, #tpu.memory_space<vmem_shared>> -> memref<40x16xf32, #tpu.memory_space<vmem_shared>>
        %dma_start3A_129 = arith.constant 0 : i32
        %dma_start3A_130 = arith.constant 0 : i32
        %dma_start3A_131 = tpu.memref_slice %arg12[%dma_start3A_129, %dma_start3A_130] : memref<80x16xf32, #tpu.memory_space<vmem>> -> memref<40x16xf32, #tpu.memory_space<vmem>>
        tpu.enqueue_dma source(%dma_start3A_131 : memref<40x16xf32, #tpu.memory_space<vmem>>) target(%dma_start3A_128 : memref<40x16xf32, #tpu.memory_space<vmem_shared>>) target_semaphore(%run_scoped3A : memref<!tpu.dma_semaphore, #tpu.memory_space<semaphore_mem>>)
        %dma_wait3A = arith.constant 0 : i32
        %dma_wait3A_132 = arith.constant 0 : i32
        %dma_wait3A_133 = tpu.memref_slice %arg12[%dma_wait3A, %dma_wait3A_132] : memref<80x16xf32, #tpu.memory_space<vmem>> -> memref<40x16xf32, #tpu.memory_space<vmem>>
        %dma_wait3A_134 = arith.constant 0 : i32
        %dma_wait3A_135 = tpu.memref_slice %arg14[%add3A_102, %dma_wait3A_134] : memref<10000x16xf32, #tpu.memory_space<vmem_shared>> -> memref<40x16xf32, #tpu.memory_space<vmem_shared>>
        %dma_wait3A_136 = arith.constant 0 : i32
        %dma_wait3A_137 = tpu.memref_slice %arg14[%add3A_102, %dma_wait3A_136] : memref<10000x16xf32, #tpu.memory_space<vmem_shared>> -> memref<40x16xf32, #tpu.memory_space<vmem_shared>>
        %dma_wait3A_138 = arith.constant 0 : i32
        %dma_wait3A_139 = arith.constant 0 : i32
        %dma_wait3A_140 = tpu.memref_slice %arg12[%dma_wait3A_138, %dma_wait3A_139] : memref<80x16xf32, #tpu.memory_space<vmem>> -> memref<40x16xf32, #tpu.memory_space<vmem>>
        tpu.wait_dma2 semaphore(%run_scoped3A : memref<!tpu.dma_semaphore, #tpu.memory_space<semaphore_mem>>) src(%dma_wait3A_140 : memref<40x16xf32, #tpu.memory_space<vmem>>) dst(%dma_wait3A_137 : memref<40x16xf32, #tpu.memory_space<vmem_shared>>)
        tpu.yield
      }) : () -> ()
      %mul3A_103 = arith.constant 1000 : i32
      %mul3A_104 = arith.muli %arg1, %mul3A_103 : i32
      %add3A_105 = arith.constant 800 : i32
      %add3A_106 = arith.addi %mul3A_104, %add3A_105 : i32
      "tpu.region"() ({
        %run_scoped3A = tpu.sem_alloc : memref<!tpu.dma_semaphore, #tpu.memory_space<semaphore_mem>>
        %dma_start3A = arith.constant 0 : i32
        %dma_start3A_123 = arith.constant 0 : i32
        %dma_start3A_124 = tpu.memref_slice %arg11[%dma_start3A, %dma_start3A_123] : memref<80x128xf32, #tpu.memory_space<vmem>> -> memref<40x128xf32, #tpu.memory_space<vmem>>
        %dma_start3A_125 = arith.constant 0 : i32
        %dma_start3A_126 = tpu.memref_slice %arg13[%add3A_106, %dma_start3A_125] : memref<10000x128xf32, #tpu.memory_space<vmem_shared>> -> memref<40x128xf32, #tpu.memory_space<vmem_shared>>
        %dma_start3A_127 = arith.constant 0 : i32
        %dma_start3A_128 = tpu.memref_slice %arg13[%add3A_106, %dma_start3A_127] : memref<10000x128xf32, #tpu.memory_space<vmem_shared>> -> memref<40x128xf32, #tpu.memory_space<vmem_shared>>
        %dma_start3A_129 = arith.constant 0 : i32
        %dma_start3A_130 = arith.constant 0 : i32
        %dma_start3A_131 = tpu.memref_slice %arg11[%dma_start3A_129, %dma_start3A_130] : memref<80x128xf32, #tpu.memory_space<vmem>> -> memref<40x128xf32, #tpu.memory_space<vmem>>
        tpu.enqueue_dma source(%dma_start3A_131 : memref<40x128xf32, #tpu.memory_space<vmem>>) target(%dma_start3A_128 : memref<40x128xf32, #tpu.memory_space<vmem_shared>>) target_semaphore(%run_scoped3A : memref<!tpu.dma_semaphore, #tpu.memory_space<semaphore_mem>>)
        %dma_wait3A = arith.constant 0 : i32
        %dma_wait3A_132 = arith.constant 0 : i32
        %dma_wait3A_133 = tpu.memref_slice %arg11[%dma_wait3A, %dma_wait3A_132] : memref<80x128xf32, #tpu.memory_space<vmem>> -> memref<40x128xf32, #tpu.memory_space<vmem>>
        %dma_wait3A_134 = arith.constant 0 : i32
        %dma_wait3A_135 = tpu.memref_slice %arg13[%add3A_106, %dma_wait3A_134] : memref<10000x128xf32, #tpu.memory_space<vmem_shared>> -> memref<40x128xf32, #tpu.memory_space<vmem_shared>>
        %dma_wait3A_136 = arith.constant 0 : i32
        %dma_wait3A_137 = tpu.memref_slice %arg13[%add3A_106, %dma_wait3A_136] : memref<10000x128xf32, #tpu.memory_space<vmem_shared>> -> memref<40x128xf32, #tpu.memory_space<vmem_shared>>
        %dma_wait3A_138 = arith.constant 0 : i32
        %dma_wait3A_139 = arith.constant 0 : i32
        %dma_wait3A_140 = tpu.memref_slice %arg11[%dma_wait3A_138, %dma_wait3A_139] : memref<80x128xf32, #tpu.memory_space<vmem>> -> memref<40x128xf32, #tpu.memory_space<vmem>>
        tpu.wait_dma2 semaphore(%run_scoped3A : memref<!tpu.dma_semaphore, #tpu.memory_space<semaphore_mem>>) src(%dma_wait3A_140 : memref<40x128xf32, #tpu.memory_space<vmem>>) dst(%dma_wait3A_137 : memref<40x128xf32, #tpu.memory_space<vmem_shared>>)
        tpu.yield
      }) : () -> ()
      "tpu.region"() ({
        %run_scoped3A = tpu.sem_alloc : memref<!tpu.dma_semaphore, #tpu.memory_space<semaphore_mem>>
        %dma_start3A = arith.constant 0 : i32
        %dma_start3A_123 = arith.constant 0 : i32
        %dma_start3A_124 = tpu.memref_slice %arg12[%dma_start3A, %dma_start3A_123] : memref<80x16xf32, #tpu.memory_space<vmem>> -> memref<40x16xf32, #tpu.memory_space<vmem>>
        %dma_start3A_125 = arith.constant 0 : i32
        %dma_start3A_126 = tpu.memref_slice %arg14[%add3A_106, %dma_start3A_125] : memref<10000x16xf32, #tpu.memory_space<vmem_shared>> -> memref<40x16xf32, #tpu.memory_space<vmem_shared>>
        %dma_start3A_127 = arith.constant 0 : i32
        %dma_start3A_128 = tpu.memref_slice %arg14[%add3A_106, %dma_start3A_127] : memref<10000x16xf32, #tpu.memory_space<vmem_shared>> -> memref<40x16xf32, #tpu.memory_space<vmem_shared>>
        %dma_start3A_129 = arith.constant 0 : i32
        %dma_start3A_130 = arith.constant 0 : i32
        %dma_start3A_131 = tpu.memref_slice %arg12[%dma_start3A_129, %dma_start3A_130] : memref<80x16xf32, #tpu.memory_space<vmem>> -> memref<40x16xf32, #tpu.memory_space<vmem>>
        tpu.enqueue_dma source(%dma_start3A_131 : memref<40x16xf32, #tpu.memory_space<vmem>>) target(%dma_start3A_128 : memref<40x16xf32, #tpu.memory_space<vmem_shared>>) target_semaphore(%run_scoped3A : memref<!tpu.dma_semaphore, #tpu.memory_space<semaphore_mem>>)
        %dma_wait3A = arith.constant 0 : i32
        %dma_wait3A_132 = arith.constant 0 : i32
        %dma_wait3A_133 = tpu.memref_slice %arg12[%dma_wait3A, %dma_wait3A_132] : memref<80x16xf32, #tpu.memory_space<vmem>> -> memref<40x16xf32, #tpu.memory_space<vmem>>
        %dma_wait3A_134 = arith.constant 0 : i32
        %dma_wait3A_135 = tpu.memref_slice %arg14[%add3A_106, %dma_wait3A_134] : memref<10000x16xf32, #tpu.memory_space<vmem_shared>> -> memref<40x16xf32, #tpu.memory_space<vmem_shared>>
        %dma_wait3A_136 = arith.constant 0 : i32
        %dma_wait3A_137 = tpu.memref_slice %arg14[%add3A_106, %dma_wait3A_136] : memref<10000x16xf32, #tpu.memory_space<vmem_shared>> -> memref<40x16xf32, #tpu.memory_space<vmem_shared>>
        %dma_wait3A_138 = arith.constant 0 : i32
        %dma_wait3A_139 = arith.constant 0 : i32
        %dma_wait3A_140 = tpu.memref_slice %arg12[%dma_wait3A_138, %dma_wait3A_139] : memref<80x16xf32, #tpu.memory_space<vmem>> -> memref<40x16xf32, #tpu.memory_space<vmem>>
        tpu.wait_dma2 semaphore(%run_scoped3A : memref<!tpu.dma_semaphore, #tpu.memory_space<semaphore_mem>>) src(%dma_wait3A_140 : memref<40x16xf32, #tpu.memory_space<vmem>>) dst(%dma_wait3A_137 : memref<40x16xf32, #tpu.memory_space<vmem_shared>>)
        tpu.yield
      }) : () -> ()
      %mul3A_107 = arith.constant 1000 : i32
      %mul3A_108 = arith.muli %arg1, %mul3A_107 : i32
      %add3A_109 = arith.constant 840 : i32
      %add3A_110 = arith.addi %mul3A_108, %add3A_109 : i32
      "tpu.region"() ({
        %run_scoped3A = tpu.sem_alloc : memref<!tpu.dma_semaphore, #tpu.memory_space<semaphore_mem>>
        %dma_start3A = arith.constant 0 : i32
        %dma_start3A_123 = arith.constant 0 : i32
        %dma_start3A_124 = tpu.memref_slice %arg11[%dma_start3A, %dma_start3A_123] : memref<80x128xf32, #tpu.memory_space<vmem>> -> memref<40x128xf32, #tpu.memory_space<vmem>>
        %dma_start3A_125 = arith.constant 0 : i32
        %dma_start3A_126 = tpu.memref_slice %arg13[%add3A_110, %dma_start3A_125] : memref<10000x128xf32, #tpu.memory_space<vmem_shared>> -> memref<40x128xf32, #tpu.memory_space<vmem_shared>>
        %dma_start3A_127 = arith.constant 0 : i32
        %dma_start3A_128 = tpu.memref_slice %arg13[%add3A_110, %dma_start3A_127] : memref<10000x128xf32, #tpu.memory_space<vmem_shared>> -> memref<40x128xf32, #tpu.memory_space<vmem_shared>>
        %dma_start3A_129 = arith.constant 0 : i32
        %dma_start3A_130 = arith.constant 0 : i32
        %dma_start3A_131 = tpu.memref_slice %arg11[%dma_start3A_129, %dma_start3A_130] : memref<80x128xf32, #tpu.memory_space<vmem>> -> memref<40x128xf32, #tpu.memory_space<vmem>>
        tpu.enqueue_dma source(%dma_start3A_131 : memref<40x128xf32, #tpu.memory_space<vmem>>) target(%dma_start3A_128 : memref<40x128xf32, #tpu.memory_space<vmem_shared>>) target_semaphore(%run_scoped3A : memref<!tpu.dma_semaphore, #tpu.memory_space<semaphore_mem>>)
        %dma_wait3A = arith.constant 0 : i32
        %dma_wait3A_132 = arith.constant 0 : i32
        %dma_wait3A_133 = tpu.memref_slice %arg11[%dma_wait3A, %dma_wait3A_132] : memref<80x128xf32, #tpu.memory_space<vmem>> -> memref<40x128xf32, #tpu.memory_space<vmem>>
        %dma_wait3A_134 = arith.constant 0 : i32
        %dma_wait3A_135 = tpu.memref_slice %arg13[%add3A_110, %dma_wait3A_134] : memref<10000x128xf32, #tpu.memory_space<vmem_shared>> -> memref<40x128xf32, #tpu.memory_space<vmem_shared>>
        %dma_wait3A_136 = arith.constant 0 : i32
        %dma_wait3A_137 = tpu.memref_slice %arg13[%add3A_110, %dma_wait3A_136] : memref<10000x128xf32, #tpu.memory_space<vmem_shared>> -> memref<40x128xf32, #tpu.memory_space<vmem_shared>>
        %dma_wait3A_138 = arith.constant 0 : i32
        %dma_wait3A_139 = arith.constant 0 : i32
        %dma_wait3A_140 = tpu.memref_slice %arg11[%dma_wait3A_138, %dma_wait3A_139] : memref<80x128xf32, #tpu.memory_space<vmem>> -> memref<40x128xf32, #tpu.memory_space<vmem>>
        tpu.wait_dma2 semaphore(%run_scoped3A : memref<!tpu.dma_semaphore, #tpu.memory_space<semaphore_mem>>) src(%dma_wait3A_140 : memref<40x128xf32, #tpu.memory_space<vmem>>) dst(%dma_wait3A_137 : memref<40x128xf32, #tpu.memory_space<vmem_shared>>)
        tpu.yield
      }) : () -> ()
      "tpu.region"() ({
        %run_scoped3A = tpu.sem_alloc : memref<!tpu.dma_semaphore, #tpu.memory_space<semaphore_mem>>
        %dma_start3A = arith.constant 0 : i32
        %dma_start3A_123 = arith.constant 0 : i32
        %dma_start3A_124 = tpu.memref_slice %arg12[%dma_start3A, %dma_start3A_123] : memref<80x16xf32, #tpu.memory_space<vmem>> -> memref<40x16xf32, #tpu.memory_space<vmem>>
        %dma_start3A_125 = arith.constant 0 : i32
        %dma_start3A_126 = tpu.memref_slice %arg14[%add3A_110, %dma_start3A_125] : memref<10000x16xf32, #tpu.memory_space<vmem_shared>> -> memref<40x16xf32, #tpu.memory_space<vmem_shared>>
        %dma_start3A_127 = arith.constant 0 : i32
        %dma_start3A_128 = tpu.memref_slice %arg14[%add3A_110, %dma_start3A_127] : memref<10000x16xf32, #tpu.memory_space<vmem_shared>> -> memref<40x16xf32, #tpu.memory_space<vmem_shared>>
        %dma_start3A_129 = arith.constant 0 : i32
        %dma_start3A_130 = arith.constant 0 : i32
        %dma_start3A_131 = tpu.memref_slice %arg12[%dma_start3A_129, %dma_start3A_130] : memref<80x16xf32, #tpu.memory_space<vmem>> -> memref<40x16xf32, #tpu.memory_space<vmem>>
        tpu.enqueue_dma source(%dma_start3A_131 : memref<40x16xf32, #tpu.memory_space<vmem>>) target(%dma_start3A_128 : memref<40x16xf32, #tpu.memory_space<vmem_shared>>) target_semaphore(%run_scoped3A : memref<!tpu.dma_semaphore, #tpu.memory_space<semaphore_mem>>)
        %dma_wait3A = arith.constant 0 : i32
        %dma_wait3A_132 = arith.constant 0 : i32
        %dma_wait3A_133 = tpu.memref_slice %arg12[%dma_wait3A, %dma_wait3A_132] : memref<80x16xf32, #tpu.memory_space<vmem>> -> memref<40x16xf32, #tpu.memory_space<vmem>>
        %dma_wait3A_134 = arith.constant 0 : i32
        %dma_wait3A_135 = tpu.memref_slice %arg14[%add3A_110, %dma_wait3A_134] : memref<10000x16xf32, #tpu.memory_space<vmem_shared>> -> memref<40x16xf32, #tpu.memory_space<vmem_shared>>
        %dma_wait3A_136 = arith.constant 0 : i32
        %dma_wait3A_137 = tpu.memref_slice %arg14[%add3A_110, %dma_wait3A_136] : memref<10000x16xf32, #tpu.memory_space<vmem_shared>> -> memref<40x16xf32, #tpu.memory_space<vmem_shared>>
        %dma_wait3A_138 = arith.constant 0 : i32
        %dma_wait3A_139 = arith.constant 0 : i32
        %dma_wait3A_140 = tpu.memref_slice %arg12[%dma_wait3A_138, %dma_wait3A_139] : memref<80x16xf32, #tpu.memory_space<vmem>> -> memref<40x16xf32, #tpu.memory_space<vmem>>
        tpu.wait_dma2 semaphore(%run_scoped3A : memref<!tpu.dma_semaphore, #tpu.memory_space<semaphore_mem>>) src(%dma_wait3A_140 : memref<40x16xf32, #tpu.memory_space<vmem>>) dst(%dma_wait3A_137 : memref<40x16xf32, #tpu.memory_space<vmem_shared>>)
        tpu.yield
      }) : () -> ()
      %mul3A_111 = arith.constant 1000 : i32
      %mul3A_112 = arith.muli %arg1, %mul3A_111 : i32
      %add3A_113 = arith.constant 880 : i32
      %add3A_114 = arith.addi %mul3A_112, %add3A_113 : i32
      "tpu.region"() ({
        %run_scoped3A = tpu.sem_alloc : memref<!tpu.dma_semaphore, #tpu.memory_space<semaphore_mem>>
        %dma_start3A = arith.constant 0 : i32
        %dma_start3A_123 = arith.constant 0 : i32
        %dma_start3A_124 = tpu.memref_slice %arg11[%dma_start3A, %dma_start3A_123] : memref<80x128xf32, #tpu.memory_space<vmem>> -> memref<40x128xf32, #tpu.memory_space<vmem>>
        %dma_start3A_125 = arith.constant 0 : i32
        %dma_start3A_126 = tpu.memref_slice %arg13[%add3A_114, %dma_start3A_125] : memref<10000x128xf32, #tpu.memory_space<vmem_shared>> -> memref<40x128xf32, #tpu.memory_space<vmem_shared>>
        %dma_start3A_127 = arith.constant 0 : i32
        %dma_start3A_128 = tpu.memref_slice %arg13[%add3A_114, %dma_start3A_127] : memref<10000x128xf32, #tpu.memory_space<vmem_shared>> -> memref<40x128xf32, #tpu.memory_space<vmem_shared>>
        %dma_start3A_129 = arith.constant 0 : i32
        %dma_start3A_130 = arith.constant 0 : i32
        %dma_start3A_131 = tpu.memref_slice %arg11[%dma_start3A_129, %dma_start3A_130] : memref<80x128xf32, #tpu.memory_space<vmem>> -> memref<40x128xf32, #tpu.memory_space<vmem>>
        tpu.enqueue_dma source(%dma_start3A_131 : memref<40x128xf32, #tpu.memory_space<vmem>>) target(%dma_start3A_128 : memref<40x128xf32, #tpu.memory_space<vmem_shared>>) target_semaphore(%run_scoped3A : memref<!tpu.dma_semaphore, #tpu.memory_space<semaphore_mem>>)
        %dma_wait3A = arith.constant 0 : i32
        %dma_wait3A_132 = arith.constant 0 : i32
        %dma_wait3A_133 = tpu.memref_slice %arg11[%dma_wait3A, %dma_wait3A_132] : memref<80x128xf32, #tpu.memory_space<vmem>> -> memref<40x128xf32, #tpu.memory_space<vmem>>
        %dma_wait3A_134 = arith.constant 0 : i32
        %dma_wait3A_135 = tpu.memref_slice %arg13[%add3A_114, %dma_wait3A_134] : memref<10000x128xf32, #tpu.memory_space<vmem_shared>> -> memref<40x128xf32, #tpu.memory_space<vmem_shared>>
        %dma_wait3A_136 = arith.constant 0 : i32
        %dma_wait3A_137 = tpu.memref_slice %arg13[%add3A_114, %dma_wait3A_136] : memref<10000x128xf32, #tpu.memory_space<vmem_shared>> -> memref<40x128xf32, #tpu.memory_space<vmem_shared>>
        %dma_wait3A_138 = arith.constant 0 : i32
        %dma_wait3A_139 = arith.constant 0 : i32
        %dma_wait3A_140 = tpu.memref_slice %arg11[%dma_wait3A_138, %dma_wait3A_139] : memref<80x128xf32, #tpu.memory_space<vmem>> -> memref<40x128xf32, #tpu.memory_space<vmem>>
        tpu.wait_dma2 semaphore(%run_scoped3A : memref<!tpu.dma_semaphore, #tpu.memory_space<semaphore_mem>>) src(%dma_wait3A_140 : memref<40x128xf32, #tpu.memory_space<vmem>>) dst(%dma_wait3A_137 : memref<40x128xf32, #tpu.memory_space<vmem_shared>>)
        tpu.yield
      }) : () -> ()
      "tpu.region"() ({
        %run_scoped3A = tpu.sem_alloc : memref<!tpu.dma_semaphore, #tpu.memory_space<semaphore_mem>>
        %dma_start3A = arith.constant 0 : i32
        %dma_start3A_123 = arith.constant 0 : i32
        %dma_start3A_124 = tpu.memref_slice %arg12[%dma_start3A, %dma_start3A_123] : memref<80x16xf32, #tpu.memory_space<vmem>> -> memref<40x16xf32, #tpu.memory_space<vmem>>
        %dma_start3A_125 = arith.constant 0 : i32
        %dma_start3A_126 = tpu.memref_slice %arg14[%add3A_114, %dma_start3A_125] : memref<10000x16xf32, #tpu.memory_space<vmem_shared>> -> memref<40x16xf32, #tpu.memory_space<vmem_shared>>
        %dma_start3A_127 = arith.constant 0 : i32
        %dma_start3A_128 = tpu.memref_slice %arg14[%add3A_114, %dma_start3A_127] : memref<10000x16xf32, #tpu.memory_space<vmem_shared>> -> memref<40x16xf32, #tpu.memory_space<vmem_shared>>
        %dma_start3A_129 = arith.constant 0 : i32
        %dma_start3A_130 = arith.constant 0 : i32
        %dma_start3A_131 = tpu.memref_slice %arg12[%dma_start3A_129, %dma_start3A_130] : memref<80x16xf32, #tpu.memory_space<vmem>> -> memref<40x16xf32, #tpu.memory_space<vmem>>
        tpu.enqueue_dma source(%dma_start3A_131 : memref<40x16xf32, #tpu.memory_space<vmem>>) target(%dma_start3A_128 : memref<40x16xf32, #tpu.memory_space<vmem_shared>>) target_semaphore(%run_scoped3A : memref<!tpu.dma_semaphore, #tpu.memory_space<semaphore_mem>>)
        %dma_wait3A = arith.constant 0 : i32
        %dma_wait3A_132 = arith.constant 0 : i32
        %dma_wait3A_133 = tpu.memref_slice %arg12[%dma_wait3A, %dma_wait3A_132] : memref<80x16xf32, #tpu.memory_space<vmem>> -> memref<40x16xf32, #tpu.memory_space<vmem>>
        %dma_wait3A_134 = arith.constant 0 : i32
        %dma_wait3A_135 = tpu.memref_slice %arg14[%add3A_114, %dma_wait3A_134] : memref<10000x16xf32, #tpu.memory_space<vmem_shared>> -> memref<40x16xf32, #tpu.memory_space<vmem_shared>>
        %dma_wait3A_136 = arith.constant 0 : i32
        %dma_wait3A_137 = tpu.memref_slice %arg14[%add3A_114, %dma_wait3A_136] : memref<10000x16xf32, #tpu.memory_space<vmem_shared>> -> memref<40x16xf32, #tpu.memory_space<vmem_shared>>
        %dma_wait3A_138 = arith.constant 0 : i32
        %dma_wait3A_139 = arith.constant 0 : i32
        %dma_wait3A_140 = tpu.memref_slice %arg12[%dma_wait3A_138, %dma_wait3A_139] : memref<80x16xf32, #tpu.memory_space<vmem>> -> memref<40x16xf32, #tpu.memory_space<vmem>>
        tpu.wait_dma2 semaphore(%run_scoped3A : memref<!tpu.dma_semaphore, #tpu.memory_space<semaphore_mem>>) src(%dma_wait3A_140 : memref<40x16xf32, #tpu.memory_space<vmem>>) dst(%dma_wait3A_137 : memref<40x16xf32, #tpu.memory_space<vmem_shared>>)
        tpu.yield
      }) : () -> ()
      %mul3A_115 = arith.constant 1000 : i32
      %mul3A_116 = arith.muli %arg1, %mul3A_115 : i32
      %add3A_117 = arith.constant 920 : i32
      %add3A_118 = arith.addi %mul3A_116, %add3A_117 : i32
      "tpu.region"() ({
        %run_scoped3A = tpu.sem_alloc : memref<!tpu.dma_semaphore, #tpu.memory_space<semaphore_mem>>
        %dma_start3A = arith.constant 0 : i32
        %dma_start3A_123 = arith.constant 0 : i32
        %dma_start3A_124 = tpu.memref_slice %arg11[%dma_start3A, %dma_start3A_123] : memref<80x128xf32, #tpu.memory_space<vmem>> -> memref<40x128xf32, #tpu.memory_space<vmem>>
        %dma_start3A_125 = arith.constant 0 : i32
        %dma_start3A_126 = tpu.memref_slice %arg13[%add3A_118, %dma_start3A_125] : memref<10000x128xf32, #tpu.memory_space<vmem_shared>> -> memref<40x128xf32, #tpu.memory_space<vmem_shared>>
        %dma_start3A_127 = arith.constant 0 : i32
        %dma_start3A_128 = tpu.memref_slice %arg13[%add3A_118, %dma_start3A_127] : memref<10000x128xf32, #tpu.memory_space<vmem_shared>> -> memref<40x128xf32, #tpu.memory_space<vmem_shared>>
        %dma_start3A_129 = arith.constant 0 : i32
        %dma_start3A_130 = arith.constant 0 : i32
        %dma_start3A_131 = tpu.memref_slice %arg11[%dma_start3A_129, %dma_start3A_130] : memref<80x128xf32, #tpu.memory_space<vmem>> -> memref<40x128xf32, #tpu.memory_space<vmem>>
        tpu.enqueue_dma source(%dma_start3A_131 : memref<40x128xf32, #tpu.memory_space<vmem>>) target(%dma_start3A_128 : memref<40x128xf32, #tpu.memory_space<vmem_shared>>) target_semaphore(%run_scoped3A : memref<!tpu.dma_semaphore, #tpu.memory_space<semaphore_mem>>)
        %dma_wait3A = arith.constant 0 : i32
        %dma_wait3A_132 = arith.constant 0 : i32
        %dma_wait3A_133 = tpu.memref_slice %arg11[%dma_wait3A, %dma_wait3A_132] : memref<80x128xf32, #tpu.memory_space<vmem>> -> memref<40x128xf32, #tpu.memory_space<vmem>>
        %dma_wait3A_134 = arith.constant 0 : i32
        %dma_wait3A_135 = tpu.memref_slice %arg13[%add3A_118, %dma_wait3A_134] : memref<10000x128xf32, #tpu.memory_space<vmem_shared>> -> memref<40x128xf32, #tpu.memory_space<vmem_shared>>
        %dma_wait3A_136 = arith.constant 0 : i32
        %dma_wait3A_137 = tpu.memref_slice %arg13[%add3A_118, %dma_wait3A_136] : memref<10000x128xf32, #tpu.memory_space<vmem_shared>> -> memref<40x128xf32, #tpu.memory_space<vmem_shared>>
        %dma_wait3A_138 = arith.constant 0 : i32
        %dma_wait3A_139 = arith.constant 0 : i32
        %dma_wait3A_140 = tpu.memref_slice %arg11[%dma_wait3A_138, %dma_wait3A_139] : memref<80x128xf32, #tpu.memory_space<vmem>> -> memref<40x128xf32, #tpu.memory_space<vmem>>
        tpu.wait_dma2 semaphore(%run_scoped3A : memref<!tpu.dma_semaphore, #tpu.memory_space<semaphore_mem>>) src(%dma_wait3A_140 : memref<40x128xf32, #tpu.memory_space<vmem>>) dst(%dma_wait3A_137 : memref<40x128xf32, #tpu.memory_space<vmem_shared>>)
        tpu.yield
      }) : () -> ()
      "tpu.region"() ({
        %run_scoped3A = tpu.sem_alloc : memref<!tpu.dma_semaphore, #tpu.memory_space<semaphore_mem>>
        %dma_start3A = arith.constant 0 : i32
        %dma_start3A_123 = arith.constant 0 : i32
        %dma_start3A_124 = tpu.memref_slice %arg12[%dma_start3A, %dma_start3A_123] : memref<80x16xf32, #tpu.memory_space<vmem>> -> memref<40x16xf32, #tpu.memory_space<vmem>>
        %dma_start3A_125 = arith.constant 0 : i32
        %dma_start3A_126 = tpu.memref_slice %arg14[%add3A_118, %dma_start3A_125] : memref<10000x16xf32, #tpu.memory_space<vmem_shared>> -> memref<40x16xf32, #tpu.memory_space<vmem_shared>>
        %dma_start3A_127 = arith.constant 0 : i32
        %dma_start3A_128 = tpu.memref_slice %arg14[%add3A_118, %dma_start3A_127] : memref<10000x16xf32, #tpu.memory_space<vmem_shared>> -> memref<40x16xf32, #tpu.memory_space<vmem_shared>>
        %dma_start3A_129 = arith.constant 0 : i32
        %dma_start3A_130 = arith.constant 0 : i32
        %dma_start3A_131 = tpu.memref_slice %arg12[%dma_start3A_129, %dma_start3A_130] : memref<80x16xf32, #tpu.memory_space<vmem>> -> memref<40x16xf32, #tpu.memory_space<vmem>>
        tpu.enqueue_dma source(%dma_start3A_131 : memref<40x16xf32, #tpu.memory_space<vmem>>) target(%dma_start3A_128 : memref<40x16xf32, #tpu.memory_space<vmem_shared>>) target_semaphore(%run_scoped3A : memref<!tpu.dma_semaphore, #tpu.memory_space<semaphore_mem>>)
        %dma_wait3A = arith.constant 0 : i32
        %dma_wait3A_132 = arith.constant 0 : i32
        %dma_wait3A_133 = tpu.memref_slice %arg12[%dma_wait3A, %dma_wait3A_132] : memref<80x16xf32, #tpu.memory_space<vmem>> -> memref<40x16xf32, #tpu.memory_space<vmem>>
        %dma_wait3A_134 = arith.constant 0 : i32
        %dma_wait3A_135 = tpu.memref_slice %arg14[%add3A_118, %dma_wait3A_134] : memref<10000x16xf32, #tpu.memory_space<vmem_shared>> -> memref<40x16xf32, #tpu.memory_space<vmem_shared>>
        %dma_wait3A_136 = arith.constant 0 : i32
        %dma_wait3A_137 = tpu.memref_slice %arg14[%add3A_118, %dma_wait3A_136] : memref<10000x16xf32, #tpu.memory_space<vmem_shared>> -> memref<40x16xf32, #tpu.memory_space<vmem_shared>>
        %dma_wait3A_138 = arith.constant 0 : i32
        %dma_wait3A_139 = arith.constant 0 : i32
        %dma_wait3A_140 = tpu.memref_slice %arg12[%dma_wait3A_138, %dma_wait3A_139] : memref<80x16xf32, #tpu.memory_space<vmem>> -> memref<40x16xf32, #tpu.memory_space<vmem>>
        tpu.wait_dma2 semaphore(%run_scoped3A : memref<!tpu.dma_semaphore, #tpu.memory_space<semaphore_mem>>) src(%dma_wait3A_140 : memref<40x16xf32, #tpu.memory_space<vmem>>) dst(%dma_wait3A_137 : memref<40x16xf32, #tpu.memory_space<vmem_shared>>)
        tpu.yield
      }) : () -> ()
      %mul3A_119 = arith.constant 1000 : i32
      %mul3A_120 = arith.muli %arg1, %mul3A_119 : i32
      %add3A_121 = arith.constant 960 : i32
      %add3A_122 = arith.addi %mul3A_120, %add3A_121 : i32
      "tpu.region"() ({
        %run_scoped3A = tpu.sem_alloc : memref<!tpu.dma_semaphore, #tpu.memory_space<semaphore_mem>>
        %dma_start3A = arith.constant 0 : i32
        %dma_start3A_123 = arith.constant 0 : i32
        %dma_start3A_124 = tpu.memref_slice %arg11[%dma_start3A, %dma_start3A_123] : memref<80x128xf32, #tpu.memory_space<vmem>> -> memref<40x128xf32, #tpu.memory_space<vmem>>
        %dma_start3A_125 = arith.constant 0 : i32
        %dma_start3A_126 = tpu.memref_slice %arg13[%add3A_122, %dma_start3A_125] : memref<10000x128xf32, #tpu.memory_space<vmem_shared>> -> memref<40x128xf32, #tpu.memory_space<vmem_shared>>
        %dma_start3A_127 = arith.constant 0 : i32
        %dma_start3A_128 = tpu.memref_slice %arg13[%add3A_122, %dma_start3A_127] : memref<10000x128xf32, #tpu.memory_space<vmem_shared>> -> memref<40x128xf32, #tpu.memory_space<vmem_shared>>
        %dma_start3A_129 = arith.constant 0 : i32
        %dma_start3A_130 = arith.constant 0 : i32
        %dma_start3A_131 = tpu.memref_slice %arg11[%dma_start3A_129, %dma_start3A_130] : memref<80x128xf32, #tpu.memory_space<vmem>> -> memref<40x128xf32, #tpu.memory_space<vmem>>
        tpu.enqueue_dma source(%dma_start3A_131 : memref<40x128xf32, #tpu.memory_space<vmem>>) target(%dma_start3A_128 : memref<40x128xf32, #tpu.memory_space<vmem_shared>>) target_semaphore(%run_scoped3A : memref<!tpu.dma_semaphore, #tpu.memory_space<semaphore_mem>>)
        %dma_wait3A = arith.constant 0 : i32
        %dma_wait3A_132 = arith.constant 0 : i32
        %dma_wait3A_133 = tpu.memref_slice %arg11[%dma_wait3A, %dma_wait3A_132] : memref<80x128xf32, #tpu.memory_space<vmem>> -> memref<40x128xf32, #tpu.memory_space<vmem>>
        %dma_wait3A_134 = arith.constant 0 : i32
        %dma_wait3A_135 = tpu.memref_slice %arg13[%add3A_122, %dma_wait3A_134] : memref<10000x128xf32, #tpu.memory_space<vmem_shared>> -> memref<40x128xf32, #tpu.memory_space<vmem_shared>>
        %dma_wait3A_136 = arith.constant 0 : i32
        %dma_wait3A_137 = tpu.memref_slice %arg13[%add3A_122, %dma_wait3A_136] : memref<10000x128xf32, #tpu.memory_space<vmem_shared>> -> memref<40x128xf32, #tpu.memory_space<vmem_shared>>
        %dma_wait3A_138 = arith.constant 0 : i32
        %dma_wait3A_139 = arith.constant 0 : i32
        %dma_wait3A_140 = tpu.memref_slice %arg11[%dma_wait3A_138, %dma_wait3A_139] : memref<80x128xf32, #tpu.memory_space<vmem>> -> memref<40x128xf32, #tpu.memory_space<vmem>>
        tpu.wait_dma2 semaphore(%run_scoped3A : memref<!tpu.dma_semaphore, #tpu.memory_space<semaphore_mem>>) src(%dma_wait3A_140 : memref<40x128xf32, #tpu.memory_space<vmem>>) dst(%dma_wait3A_137 : memref<40x128xf32, #tpu.memory_space<vmem_shared>>)
        tpu.yield
      }) : () -> ()
      "tpu.region"() ({
        %run_scoped3A = tpu.sem_alloc : memref<!tpu.dma_semaphore, #tpu.memory_space<semaphore_mem>>
        %dma_start3A = arith.constant 0 : i32
        %dma_start3A_123 = arith.constant 0 : i32
        %dma_start3A_124 = tpu.memref_slice %arg12[%dma_start3A, %dma_start3A_123] : memref<80x16xf32, #tpu.memory_space<vmem>> -> memref<40x16xf32, #tpu.memory_space<vmem>>
        %dma_start3A_125 = arith.constant 0 : i32
        %dma_start3A_126 = tpu.memref_slice %arg14[%add3A_122, %dma_start3A_125] : memref<10000x16xf32, #tpu.memory_space<vmem_shared>> -> memref<40x16xf32, #tpu.memory_space<vmem_shared>>
        %dma_start3A_127 = arith.constant 0 : i32
        %dma_start3A_128 = tpu.memref_slice %arg14[%add3A_122, %dma_start3A_127] : memref<10000x16xf32, #tpu.memory_space<vmem_shared>> -> memref<40x16xf32, #tpu.memory_space<vmem_shared>>
        %dma_start3A_129 = arith.constant 0 : i32
        %dma_start3A_130 = arith.constant 0 : i32
        %dma_start3A_131 = tpu.memref_slice %arg12[%dma_start3A_129, %dma_start3A_130] : memref<80x16xf32, #tpu.memory_space<vmem>> -> memref<40x16xf32, #tpu.memory_space<vmem>>
        tpu.enqueue_dma source(%dma_start3A_131 : memref<40x16xf32, #tpu.memory_space<vmem>>) target(%dma_start3A_128 : memref<40x16xf32, #tpu.memory_space<vmem_shared>>) target_semaphore(%run_scoped3A : memref<!tpu.dma_semaphore, #tpu.memory_space<semaphore_mem>>)
        %dma_wait3A = arith.constant 0 : i32
        %dma_wait3A_132 = arith.constant 0 : i32
        %dma_wait3A_133 = tpu.memref_slice %arg12[%dma_wait3A, %dma_wait3A_132] : memref<80x16xf32, #tpu.memory_space<vmem>> -> memref<40x16xf32, #tpu.memory_space<vmem>>
        %dma_wait3A_134 = arith.constant 0 : i32
        %dma_wait3A_135 = tpu.memref_slice %arg14[%add3A_122, %dma_wait3A_134] : memref<10000x16xf32, #tpu.memory_space<vmem_shared>> -> memref<40x16xf32, #tpu.memory_space<vmem_shared>>
        %dma_wait3A_136 = arith.constant 0 : i32
        %dma_wait3A_137 = tpu.memref_slice %arg14[%add3A_122, %dma_wait3A_136] : memref<10000x16xf32, #tpu.memory_space<vmem_shared>> -> memref<40x16xf32, #tpu.memory_space<vmem_shared>>
        %dma_wait3A_138 = arith.constant 0 : i32
        %dma_wait3A_139 = arith.constant 0 : i32
        %dma_wait3A_140 = tpu.memref_slice %arg12[%dma_wait3A_138, %dma_wait3A_139] : memref<80x16xf32, #tpu.memory_space<vmem>> -> memref<40x16xf32, #tpu.memory_space<vmem>>
        tpu.wait_dma2 semaphore(%run_scoped3A : memref<!tpu.dma_semaphore, #tpu.memory_space<semaphore_mem>>) src(%dma_wait3A_140 : memref<40x16xf32, #tpu.memory_space<vmem>>) dst(%dma_wait3A_137 : memref<40x16xf32, #tpu.memory_space<vmem_shared>>)
        tpu.yield
      }) : () -> ()
    } else {
    }
    %barrier3A = arith.constant 0 : index
    tpu.barrier barrier_id(%barrier3A)
    %scan3A_10 = arith.constant 0 : i32
    %scan3A_11 = arith.constant 0 : i32
    %scan3A_12 = arith.constant 125 : i32
    %scan3A_13 = arith.addi %scan3A_11, %scan3A_12 : i32
    %scan3A_14 = arith.constant 1 : i32
    %scan3A_15 = scf.for %scan3A_23 = %scan3A_11 to %scan3A_13 step %scan3A_14 iter_args(%scan3A_24 = %scan3A_10) -> (i32)  : i32 {
      %dma_start3A = arith.constant 0 : i32
      %dma_start3A_25 = tpu.memref_slice %arg8[%scan3A_23, %dma_start3A] : memref<125x80xi32, #tpu.memory_space<vmem>> -> memref<1x80xi32, #tpu.memory_space<vmem>>
      %dma_start3A_26 = tpu.memref_squeeze %dma_start3A_25 : memref<1x80xi32, #tpu.memory_space<vmem>> -> memref<80xi32, #tpu.memory_space<vmem>>
      %dma_start3A_27 = arith.constant 0 : i32
      %dma_start3A_28 = arith.constant 0 : i32
      %dma_start3A_29 = tpu.memref_slice %arg5[%dma_start3A_27, %dma_start3A_28] : memref<10000x128xf32, #tpu.memory_space<hbm>> -> memref<10000x128xf32, #tpu.memory_space<hbm>>
      tpu.enqueue_indirect_dma source(%dma_start3A_29 : memref<10000x128xf32, #tpu.memory_space<hbm>>) target(%arg11 : memref<80x128xf32, #tpu.memory_space<vmem>>) offsets(%dma_start3A_26 : memref<80xi32, #tpu.memory_space<vmem>>) semaphore(%arg15 : memref<!tpu.dma_semaphore, #tpu.memory_space<semaphore_mem>>)
      %mul3A_30 = arith.constant 80 : i32
      %mul3A_31 = arith.muli %scan3A_23, %mul3A_30 : i32
      "tpu.region"() ({
        %run_scoped3A = tpu.sem_alloc : memref<!tpu.dma_semaphore, #tpu.memory_space<semaphore_mem>>
        %dma_start3A_45 = arith.constant 0 : i32
        %dma_start3A_46 = tpu.memref_slice %arg4[%add3A, %dma_start3A_45] : memref<32x10000xf32, #tpu.memory_space<hbm>> -> memref<1x10000xf32, #tpu.memory_space<hbm>>
        %dma_start3A_47 = tpu.memref_squeeze %dma_start3A_46 : memref<1x10000xf32, #tpu.memory_space<hbm>> -> memref<10000xf32, #tpu.memory_space<hbm>>
        %dma_start3A_48 = tpu.memref_slice %dma_start3A_47[%mul3A_31] : memref<10000xf32, #tpu.memory_space<hbm>> -> memref<80xf32, #tpu.memory_space<hbm>>
        %dma_start3A_49 = arith.constant 0 : i32
        %dma_start3A_50 = tpu.memref_slice %arg4[%add3A, %dma_start3A_49] : memref<32x10000xf32, #tpu.memory_space<hbm>> -> memref<1x10000xf32, #tpu.memory_space<hbm>>
        %dma_start3A_51 = tpu.memref_squeeze %dma_start3A_50 : memref<1x10000xf32, #tpu.memory_space<hbm>> -> memref<10000xf32, #tpu.memory_space<hbm>>
        %dma_start3A_52 = tpu.memref_slice %dma_start3A_51[%mul3A_31] : memref<10000xf32, #tpu.memory_space<hbm>> -> memref<80xf32, #tpu.memory_space<hbm>>
        tpu.enqueue_dma source(%dma_start3A_52 : memref<80xf32, #tpu.memory_space<hbm>>) target(%arg10 : memref<80xf32, #tpu.memory_space<vmem>>) target_semaphore(%run_scoped3A : memref<!tpu.dma_semaphore, #tpu.memory_space<semaphore_mem>>)
        %dma_wait3A_53 = arith.constant 0 : i32
        %dma_wait3A_54 = tpu.memref_slice %arg4[%add3A, %dma_wait3A_53] : memref<32x10000xf32, #tpu.memory_space<hbm>> -> memref<1x10000xf32, #tpu.memory_space<hbm>>
        %dma_wait3A_55 = tpu.memref_squeeze %dma_wait3A_54 : memref<1x10000xf32, #tpu.memory_space<hbm>> -> memref<10000xf32, #tpu.memory_space<hbm>>
        %dma_wait3A_56 = tpu.memref_slice %dma_wait3A_55[%mul3A_31] : memref<10000xf32, #tpu.memory_space<hbm>> -> memref<80xf32, #tpu.memory_space<hbm>>
        %dma_wait3A_57 = arith.constant 0 : i32
        %dma_wait3A_58 = tpu.memref_slice %arg4[%add3A, %dma_wait3A_57] : memref<32x10000xf32, #tpu.memory_space<hbm>> -> memref<1x10000xf32, #tpu.memory_space<hbm>>
        %dma_wait3A_59 = tpu.memref_squeeze %dma_wait3A_58 : memref<1x10000xf32, #tpu.memory_space<hbm>> -> memref<10000xf32, #tpu.memory_space<hbm>>
        %dma_wait3A_60 = tpu.memref_slice %dma_wait3A_59[%mul3A_31] : memref<10000xf32, #tpu.memory_space<hbm>> -> memref<80xf32, #tpu.memory_space<hbm>>
        tpu.wait_dma2 semaphore(%run_scoped3A : memref<!tpu.dma_semaphore, #tpu.memory_space<semaphore_mem>>) src(%dma_wait3A_60 : memref<80xf32, #tpu.memory_space<hbm>>) dst(%arg10 : memref<80xf32, #tpu.memory_space<vmem>>)
        tpu.yield
      }) : () -> ()
      %dma_wait3A = arith.constant 0 : i32
      %dma_wait3A_32 = tpu.memref_slice %arg8[%scan3A_23, %dma_wait3A] : memref<125x80xi32, #tpu.memory_space<vmem>> -> memref<1x80xi32, #tpu.memory_space<vmem>>
      %dma_wait3A_33 = tpu.memref_squeeze %dma_wait3A_32 : memref<1x80xi32, #tpu.memory_space<vmem>> -> memref<80xi32, #tpu.memory_space<vmem>>
      %dma_wait3A_34 = arith.constant 0 : i32
      %dma_wait3A_35 = arith.constant 0 : i32
      %dma_wait3A_36 = tpu.memref_slice %arg5[%dma_wait3A_34, %dma_wait3A_35] : memref<10000x128xf32, #tpu.memory_space<hbm>> -> memref<10000x128xf32, #tpu.memory_space<hbm>>
      tpu.wait_indirect_dma semaphore(%arg15 : memref<!tpu.dma_semaphore, #tpu.memory_space<semaphore_mem>>) src(%dma_wait3A_36 : memref<10000x128xf32, #tpu.memory_space<hbm>>) dst(%arg11 : memref<80x128xf32, #tpu.memory_space<vmem>>)
      %scan3A_37 = arith.constant 0 : i32
      %scan3A_38 = arith.constant 0 : i32
      %scan3A_39 = arith.constant 80 : i32
      %scan3A_40 = arith.addi %scan3A_38, %scan3A_39 : i32
      %scan3A_41 = arith.constant 1 : i32
      %scan3A_42 = scf.for %scan3A_45 = %scan3A_38 to %scan3A_40 step %scan3A_41 iter_args(%scan3A_46 = %scan3A_37) -> (i32)  : i32 {
        %broadcast_in_dim3A_47 = vector.broadcast %scan3A_45 : i32 to vector<16xi32>
        %gather3A = tpu.vector_load_idx %arg10[%broadcast_in_dim3A_47] : memref<80xf32, #tpu.memory_space<vmem>>[vector<16xi32>], vector<16xf32>,
        %get3A = arith.index_cast %scan3A_45 : i32 to index
        %get3A_48 = arith.constant 0 : index
        %get3A_49 = tpu.vector_load %arg11[%get3A, %get3A_48] {strides = array<i32>} : memref<80x128xf32, #tpu.memory_space<vmem>>, vector<16xf32>,
        %mul3A_50 = arith.mulf %get3A_49, %gather3A : vector<16xf32>
        %swap3A = arith.index_cast %scan3A_45 : i32 to index
        %swap3A_51 = arith.constant 0 : index
        %swap3A_52 = tpu.vector_load %arg11[%swap3A, %swap3A_51] {strides = array<i32>} : memref<80x128xf32, #tpu.memory_space<vmem>>, vector<16xf32>,
        tpu.vector_store %arg11[%swap3A, %swap3A_51], %mul3A_50 {strides = array<i32>} : memref<80x128xf32, #tpu.memory_space<vmem>>, vector<16xf32>,
        %get3A_53 = arith.index_cast %scan3A_45 : i32 to index
        %get3A_54 = arith.constant 16 : index
        %get3A_55 = tpu.vector_load %arg11[%get3A_53, %get3A_54] {strides = array<i32>} : memref<80x128xf32, #tpu.memory_space<vmem>>, vector<16xf32>,
        %mul3A_56 = arith.mulf %get3A_55, %gather3A : vector<16xf32>
        %swap3A_57 = arith.index_cast %scan3A_45 : i32 to index
        %swap3A_58 = arith.constant 16 : index
        %swap3A_59 = tpu.vector_load %arg11[%swap3A_57, %swap3A_58] {strides = array<i32>} : memref<80x128xf32, #tpu.memory_space<vmem>>, vector<16xf32>,
        tpu.vector_store %arg11[%swap3A_57, %swap3A_58], %mul3A_56 {strides = array<i32>} : memref<80x128xf32, #tpu.memory_space<vmem>>, vector<16xf32>,
        %get3A_60 = arith.index_cast %scan3A_45 : i32 to index
        %get3A_61 = arith.constant 32 : index
        %get3A_62 = tpu.vector_load %arg11[%get3A_60, %get3A_61] {strides = array<i32>} : memref<80x128xf32, #tpu.memory_space<vmem>>, vector<16xf32>,
        %mul3A_63 = arith.mulf %get3A_62, %gather3A : vector<16xf32>
        %swap3A_64 = arith.index_cast %scan3A_45 : i32 to index
        %swap3A_65 = arith.constant 32 : index
        %swap3A_66 = tpu.vector_load %arg11[%swap3A_64, %swap3A_65] {strides = array<i32>} : memref<80x128xf32, #tpu.memory_space<vmem>>, vector<16xf32>,
        tpu.vector_store %arg11[%swap3A_64, %swap3A_65], %mul3A_63 {strides = array<i32>} : memref<80x128xf32, #tpu.memory_space<vmem>>, vector<16xf32>,
        %get3A_67 = arith.index_cast %scan3A_45 : i32 to index
        %get3A_68 = arith.constant 48 : index
        %get3A_69 = tpu.vector_load %arg11[%get3A_67, %get3A_68] {strides = array<i32>} : memref<80x128xf32, #tpu.memory_space<vmem>>, vector<16xf32>,
        %mul3A_70 = arith.mulf %get3A_69, %gather3A : vector<16xf32>
        %swap3A_71 = arith.index_cast %scan3A_45 : i32 to index
        %swap3A_72 = arith.constant 48 : index
        %swap3A_73 = tpu.vector_load %arg11[%swap3A_71, %swap3A_72] {strides = array<i32>} : memref<80x128xf32, #tpu.memory_space<vmem>>, vector<16xf32>,
        tpu.vector_store %arg11[%swap3A_71, %swap3A_72], %mul3A_70 {strides = array<i32>} : memref<80x128xf32, #tpu.memory_space<vmem>>, vector<16xf32>,
        %get3A_74 = arith.index_cast %scan3A_45 : i32 to index
        %get3A_75 = arith.constant 64 : index
        %get3A_76 = tpu.vector_load %arg11[%get3A_74, %get3A_75] {strides = array<i32>} : memref<80x128xf32, #tpu.memory_space<vmem>>, vector<16xf32>,
        %mul3A_77 = arith.mulf %get3A_76, %gather3A : vector<16xf32>
        %swap3A_78 = arith.index_cast %scan3A_45 : i32 to index
        %swap3A_79 = arith.constant 64 : index
        %swap3A_80 = tpu.vector_load %arg11[%swap3A_78, %swap3A_79] {strides = array<i32>} : memref<80x128xf32, #tpu.memory_space<vmem>>, vector<16xf32>,
        tpu.vector_store %arg11[%swap3A_78, %swap3A_79], %mul3A_77 {strides = array<i32>} : memref<80x128xf32, #tpu.memory_space<vmem>>, vector<16xf32>,
        %get3A_81 = arith.index_cast %scan3A_45 : i32 to index
        %get3A_82 = arith.constant 80 : index
        %get3A_83 = tpu.vector_load %arg11[%get3A_81, %get3A_82] {strides = array<i32>} : memref<80x128xf32, #tpu.memory_space<vmem>>, vector<16xf32>,
        %mul3A_84 = arith.mulf %get3A_83, %gather3A : vector<16xf32>
        %swap3A_85 = arith.index_cast %scan3A_45 : i32 to index
        %swap3A_86 = arith.constant 80 : index
        %swap3A_87 = tpu.vector_load %arg11[%swap3A_85, %swap3A_86] {strides = array<i32>} : memref<80x128xf32, #tpu.memory_space<vmem>>, vector<16xf32>,
        tpu.vector_store %arg11[%swap3A_85, %swap3A_86], %mul3A_84 {strides = array<i32>} : memref<80x128xf32, #tpu.memory_space<vmem>>, vector<16xf32>,
        %get3A_88 = arith.index_cast %scan3A_45 : i32 to index
        %get3A_89 = arith.constant 96 : index
        %get3A_90 = tpu.vector_load %arg11[%get3A_88, %get3A_89] {strides = array<i32>} : memref<80x128xf32, #tpu.memory_space<vmem>>, vector<16xf32>,
        %mul3A_91 = arith.mulf %get3A_90, %gather3A : vector<16xf32>
        %swap3A_92 = arith.index_cast %scan3A_45 : i32 to index
        %swap3A_93 = arith.constant 96 : index
        %swap3A_94 = tpu.vector_load %arg11[%swap3A_92, %swap3A_93] {strides = array<i32>} : memref<80x128xf32, #tpu.memory_space<vmem>>, vector<16xf32>,
        tpu.vector_store %arg11[%swap3A_92, %swap3A_93], %mul3A_91 {strides = array<i32>} : memref<80x128xf32, #tpu.memory_space<vmem>>, vector<16xf32>,
        %get3A_95 = arith.index_cast %scan3A_45 : i32 to index
        %get3A_96 = arith.constant 112 : index
        %get3A_97 = tpu.vector_load %arg11[%get3A_95, %get3A_96] {strides = array<i32>} : memref<80x128xf32, #tpu.memory_space<vmem>>, vector<16xf32>,
        %mul3A_98 = arith.mulf %get3A_97, %gather3A : vector<16xf32>
        %swap3A_99 = arith.index_cast %scan3A_45 : i32 to index
        %swap3A_100 = arith.constant 112 : index
        %swap3A_101 = tpu.vector_load %arg11[%swap3A_99, %swap3A_100] {strides = array<i32>} : memref<80x128xf32, #tpu.memory_space<vmem>>, vector<16xf32>,
        tpu.vector_store %arg11[%swap3A_99, %swap3A_100], %mul3A_98 {strides = array<i32>} : memref<80x128xf32, #tpu.memory_space<vmem>>, vector<16xf32>,
        %swap3A_102 = arith.index_cast %scan3A_45 : i32 to index
        %swap3A_103 = arith.constant 0 : index
        %swap3A_104 = tpu.vector_load %arg12[%swap3A_102, %swap3A_103] {strides = array<i32>} : memref<80x16xf32, #tpu.memory_space<vmem>>, vector<16xf32>,
        tpu.vector_store %arg12[%swap3A_102, %swap3A_103], %gather3A {strides = array<i32>} : memref<80x16xf32, #tpu.memory_space<vmem>>, vector<16xf32>,
        %scan3A_105 = arith.constant 0 : i32
        scf.yield %scan3A_105 : i32
      }
      %scan3A_43 = arith.constant 80 : i32
      "tpu.region"() ({
        %run_scoped3A = tpu.sem_alloc : memref<!tpu.dma_semaphore, #tpu.memory_space<semaphore_mem>>
        %dma_start3A_45 = arith.constant 0 : i32
        %dma_start3A_46 = tpu.memref_slice %arg9[%scan3A_23, %dma_start3A_45] : memref<125x80xi32, #tpu.memory_space<vmem>> -> memref<1x80xi32, #tpu.memory_space<vmem>>
        %dma_start3A_47 = tpu.memref_squeeze %dma_start3A_46 : memref<1x80xi32, #tpu.memory_space<vmem>> -> memref<80xi32, #tpu.memory_space<vmem>>
        %dma_start3A_48 = arith.constant 0 : i32
        %dma_start3A_49 = arith.constant 0 : i32
        %dma_start3A_50 = tpu.memref_slice %arg13[%dma_start3A_48, %dma_start3A_49] : memref<10000x128xf32, #tpu.memory_space<vmem_shared>> -> memref<10000x128xf32, #tpu.memory_space<vmem_shared>>
        tpu.enqueue_indirect_dma source(%arg11 : memref<80x128xf32, #tpu.memory_space<vmem>>) target(%dma_start3A_50 : memref<10000x128xf32, #tpu.memory_space<vmem_shared>>) offsets(%dma_start3A_47 : memref<80xi32, #tpu.memory_space<vmem>>) semaphore(%run_scoped3A : memref<!tpu.dma_semaphore, #tpu.memory_space<semaphore_mem>>) {add = true}
        %dma_wait3A_51 = arith.constant 0 : i32
        %dma_wait3A_52 = tpu.memref_slice %arg9[%scan3A_23, %dma_wait3A_51] : memref<125x80xi32, #tpu.memory_space<vmem>> -> memref<1x80xi32, #tpu.memory_space<vmem>>
        %dma_wait3A_53 = tpu.memref_squeeze %dma_wait3A_52 : memref<1x80xi32, #tpu.memory_space<vmem>> -> memref<80xi32, #tpu.memory_space<vmem>>
        %dma_wait3A_54 = arith.constant 0 : i32
        %dma_wait3A_55 = arith.constant 0 : i32
        %dma_wait3A_56 = tpu.memref_slice %arg13[%dma_wait3A_54, %dma_wait3A_55] : memref<10000x128xf32, #tpu.memory_space<vmem_shared>> -> memref<10000x128xf32, #tpu.memory_space<vmem_shared>>
        tpu.wait_indirect_dma semaphore(%run_scoped3A : memref<!tpu.dma_semaphore, #tpu.memory_space<semaphore_mem>>) src(%arg11 : memref<80x128xf32, #tpu.memory_space<vmem>>) dst(%dma_wait3A_56 : memref<10000x128xf32, #tpu.memory_space<vmem_shared>>)
        tpu.yield
      }) : () -> ()
      "tpu.region"() ({
        %run_scoped3A = tpu.sem_alloc : memref<!tpu.dma_semaphore, #tpu.memory_space<semaphore_mem>>
        %dma_start3A_45 = arith.constant 0 : i32
        %dma_start3A_46 = tpu.memref_slice %arg9[%scan3A_23, %dma_start3A_45] : memref<125x80xi32, #tpu.memory_space<vmem>> -> memref<1x80xi32, #tpu.memory_space<vmem>>
        %dma_start3A_47 = tpu.memref_squeeze %dma_start3A_46 : memref<1x80xi32, #tpu.memory_space<vmem>> -> memref<80xi32, #tpu.memory_space<vmem>>
        %dma_start3A_48 = arith.constant 0 : i32
        %dma_start3A_49 = arith.constant 0 : i32
        %dma_start3A_50 = tpu.memref_slice %arg14[%dma_start3A_48, %dma_start3A_49] : memref<10000x16xf32, #tpu.memory_space<vmem_shared>> -> memref<10000x16xf32, #tpu.memory_space<vmem_shared>>
        tpu.enqueue_indirect_dma source(%arg12 : memref<80x16xf32, #tpu.memory_space<vmem>>) target(%dma_start3A_50 : memref<10000x16xf32, #tpu.memory_space<vmem_shared>>) offsets(%dma_start3A_47 : memref<80xi32, #tpu.memory_space<vmem>>) semaphore(%run_scoped3A : memref<!tpu.dma_semaphore, #tpu.memory_space<semaphore_mem>>) {add = true}
        %dma_wait3A_51 = arith.constant 0 : i32
        %dma_wait3A_52 = tpu.memref_slice %arg9[%scan3A_23, %dma_wait3A_51] : memref<125x80xi32, #tpu.memory_space<vmem>> -> memref<1x80xi32, #tpu.memory_space<vmem>>
        %dma_wait3A_53 = tpu.memref_squeeze %dma_wait3A_52 : memref<1x80xi32, #tpu.memory_space<vmem>> -> memref<80xi32, #tpu.memory_space<vmem>>
        %dma_wait3A_54 = arith.constant 0 : i32
        %dma_wait3A_55 = arith.constant 0 : i32
        %dma_wait3A_56 = tpu.memref_slice %arg14[%dma_wait3A_54, %dma_wait3A_55] : memref<10000x16xf32, #tpu.memory_space<vmem_shared>> -> memref<10000x16xf32, #tpu.memory_space<vmem_shared>>
        tpu.wait_indirect_dma semaphore(%run_scoped3A : memref<!tpu.dma_semaphore, #tpu.memory_space<semaphore_mem>>) src(%arg12 : memref<80x16xf32, #tpu.memory_space<vmem>>) dst(%dma_wait3A_56 : memref<10000x16xf32, #tpu.memory_space<vmem_shared>>)
        tpu.yield
      }) : () -> ()
      %scan3A_44 = arith.constant 0 : i32
      scf.yield %scan3A_44 : i32
    }
    %scan3A_16 = arith.constant 125 : i32
    %barrier3A_17 = arith.constant 0 : index
    tpu.barrier barrier_id(%barrier3A_17)
    %lt3A_18 = arith.constant 10 : i32
    %lt3A_19 = arith.cmpi slt, %arg1, %lt3A_18 : i32
    %convert_element_type3A_20 = arith.extui %lt3A_19 : i1 to i32
    %cond3A_21 = arith.constant 0 : i32
    %cond3A_22 = arith.cmpi ne, %convert_element_type3A_20, %cond3A_21 : i32
    scf.if %cond3A_22 {
      %mul3A_23 = arith.constant 1000 : i32
      %mul3A_24 = arith.muli %arg1, %mul3A_23 : i32
      %mul3A_25 = arith.constant 1000 : i32
      %mul3A_26 = arith.muli %arg1, %mul3A_25 : i32
      "tpu.region"() ({
        %run_scoped3A = tpu.sem_alloc : memref<!tpu.dma_semaphore, #tpu.memory_space<semaphore_mem>>
        %dma_start3A = arith.constant 0 : i32
        %dma_start3A_31 = arith.constant 0 : i32
        %dma_start3A_32 = tpu.memref_slice %arg6[%arg0, %dma_start3A, %dma_start3A_31] : memref<2x10000x128xf32, #tpu.memory_space<hbm>> -> memref<1x10000x128xf32, #tpu.memory_space<hbm>>
        %dma_start3A_33 = tpu.memref_squeeze %dma_start3A_32 : memref<1x10000x128xf32, #tpu.memory_space<hbm>> -> memref<10000x128xf32, #tpu.memory_space<hbm>>
        %dma_start3A_34 = arith.constant 0 : i32
        %dma_start3A_35 = tpu.memref_slice %dma_start3A_33[%mul3A_26, %dma_start3A_34] : memref<10000x128xf32, #tpu.memory_space<hbm>> -> memref<1000x128xf32, #tpu.memory_space<hbm>>
        %dma_start3A_36 = arith.constant 0 : i32
        %dma_start3A_37 = tpu.memref_slice %arg13[%mul3A_24, %dma_start3A_36] : memref<10000x128xf32, #tpu.memory_space<vmem_shared>> -> memref<1000x128xf32, #tpu.memory_space<vmem_shared>>
        tpu.enqueue_dma source(%dma_start3A_37 : memref<1000x128xf32, #tpu.memory_space<vmem_shared>>) target(%dma_start3A_35 : memref<1000x128xf32, #tpu.memory_space<hbm>>) target_semaphore(%run_scoped3A : memref<!tpu.dma_semaphore, #tpu.memory_space<semaphore_mem>>)
        %dma_wait3A = arith.constant 0 : i32
        %dma_wait3A_38 = arith.constant 0 : i32
        %dma_wait3A_39 = tpu.memref_slice %arg6[%arg0, %dma_wait3A, %dma_wait3A_38] : memref<2x10000x128xf32, #tpu.memory_space<hbm>> -> memref<1x10000x128xf32, #tpu.memory_space<hbm>>
        %dma_wait3A_40 = tpu.memref_squeeze %dma_wait3A_39 : memref<1x10000x128xf32, #tpu.memory_space<hbm>> -> memref<10000x128xf32, #tpu.memory_space<hbm>>
        %dma_wait3A_41 = arith.constant 0 : i32
        %dma_wait3A_42 = tpu.memref_slice %dma_wait3A_40[%mul3A_26, %dma_wait3A_41] : memref<10000x128xf32, #tpu.memory_space<hbm>> -> memref<1000x128xf32, #tpu.memory_space<hbm>>
        %dma_wait3A_43 = arith.constant 0 : i32
        %dma_wait3A_44 = tpu.memref_slice %arg13[%mul3A_24, %dma_wait3A_43] : memref<10000x128xf32, #tpu.memory_space<vmem_shared>> -> memref<1000x128xf32, #tpu.memory_space<vmem_shared>>
        tpu.wait_dma2 semaphore(%run_scoped3A : memref<!tpu.dma_semaphore, #tpu.memory_space<semaphore_mem>>) src(%dma_wait3A_44 : memref<1000x128xf32, #tpu.memory_space<vmem_shared>>) dst(%dma_wait3A_42 : memref<1000x128xf32, #tpu.memory_space<hbm>>)
        tpu.yield
      }) : () -> ()
      %mul3A_27 = arith.constant 1000 : i32
      %mul3A_28 = arith.muli %arg1, %mul3A_27 : i32
      %mul3A_29 = arith.constant 1000 : i32
      %mul3A_30 = arith.muli %arg1, %mul3A_29 : i32
      "tpu.region"() ({
        %run_scoped3A = tpu.sem_alloc : memref<!tpu.dma_semaphore, #tpu.memory_space<semaphore_mem>>
        %dma_start3A = arith.constant 0 : i32
        %dma_start3A_31 = arith.constant 0 : i32
        %dma_start3A_32 = tpu.memref_slice %arg7[%arg0, %dma_start3A, %dma_start3A_31] : memref<2x10000x16xf32, #tpu.memory_space<hbm>> -> memref<1x10000x16xf32, #tpu.memory_space<hbm>>
        %dma_start3A_33 = tpu.memref_squeeze %dma_start3A_32 : memref<1x10000x16xf32, #tpu.memory_space<hbm>> -> memref<10000x16xf32, #tpu.memory_space<hbm>>
        %dma_start3A_34 = arith.constant 0 : i32
        %dma_start3A_35 = tpu.memref_slice %dma_start3A_33[%mul3A_30, %dma_start3A_34] : memref<10000x16xf32, #tpu.memory_space<hbm>> -> memref<1000x16xf32, #tpu.memory_space<hbm>>
        %dma_start3A_36 = arith.constant 0 : i32
        %dma_start3A_37 = tpu.memref_slice %arg14[%mul3A_28, %dma_start3A_36] : memref<10000x16xf32, #tpu.memory_space<vmem_shared>> -> memref<1000x16xf32, #tpu.memory_space<vmem_shared>>
        tpu.enqueue_dma source(%dma_start3A_37 : memref<1000x16xf32, #tpu.memory_space<vmem_shared>>) target(%dma_start3A_35 : memref<1000x16xf32, #tpu.memory_space<hbm>>) target_semaphore(%run_scoped3A : memref<!tpu.dma_semaphore, #tpu.memory_space<semaphore_mem>>)
        %dma_wait3A = arith.constant 0 : i32
        %dma_wait3A_38 = arith.constant 0 : i32
        %dma_wait3A_39 = tpu.memref_slice %arg7[%arg0, %dma_wait3A, %dma_wait3A_38] : memref<2x10000x16xf32, #tpu.memory_space<hbm>> -> memref<1x10000x16xf32, #tpu.memory_space<hbm>>
        %dma_wait3A_40 = tpu.memref_squeeze %dma_wait3A_39 : memref<1x10000x16xf32, #tpu.memory_space<hbm>> -> memref<10000x16xf32, #tpu.memory_space<hbm>>
        %dma_wait3A_41 = arith.constant 0 : i32
        %dma_wait3A_42 = tpu.memref_slice %dma_wait3A_40[%mul3A_30, %dma_wait3A_41] : memref<10000x16xf32, #tpu.memory_space<hbm>> -> memref<1000x16xf32, #tpu.memory_space<hbm>>
        %dma_wait3A_43 = arith.constant 0 : i32
        %dma_wait3A_44 = tpu.memref_slice %arg14[%mul3A_28, %dma_wait3A_43] : memref<10000x16xf32, #tpu.memory_space<vmem_shared>> -> memref<1000x16xf32, #tpu.memory_space<vmem_shared>>
        tpu.wait_dma2 semaphore(%run_scoped3A : memref<!tpu.dma_semaphore, #tpu.memory_space<semaphore_mem>>) src(%dma_wait3A_44 : memref<1000x16xf32, #tpu.memory_space<vmem_shared>>) dst(%dma_wait3A_42 : memref<1000x16xf32, #tpu.memory_space<hbm>>)
        tpu.yield
      }) : () -> ()
    } else {
    }
    return
  }
}

module attributes {stable_mosaic.version = 14 : i64} {
  func.func @_proj_body(%arg0: i32, %arg1: memref<1000x128xf32, #tpu.memory_space<vmem>>, %arg2: memref<128x128xf32, #tpu.memory_space<vmem>>, %arg3: memref<1x128xf32, #tpu.memory_space<vmem>>, %arg4: memref<128x128xf32, #tpu.memory_space<vmem>>, %arg5: memref<1000x128xf32, #tpu.memory_space<vmem>>, %arg6: memref<1000x128xf32, #tpu.memory_space<vmem>>) attributes {dimension_semantics = [#tpu.dimension_semantics<arbitrary>], iteration_bounds = array<i64: 10>, scalar_prefetch = 0 : i64, scratch_operands = 0 : i64, tpu.core_type = #tpu.core_type<tc>, window_params = [{transform_indices = @transform_0, window_bounds = array<i64: 1000, 128>}, {pipeline_mode = #tpu.pipeline_mode<synchronous>, transform_indices = @transform_1, window_bounds = array<i64: 128, 128>}, {pipeline_mode = #tpu.pipeline_mode<synchronous>, transform_indices = @transform_2, window_bounds = array<i64: 1, 128>}, {pipeline_mode = #tpu.pipeline_mode<synchronous>, transform_indices = @transform_3, window_bounds = array<i64: 128, 128>}, {transform_indices = @transform_4, window_bounds = array<i64: 1000, 128>}, {transform_indices = @transform_5, window_bounds = array<i64: 1000, 128>}]} {
    %get3A = arith.constant 0 : index
    %get3A_0 = arith.constant 0 : index
    %get3A_1 = vector.load %arg1[%get3A, %get3A_0] : memref<1000x128xf32, #tpu.memory_space<vmem>>, vector<1000x128xf32>
    %get3A_2 = arith.constant 0 : index
    %get3A_3 = arith.constant 0 : index
    %get3A_4 = vector.load %arg2[%get3A_2, %get3A_3] : memref<128x128xf32, #tpu.memory_space<vmem>>, vector<128x128xf32>
    %dot_general3A = arith.constant dense<0.000000e+00> : vector<1000x128xf32>
    %dot_general3A_5 = tpu.matmul %get3A_1, %get3A_4, %dot_general3A {dimension_numbers = #tpu.dot_dimension_numbers<[1], [0], [0], [1], [0, 0, 1, 1], [], []>, transpose_lhs_hint = false} : vector<1000x128xf32>, vector<128x128xf32>, vector<1000x128xf32> -> vector<1000x128xf32>
    %get3A_6 = arith.constant 0 : index
    %get3A_7 = arith.constant 0 : index
    %get3A_8 = vector.load %arg3[%get3A_6, %get3A_7] : memref<1x128xf32, #tpu.memory_space<vmem>>, vector<1x128xf32>
    %add3A = vector.broadcast %get3A_8 : vector<1x128xf32> to vector<1000x128xf32>
    %add3A_9 = arith.addf %dot_general3A_5, %add3A : vector<1000x128xf32>
    %swap3A = arith.constant 0 : index
    %swap3A_10 = arith.constant 0 : index
    %swap3A_11 = vector.load %arg5[%swap3A, %swap3A_10] : memref<1000x128xf32, #tpu.memory_space<vmem>>, vector<1000x128xf32>
    tpu.vector_store %arg5[%swap3A, %swap3A_10], %add3A_9 {strides = array<i32>} : memref<1000x128xf32, #tpu.memory_space<vmem>>, vector<1000x128xf32>,
    %get3A_12 = arith.constant 0 : index
    %get3A_13 = arith.constant 0 : index
    %get3A_14 = vector.load %arg4[%get3A_12, %get3A_13] : memref<128x128xf32, #tpu.memory_space<vmem>>, vector<128x128xf32>
    %dot_general3A_15 = arith.constant dense<0.000000e+00> : vector<1000x128xf32>
    %dot_general3A_16 = tpu.matmul %add3A_9, %get3A_14, %dot_general3A_15 {dimension_numbers = #tpu.dot_dimension_numbers<[1], [0], [0], [1], [0, 0, 1, 1], [], []>, transpose_lhs_hint = false} : vector<1000x128xf32>, vector<128x128xf32>, vector<1000x128xf32> -> vector<1000x128xf32>
    %swap3A_17 = arith.constant 0 : index
    %swap3A_18 = arith.constant 0 : index
    %swap3A_19 = vector.load %arg6[%swap3A_17, %swap3A_18] : memref<1000x128xf32, #tpu.memory_space<vmem>>, vector<1000x128xf32>
    tpu.vector_store %arg6[%swap3A_17, %swap3A_18], %dot_general3A_16 {strides = array<i32>} : memref<1000x128xf32, #tpu.memory_space<vmem>>, vector<1000x128xf32>,
    return
  }
  func.func @transform_0(%arg0: i32) -> (i32, i32) {
    %c0_i32 = arith.constant 0 : i32
    %c0_i32_0 = arith.constant 0 : i32
    return %arg0, %c0_i32 : i32, i32
  }
  func.func @transform_1(%arg0: i32) -> (i32, i32) {
    %c0_i32 = arith.constant 0 : i32
    %c0_i32_0 = arith.constant 0 : i32
    %c0_i32_1 = arith.constant 0 : i32
    return %c0_i32, %c0_i32_0 : i32, i32
  }
  func.func @transform_2(%arg0: i32) -> (i32, i32) {
    %c0_i32 = arith.constant 0 : i32
    %c0_i32_0 = arith.constant 0 : i32
    %c0_i32_1 = arith.constant 0 : i32
    return %c0_i32, %c0_i32_0 : i32, i32
  }
  func.func @transform_3(%arg0: i32) -> (i32, i32) {
    %c0_i32 = arith.constant 0 : i32
    %c0_i32_0 = arith.constant 0 : i32
    %c0_i32_1 = arith.constant 0 : i32
    return %c0_i32, %c0_i32_0 : i32, i32
  }
  func.func @transform_4(%arg0: i32) -> (i32, i32) {
    %c0_i32 = arith.constant 0 : i32
    %c0_i32_0 = arith.constant 0 : i32
    return %arg0, %c0_i32 : i32, i32
  }
  func.func @transform_5(%arg0: i32) -> (i32, i32) {
    %c0_i32 = arith.constant 0 : i32
    %c0_i32_0 = arith.constant 0 : i32
    return %arg0, %c0_i32 : i32, i32
  }
}

module attributes {stable_mosaic.version = 14 : i64} {
  func.func @_combine_body(%arg0: i32, %arg1: memref<2x1000x128xf32, #tpu.memory_space<vmem>>, %arg2: memref<2x1000x16xf32, #tpu.memory_space<vmem>>, %arg3: memref<1000x128xf32, #tpu.memory_space<vmem>>) attributes {dimension_semantics = [#tpu.dimension_semantics<arbitrary>], iteration_bounds = array<i64: 10>, scalar_prefetch = 0 : i64, scratch_operands = 0 : i64, tpu.core_type = #tpu.core_type<tc>, window_params = [{transform_indices = @transform_0, window_bounds = array<i64: 2, 1000, 128>}, {transform_indices = @transform_1, window_bounds = array<i64: 2, 1000, 16>}, {transform_indices = @transform_2, window_bounds = array<i64: 1000, 128>}]} {
    %get3A = arith.constant 0 : index
    %get3A_0 = arith.constant 0 : index
    %get3A_1 = arith.constant 0 : index
    %get3A_2 = vector.load %arg1[%get3A, %get3A_0, %get3A_1] : memref<2x1000x128xf32, #tpu.memory_space<vmem>>, vector<1x1000x128xf32>
    %get3A_3 = vector.shape_cast %get3A_2 : vector<1x1000x128xf32> to vector<1000x128xf32>
    %get3A_4 = arith.constant 1 : index
    %get3A_5 = arith.constant 0 : index
    %get3A_6 = arith.constant 0 : index
    %get3A_7 = vector.load %arg1[%get3A_4, %get3A_5, %get3A_6] : memref<2x1000x128xf32, #tpu.memory_space<vmem>>, vector<1x1000x128xf32>
    %get3A_8 = vector.shape_cast %get3A_7 : vector<1x1000x128xf32> to vector<1000x128xf32>
    %add3A = arith.addf %get3A_3, %get3A_8 : vector<1000x128xf32>
    %get3A_9 = arith.constant 0 : index
    %get3A_10 = arith.constant 0 : index
    %get3A_11 = arith.constant 0 : index
    %get3A_12 = vector.load %arg2[%get3A_9, %get3A_10, %get3A_11] : memref<2x1000x16xf32, #tpu.memory_space<vmem>>, vector<1x1000x16xf32>
    %get3A_13 = vector.shape_cast %get3A_12 : vector<1x1000x16xf32> to vector<1000x16xf32>
    %get3A_14 = arith.constant 1 : index
    %get3A_15 = arith.constant 0 : index
    %get3A_16 = arith.constant 0 : index
    %get3A_17 = vector.load %arg2[%get3A_14, %get3A_15, %get3A_16] : memref<2x1000x16xf32, #tpu.memory_space<vmem>>, vector<1x1000x16xf32>
    %get3A_18 = vector.shape_cast %get3A_17 : vector<1x1000x16xf32> to vector<1000x16xf32>
    %add3A_19 = arith.addf %get3A_13, %get3A_18 : vector<1000x16xf32>
    %slice3A = vector.extract_strided_slice %add3A_19 {offsets = [0, 0], sizes = [1000, 1], strides = [1, 1]} : vector<1000x16xf32> to vector<1000x1xf32>
    %max3A = arith.constant 9.99999971E-10 : f32
    %max3A_20 = vector.broadcast %max3A : f32 to vector<1000x1xf32>
    %max3A_21 = arith.maximumf %slice3A, %max3A_20 : vector<1000x1xf32>
    %div3A = vector.broadcast %max3A_21 : vector<1000x1xf32> to vector<1000x128xf32>
    %div3A_22 = arith.divf %add3A, %div3A : vector<1000x128xf32>
    %swap3A = arith.constant 0 : index
    %swap3A_23 = arith.constant 0 : index
    %swap3A_24 = vector.load %arg3[%swap3A, %swap3A_23] : memref<1000x128xf32, #tpu.memory_space<vmem>>, vector<1000x128xf32>
    tpu.vector_store %arg3[%swap3A, %swap3A_23], %div3A_22 {strides = array<i32>} : memref<1000x128xf32, #tpu.memory_space<vmem>>, vector<1000x128xf32>,
    return
  }
  func.func @transform_0(%arg0: i32) -> (i32, i32, i32) {
    %c0_i32 = arith.constant 0 : i32
    %c0_i32_0 = arith.constant 0 : i32
    %c0_i32_1 = arith.constant 0 : i32
    return %c0_i32, %arg0, %c0_i32_0 : i32, i32, i32
  }
  func.func @transform_1(%arg0: i32) -> (i32, i32, i32) {
    %c0_i32 = arith.constant 0 : i32
    %c0_i32_0 = arith.constant 0 : i32
    %c0_i32_1 = arith.constant 0 : i32
    return %c0_i32, %arg0, %c0_i32_0 : i32, i32, i32
  }
  func.func @transform_2(%arg0: i32) -> (i32, i32) {
    %c0_i32 = arith.constant 0 : i32
    %c0_i32_0 = arith.constant 0 : i32
    return %arg0, %c0_i32 : i32, i32
  }
}

</mosaic_0001>

<sc_bundles>
// kernel: kernel.6.cloned.1.call-start
scs
__scs_entry_jumppad:
0x0: {  	(pc) =	sbr.rel $0x88, $3  }
0x1: {  	(tag) =	ssettag $0x0;
	lr =	simm.s32 $0x1  }
0x2: {  	[smem:$0x3F9C] =	sst lr;
	_ =	strace $0xD0000000  }
0x3: {  	_ = 	snop  }
0x4: {  	_ = 	snop  }
0x5: {  	_ = 	snop  }
0x6: {  	_ = 	snop  }
0x7: {  	_ = 	snop  }
__scs_overlays_trampoline_lowered:
0x8: {  	[smem:$0x3FAB] =	sst s0  }
0x9: {  	[smem:$0x3FAC] =	sst s1  }
0xa: {  	[smem:$0x3FAD] =	sst s2  }
0xb: {  	[smem:$0x3FAE] =	sst s3  }
0xc: {  	[smem:$0x3FAF] =	sst s4  }
0xd: {  	[smem:$0x3FB0] =	sst s5  }
0xe: {  	[smem:$0x3FB1] =	sst s6  }
0xf: {  	[smem:$0x3FB2] =	sst s7  }
0x10: {  	[smem:$0x3FB3] =	sst s8  }
0x11: {  	[smem:$0x3FB4] =	sst s9;
	s0 =	simm.s32 @!p0 $0x0  }
0x12: {  	s1 =	sld [smem:$0x3F9A];
	s0 =	simm.s32 @p0 $0x1  }
0x13: {  	[smem:$0x3FB5] =	sst s0;
	s0 =	simm.s32 @!p1 $0x0  }
0x14: {  	s2 =	sld [smem:$0x3F99];
	s0 =	simm.s32 @p1 $0x1  }
0x15: {  	[smem:$0x3FB6] =	sst s0;
	s0 =	simm.s32 @!p2 $0x0  }
0x16: {  	s3 =	sld [smem:$0x3FDB];
	s0 =	simm.s32 @p2 $0x1  }
0x17: {  	s4 =	simm.s32 $0x1BF5;
	[smem:$0x3FB8] =	sst s0  }
0x18: {  	s0 =	sld [smem:$0x3F9B];
	_ =	swait.ge [sflag:s4], $0x0  }
0x19: {  	s7 =	sld [smem:$0x3F9C]  }
0x1a: {  	s8 =	sadd.s32 $0xFFFFE003, lr  }
0x1b: {  	s9 =	sadd.s32 $0xFFFFFEF7, lr;
	s5 =	simm.s32 $0xFFFFFFFF;
	p2 =	slt.u32 s8, $0xFFFFF086  }
0x1c: {  	p1 =	slt.u32 s9, $0xF7A;
	s5 =	simm.s32 @!p2 $0x0  }
0x1d: {  	s5 =	simm.s32 @p1 $0x1;
	p0 =	seq.s32 s7, s2  }
0x1e: {  	s7 =	smul.u32 @!p0 $0xF7A, s2;
	p2 =	seq.s32 @!p0 s5, $0x0  }
0x1f: {  	s9 =	smul.u32 $0xF7A, s1;
	s8 =	simm.s32 @!p0 $0x1BF5;
	p2 =	por !p2, p0  }
0x20: {  	[sflag:s8] =	ssyncset.s32 @!p0 $0xFFFFF086;
	s6 =	sadd.s32 @!p0 s3, s7;
	s7 =	simm.s32 @!p0 $0x108  }
0x21: {  	s3 =	sadd.s32 s3, s9;
	s6 =	sadd.s32 @!p0 $0x88, s6;
	s7 =	simm.s32 @p2 $0x1082  }
0x22: {  	[simem:s7], [sflag:s8] =	dma.local @!p0 [hbm:s6], $0xF7A  }
0x23: {  	s9 =	sor.u32 $0xD0000000, s2;
	s6 =	simm.s32 $0x108;
	_ =	swait.ge @!p0 [sflag:s8], $0x0  }
0x24: {  	s3 =	sadd.s32 $0x88, s3;
	s6 =	simm.s32 @!p1 $0x1082;
	[sflag:s4] =	ssyncset.s32 $0xFFFFF086  }
0x25: {  	[simem:s6], [sflag:s4] =	dma.local [hbm:s3], $0xF7A  }
0x26: {  	[smem:$0x3F9C] =	sst s1;
	(tag) =	ssettag s2;
	_ =	strace s9  }
0x27: {  	s1 =	sld [smem:$0x3FAC]  }
0x28: {  	s2 =	sld [smem:$0x3FAD]  }
0x29: {  	s4 =	sld [smem:$0x3FAF]  }
0x2a: {  	p0 =	seq.s32 s5, $0x0;
	s5 =	sld [smem:$0x3FB0]  }
0x2b: {  	s6 =	sld [smem:$0x3FB1]  }
0x2c: {  	s7 =	sld [smem:$0x3FB2]  }
0x2d: {  	s3 =	simm.s32 $0x108;
	s8 =	sld [smem:$0x3FB3]  }
0x2e: {  	s3 =	simm.s32 @!p0 $0x1082;
	s9 =	sld [smem:$0x3FB4]  }
0x2f: {  	lr =	sadd.s32 s0, s3;
	s0 =	sld [smem:$0x3FAB]  }
0x30: {  	s3 =	sld [smem:$0x3FAE]  }
0x31: {  	[smem:$0x3FB7] =	sst s10  }
0x32: {  	s10 =	sld [smem:$0x3FB5];
	_ =	sdelay $0x3  }
0x33: {  	p0 =	seq.s32 s10, $0x1;
	s10 =	sld [smem:$0x3FB7];
	_ =	sdelay $0x3  }
0x34: {  	[smem:$0x3FB7] =	sst s10  }
0x35: {  	s10 =	sld [smem:$0x3FB6];
	_ =	sdelay $0x3  }
0x36: {  	p1 =	seq.s32 s10, $0x1;
	s10 =	sld [smem:$0x3FB7];
	_ =	sdelay $0x3  }
0x37: {  	[smem:$0x3FB7] =	sst s10  }
0x38: {  	s10 =	sld [smem:$0x3FB8]  }
0x39: {  	_ = 	snop;
	(pc) =	sbr.ind lr, $3  }
0x3a: {  	_ = 	snop  }
0x3b: {  	_ = 	snop  }
0x3c: {  	p2 =	seq.s32 s10, $0x1;
	s10 =	sld [smem:$0x3FB7]  }
0x3d: {  	_ =	shalt  }
0x3e: {  	_ =	shalt  }
0x3f: {  	_ =	shalt  }
0x40: {  	_ =	shalt  }
0x41: {  	_ =	shalt  }
0x42: {  	_ =	shalt  }
0x43: {  	_ =	shalt  }
0x44: {  	_ =	shalt  }
0x45: {  	_ =	shalt  }
0x46: {  	_ =	shalt  }
0x47: {  	_ =	shalt  }
0x48: {  	_ =	shalt  }
0x49: {  	_ =	shalt  }
0x4a: {  	_ =	shalt  }
0x4b: {  	_ =	shalt  }
0x4c: {  	_ =	shalt  }
0x4d: {  	_ =	shalt  }
0x4e: {  	_ =	shalt  }
0x4f: {  	_ =	shalt  }
0x50: {  	_ =	shalt  }
0x51: {  	_ =	shalt  }
0x52: {  	_ =	shalt  }
0x53: {  	_ =	shalt  }
0x54: {  	_ =	shalt  }
0x55: {  	_ =	shalt  }
0x56: {  	_ =	shalt  }
0x57: {  	_ =	shalt  }
0x58: {  	_ =	shalt  }
0x59: {  	_ =	shalt  }
0x5a: {  	_ =	shalt  }
0x5b: {  	_ =	shalt  }
0x5c: {  	_ =	shalt  }
0x5d: {  	_ =	shalt  }
0x5e: {  	_ =	shalt  }
0x5f: {  	_ =	shalt  }
0x60: {  	_ =	shalt  }
0x61: {  	_ =	shalt  }
0x62: {  	_ =	shalt  }
0x63: {  	_ =	shalt  }
0x64: {  	_ =	shalt  }
0x65: {  	_ =	shalt  }
0x66: {  	_ =	shalt  }
0x67: {  	_ =	shalt  }
0x68: {  	_ =	shalt  }
0x69: {  	_ =	shalt  }
0x6a: {  	_ =	shalt  }
0x6b: {  	_ =	shalt  }
0x6c: {  	_ =	shalt  }
0x6d: {  	_ =	shalt  }
0x6e: {  	_ =	shalt  }
0x6f: {  	_ =	shalt  }
0x70: {  	_ =	shalt  }
0x71: {  	_ =	shalt  }
0x72: {  	_ =	shalt  }
0x73: {  	_ =	shalt  }
0x74: {  	_ =	shalt  }
0x75: {  	_ =	shalt  }
0x76: {  	_ =	shalt  }
0x77: {  	_ =	shalt  }
0x78: {  	_ =	shalt  }
0x79: {  	_ =	shalt  }
0x7a: {  	_ =	shalt  }
0x7b: {  	_ =	shalt  }
0x7c: {  	_ =	shalt  }
0x7d: {  	_ =	shalt  }
0x7e: {  	_ =	shalt  }
0x7f: {  	_ =	shalt  }
0x80: {  	_ =	shalt  }
0x81: {  	_ =	shalt  }
0x82: {  	_ =	shalt  }
0x83: {  	_ =	shalt  }
0x84: {  	_ =	shalt  }
0x85: {  	_ =	shalt  }
0x86: {  	_ =	shalt  }
0x87: {  	_ =	shalt  }
.Lfunc_end0:
.L_simem_size_0:
called_computation_lowered:
.L_overlay_start_0:
0x88: {  	s2 =	sld [smem:$0x3FD9]  }
0x89: {  	s3 =	sld [smem:$0x3FFE];
	_ =	sdelay $0x1  }
0x8a: {  	s1 =	srdreg.scid  }
0x8b: {  	s0 =	sand.u32 $0x1, s1  }
0x8c: {  	s16 =	sshll.u32 s0, $0xA;
	s2 =	sadd.s32 s3, s2  }
0x8d: {  	s2 =	sadd.s32 s2, s16  }
0x8e: {  	[smem:$0x3FC3] =	sst s2  }
0x8f: {  	_ = 	snop  }
0x90: {  	(tm) =	ssettm $0x1  }
0x91: {  	s17 =	sld [smem:$0x3FFB];
	_ =	sdelay $0x3  }
0x92: {  	_ =	strace s17  }
0x93: {  	s2 =	sld [smem:$0x3FFC];
	_ =	sdelay $0x3  }
0x94: {  	_ =	strace s2  }
0x95: {  	s2 =	sld [smem:$0x3FFD];
	_ =	sdelay $0x3  }
0x96: {  	_ =	strace s2  }
0x97: {  	_ =	strace $0x8FFFFFFF  }
0x98: {  	s18 =	sld [smem:$0x3FDB];
	_ =	sdelay $0x1  }
0x99: {  	s19 =	simm.s32 $_scs_section_size  }
0x9a: {  	s4 =	simm.s32 $_size__tile_overlayer_lowered;
	s5 =	simm.s32 $_tile_overlayer_lowered  }
0x9b: {  	s22 =	simm.s32 $0x1BFF;
	s21 =	sshll.u32 s5, $0x1;
	s2 =	sadd.s32 s19, s18  }
0x9c: {  	s6 =	simm.s32 $0x0;
	s20 =	sshll.u32 s4, $0x1;
	s4 =	sadd.s32 s21, s2  }
0x9d: {  	[timem:s6], [sflag:s22] =	dma.local [hbm:s4], s20  }
0x9e: {  	_ =	swait.ge [sflag:s22], s20  }
0x9f: {  	s3 =	ssub.s32 $0x0, s20;
	[sflag:s22] =	ssyncset.done $0x0  }
0xa0: {  	[sflag:s22] =	ssyncadd.s32 s3;
	_ =	sdelay $0x1  }
0xa1: {  	s23 =	simm.s32 $0x1B8B  }
0xa2: {  	_ =	swait.ge [sflag:s23], $0x1  }
0xa3: {  	[sflag:s23] =	ssyncset.done $0x0  }
0xa4: {  	s25 =	simm.s32 $0x1B8E;
	s24 =	sld [smem:$0x3FFE];
	[sflag:s23] =	ssyncadd.s32 $0xFFFFFFFF  }
0xa5: {  	s26 =	simm.s32 $execute0_lowered;
	[smem:$0x3FD2] =	sst s25  }
0xa6: {  	s4 =	sshll.u32 s26, $0x1;
	_ =	strace $0x80000046;
	[dreg:$0x1] =	wrdreg $0xFFFFFFFF  }
0xa7: {  	s28 =	simm.s32 $_size_execute0_lowered;
	s2 =	sadd.s32 s2, s4;
	[dreg:$0x0] =	wrdreg $0x0  }
0xa8: {  	s4 =	sshll.u32 s28, $0x1;
	[dreg:$0x2] =	wrdreg s2  }
0xa9: {  	[dreg:$0x3] =	wrdreg s4  }
0xaa: {  	[dreg:$0x4] =	wrdreg $0xC0  }
0xab: {  	_ =	task [dreg:s6], $0x5FFFF  }
0xac: {  	[dreg:$0x1] =	wrdreg $0xFFFFFFFF  }
0xad: {  	[dreg:$0x0] =	wrdreg $0x60  }
0xae: {  	[dreg:$0x2] =	wrdreg s24  }
0xaf: {  	[dreg:$0x3] =	wrdreg $0x9  }
0xb0: {  	_ =	task.clear_ibuf [dreg:s6], $0x4FFFF;
	_ =	strace $0x90000046  }
0xb1: {  	s29 =	simm.s32 $0x9;
	_ =	strace $0x80000048  }
0xb2: {  	_ =	swait.ge [sflag:s29], $0x1  }
0xb3: {  	[sflag:s29] =	ssyncadd.s32 $0xFFFFFFFF  }
0xb4: {  	_ =	strace $0x90000048  }
0xb5: {  	_ =	sfence  }
0xb6: {  	s30 =	sld [smem:$0x0];
	_ =	sdelay $0x2  }
0xb7: {  	s31 =	sshll.u32 s1, $0xD;
	s1 =	sshrl.u32 s1, $0x2  }
0xb8: {  	s3 =	sand.u32 $0x4000, s31;
	s1 =	sadd.s32 s1, s30  }
0xb9: {  	s0 =	sor.u32 s3, s0;
	s1 =	sshll.u32 s1, $0x11  }
0xba: {  	s0 =	sor.u32 s1, s0  }
0xbb: {  	s0 =	sadd.s32 $0x8F2B, s0  }
0xbc: {  	[sflag:s0] =	ssyncadd.remote.s32 $0x1  }
0xbd: {  	_ =	sfence.sel $0xFFFF  }
0xbe: {  	[dreg:$0x0] =	wrdreg $0xFFFFFFFF;
	(pc) =	sbr.abs _section_cstart, $3  }
0xbf: {  	[dreg:$0x1] =	wrdreg $0xFFFFFFFF  }
0xc0: {  	_ =	task.clear_ibuf [dreg:s6], $0x2FFFF;
	_ =	strace $0x9FFFFFFF  }
0xc1: {  	(tm) =	ssettm $0x7FFFFFFF  }
tec
execute0_lowered:
.L_overlay_start_1:
0x0: {  	(tag) =	ssettag $0x1  }
0x1: {  	s0 =	srdreg.scid;
	s5 =	rddreg [dreg:$0x0]  }
0x2: {  	s1 =	stileid.u32;
	s2 =	simm.s32 $0x0;
	s9 =	simm.s32 $0x1  }
0x3: {  	s10 =	simm.s32 $0x2710;
	s11 =	simm.s32 $0x4E20;
	s3 =	sand.u32 $0x1, s0  }
0x4: {  	s12 =	simm.s32 $0x7530;
	s13 =	simm.s32 $0x9C40;
	s4 =	sshll.u32 s3, $0x4  }
0x5: {  	s14 =	simm.s32 $0x0;
	s0 =	rddreg [dreg:$0x1];
	s4 =	sor.u32 s1, s4  }
0x6: {  	[smem:$0x7FF] =	sst s2;
	s6 =	ssub.s32 $0x2, s3;
	s7 =	smul.u32 $0x4E2, s4  }
0x7: {  	_ =	strace $0x80000047;
	s3 =	sadd.s32 $0x14200, s5;
	s8 =	sshrl.u32 s6, $0x1  }
0x8: {  	s4 =	sadd.s32 $0x13C00, s5;
	s8 =	ssub.s32 s6, s8;
	s5 =	sadd.s32 s5, s7  }
0x9: {  	s8 =	smax.u32 s8, $0x1;
	s6 =	sadd.s32 $0x9E00, s5;
	s7 =	sadd.s32 $0x14800, s5  }
.LBB2_1:
0xa: {  	[tilespmem:s2], [sflag:$0x1] =	stream.linear.gather [hbm4b:s6+s2], $0x2710, $0x38;
	[tilespmem:$0xC350] =	vst v63  }
0xb: {  	_ =	swait.ge [sflag:s9], $0x2710  }
0xc: {  	[sflag:s9] =	ssyncset.done $0x0  }
0xd: {  	[sflag:s9] =	ssyncadd.s32 $0xFFFFD8F0  }
0xe: {  	[tilespmem:s10], [sflag:$0x1] =	stream.linear.gather [hbm4b:s5+s2], $0x2710, $0x38;
	[tilespmem:$0xC350] =	vst v63  }
0xf: {  	_ =	swait.ge [sflag:s9], $0x2710  }
0x10: {  	[sflag:s9] =	ssyncset.done $0x0  }
0x11: {  	[sflag:s9] =	ssyncadd.s32 $0xFFFFD8F0  }
0x12: {  	[tilespmem:s11], [sflag:$0x1] =	stream.linear.gather [hbm4b:s3+s2], $0x2710, $0x38;
	[tilespmem:$0xC350] =	vst v63  }
0x13: {  	_ =	swait.ge [sflag:s9], $0x2710  }
0x14: {  	[sflag:s9] =	ssyncset.done $0x0  }
0x15: {  	[sflag:s9] =	ssyncadd.s32 $0xFFFFD8F0  }
0x16: {  	[tilespmem:s12], [sflag:$0x1] =	stream.linear.gather [hbm4b:s4+s2], $0x2710, $0x38;
	[tilespmem:$0xC350] =	vst v63  }
0x17: {  	_ =	swait.ge [sflag:s9], $0x2710  }
0x18: {  	[sflag:s9] =	ssyncset.done $0x0  }
0x19: {  	s15 =	simm.s32 $0x40;
	[sflag:s9] =	ssyncadd.s32 $0xFFFFD8F0  }
0x1a: {  	v0 =	vld [tilespmem:s15+$0xFFFFFFC0]  }
0x1b: {  	v1 =	vld [tilespmem:s15+$0x26D0];
	_ =	sdelay $0x6  }
0x1c: {  	v0 =	vld.idx.msk [tilespmem:v0+s11+$0x0], $0xffff  }
0x1d: {  	v1 =	vld.idx.msk [tilespmem:v1+s12+$0x0], $0xffff;
	_ =	sdelay $0x4  }
0x1e: {  	v0 =	vadd.f32 v1, v0;
	_ =	sdelay $0x1  }
0x1f: {  	v1 =	vmul.f32 $9.999999770e-03, v0  }
0x20: {  	vm0 =	vgt.f32 v0, $0.0e+00  }
0x21: {  	v0 =	vsel vm0, v0, v1  }
0x22: {  	v0 =	vmul.f32 $1.442695020e+00, v0;
	_ =	sdelay $0x1  }
0x23: {  	(erf) = vpow2.f32 v0;
	_ =	sdelay $0x2  }
0x24: {  	v0 =	vld [tilespmem:s15+$0xFFFFFFD0]  }
0x25: {  	v1 =	vld [tilespmem:s15+$0x26E0];
	_ =	sdelay $0x4  }
0x26: {  	v2 =	vpop (erf)  }
0x27: {  	[tilespmem:s15+$0x9C00] =	vst v2  }
0x28: {  	v0 =	vld.idx.msk [tilespmem:v0+s11+$0x0], $0xffff  }
0x29: {  	v1 =	vld.idx.msk [tilespmem:v1+s12+$0x0], $0xffff;
	_ =	sdelay $0x4  }
0x2a: {  	v0 =	vadd.f32 v1, v0;
	_ =	sdelay $0x1  }
0x2b: {  	v1 =	vmul.f32 $9.999999770e-03, v0  }
0x2c: {  	vm12 =	vgt.f32 v0, $0.0e+00  }
0x2d: {  	v0 =	vsel vm12, v0, v1  }
0x2e: {  	v0 =	vmul.f32 $1.442695020e+00, v0;
	_ =	sdelay $0x1  }
0x2f: {  	(erf) = vpow2.f32 v0;
	_ =	sdelay $0x2  }
0x30: {  	v0 =	vld [tilespmem:s15+$0xFFFFFFE0]  }
0x31: {  	v1 =	vld [tilespmem:s15+$0x26F0];
	_ =	sdelay $0x4  }
0x32: {  	v2 =	vpop (erf)  }
0x33: {  	[tilespmem:s15+$0x9C10] =	vst v2  }
0x34: {  	v0 =	vld.idx.msk [tilespmem:v0+s11+$0x0], $0xffff  }
0x35: {  	v1 =	vld.idx.msk [tilespmem:v1+s12+$0x0], $0xffff;
	_ =	sdelay $0x4  }
0x36: {  	v0 =	vadd.f32 v1, v0;
	_ =	sdelay $0x1  }
0x37: {  	v1 =	vmul.f32 $9.999999770e-03, v0  }
0x38: {  	vm13 =	vgt.f32 v0, $0.0e+00  }
0x39: {  	v0 =	vsel vm13, v0, v1  }
0x3a: {  	v0 =	vmul.f32 $1.442695020e+00, v0;
	_ =	sdelay $0x1  }
0x3b: {  	(erf) = vpow2.f32 v0;
	_ =	sdelay $0x2  }
0x3c: {  	v0 =	vld [tilespmem:s15+$0xFFFFFFF0]  }
0x3d: {  	v1 =	vld [tilespmem:s15+$0x2700];
	_ =	sdelay $0x4  }
0x3e: {  	v2 =	vpop (erf)  }
0x3f: {  	[tilespmem:s15+$0x9C20] =	vst v2  }
0x40: {  	v0 =	vld.idx.msk [tilespmem:v0+s11+$0x0], $0xffff  }
0x41: {  	v1 =	vld.idx.msk [tilespmem:v1+s12+$0x0], $0xffff;
	_ =	sdelay $0x4  }
0x42: {  	v0 =	vadd.f32 v1, v0;
	_ =	sdelay $0x1  }
0x43: {  	v1 =	vmul.f32 $9.999999770e-03, v0  }
0x44: {  	vm14 =	vgt.f32 v0, $0.0e+00  }
0x45: {  	v0 =	vsel vm14, v0, v1  }
0x46: {  	v0 =	vmul.f32 $1.442695020e+00, v0;
	_ =	sdelay $0x1  }
0x47: {  	(erf) = vpow2.f32 v0;
	_ =	sdelay $0x2  }
0x48: {  	v0 =	vld [tilespmem:s15+$0x0]  }
0x49: {  	v1 =	vld [tilespmem:s15+$0x2710];
	_ =	sdelay $0x4  }
0x4a: {  	v2 =	vpop (erf)  }
0x4b: {  	[tilespmem:s15+$0x9C30] =	vst v2  }
0x4c: {  	v0 =	vld.idx.msk [tilespmem:v0+s11+$0x0], $0xffff  }
0x4d: {  	v1 =	vld.idx.msk [tilespmem:v1+s12+$0x0], $0xffff;
	_ =	sdelay $0x4  }
0x4e: {  	v0 =	vadd.f32 v1, v0;
	_ =	sdelay $0x1  }
0x4f: {  	v1 =	vmul.f32 $9.999999770e-03, v0  }
0x50: {  	vm15 =	vgt.f32 v0, $0.0e+00  }
0x51: {  	v0 =	vsel vm15, v0, v1  }
0x52: {  	v1 =	vmul.f32 $1.442695020e+00, v0;
	_ =	sdelay $0x1  }
0x53: {  	(erf) = vpow2.f32 v1;
	_ =	sdelay $0x1  }
0x54: {  	s18 =	simm.s32 $0x90  }
0x55: {  	v0 =	vld [tilespmem:s18+$0xFFFFFFC0]  }
0x56: {  	s16 =	simm.s32 $0x380;
	v1 =	vld [tilespmem:s18+$0x26D0]  }
.LBB2_2:
0x57: {  	p0 =	sne.s32 s16, $0x9C00;
	s17 =	smov.u32 s16;
	s16 =	sadd.s32 $0x140, s16  }
0x58: {  	_ =	sdelay $0x2  }
0x59: {  	v2 =	vpop (erf)  }
0x5a: {  	[tilespmem:s15+$0x9C40] =	vst v2;
	s15 =	smov.u32 s18  }
0x5b: {  	v0 =	vld.idx.msk [tilespmem:v0+s11+$0x0], $0xffff  }
0x5c: {  	v1 =	vld.idx.msk [tilespmem:v1+s12+$0x0], $0xffff;
	_ =	sdelay $0x5  }
0x5d: {  	v0 =	vadd.f32 v1, v0;
	_ =	sdelay $0x1  }
0x5e: {  	vm0 =	vgt.f32 v0, $0.0e+00;
	v1 =	vmul.f32 $9.999999770e-03, v0;
	_ =	sdelay $0x1  }
0x5f: {  	v0 =	vsel vm0, v0, v1  }
0x60: {  	v0 =	vmul.f32 $1.442695020e+00, v0;
	_ =	sdelay $0x1  }
0x61: {  	(erf) = vpow2.f32 v0;
	_ =	sdelay $0x1  }
0x62: {  	v0 =	vld [tilespmem:s15+$0x26E0]  }
0x63: {  	v1 =	vld [tilespmem:s15+$0xFFFFFFD0];
	_ =	sdelay $0x5  }
0x64: {  	v2 =	vpop (erf)  }
0x65: {  	[tilespmem:s15+$0x9C00] =	vst v2  }
0x66: {  	v1 =	vld.idx.msk [tilespmem:v1+s11+$0x0], $0xffff  }
0x67: {  	v0 =	vld.idx.msk [tilespmem:v0+s12+$0x0], $0xffff;
	_ =	sdelay $0x5  }
0x68: {  	v0 =	vadd.f32 v0, v1;
	_ =	sdelay $0x1  }
0x69: {  	vm0 =	vgt.f32 v0, $0.0e+00;
	v1 =	vmul.f32 $9.999999770e-03, v0;
	_ =	sdelay $0x1  }
0x6a: {  	v0 =	vsel vm0, v0, v1  }
0x6b: {  	v0 =	vmul.f32 $1.442695020e+00, v0;
	_ =	sdelay $0x1  }
0x6c: {  	(erf) = vpow2.f32 v0;
	_ =	sdelay $0x1  }
0x6d: {  	v0 =	vld [tilespmem:s15+$0x26F0]  }
0x6e: {  	v1 =	vld [tilespmem:s15+$0xFFFFFFE0];
	_ =	sdelay $0x5  }
0x6f: {  	v2 =	vpop (erf)  }
0x70: {  	[tilespmem:s15+$0x9C10] =	vst v2  }
0x71: {  	v1 =	vld.idx.msk [tilespmem:v1+s11+$0x0], $0xffff  }
0x72: {  	v0 =	vld.idx.msk [tilespmem:v0+s12+$0x0], $0xffff;
	_ =	sdelay $0x5  }
0x73: {  	v0 =	vadd.f32 v0, v1;
	_ =	sdelay $0x1  }
0x74: {  	vm0 =	vgt.f32 v0, $0.0e+00;
	v1 =	vmul.f32 $9.999999770e-03, v0;
	_ =	sdelay $0x1  }
0x75: {  	v0 =	vsel vm0, v0, v1  }
0x76: {  	v0 =	vmul.f32 $1.442695020e+00, v0;
	_ =	sdelay $0x1  }
0x77: {  	(erf) = vpow2.f32 v0;
	_ =	sdelay $0x1  }
0x78: {  	v0 =	vld [tilespmem:s15+$0x2700]  }
0x79: {  	v1 =	vld [tilespmem:s15+$0xFFFFFFF0];
	_ =	sdelay $0x5  }
0x7a: {  	v2 =	vpop (erf)  }
0x7b: {  	[tilespmem:s15+$0x9C20] =	vst v2  }
0x7c: {  	v1 =	vld.idx.msk [tilespmem:v1+s11+$0x0], $0xffff  }
0x7d: {  	v0 =	vld.idx.msk [tilespmem:v0+s12+$0x0], $0xffff;
	_ =	sdelay $0x5  }
0x7e: {  	v0 =	vadd.f32 v0, v1;
	_ =	sdelay $0x1  }
0x7f: {  	vm0 =	vgt.f32 v0, $0.0e+00;
	v1 =	vmul.f32 $9.999999770e-03, v0;
	_ =	sdelay $0x1  }
0x80: {  	v0 =	vsel vm0, v0, v1  }
0x81: {  	v0 =	vmul.f32 $1.442695020e+00, v0;
	_ =	sdelay $0x1  }
0x82: {  	(erf) = vpow2.f32 v0;
	_ =	sdelay $0x1  }
0x83: {  	v0 =	vld [tilespmem:s15+$0x2710]  }
0x84: {  	v1 =	vld [tilespmem:s15+$0x0];
	_ =	sdelay $0x5  }
0x85: {  	v2 =	vpop (erf)  }
0x86: {  	[tilespmem:s15+$0x9C30] =	vst v2  }
0x87: {  	v1 =	vld.idx.msk [tilespmem:v1+s11+$0x0], $0xffff  }
0x88: {  	v0 =	vld.idx.msk [tilespmem:v0+s12+$0x0], $0xffff;
	_ =	sdelay $0x5  }
0x89: {  	v0 =	vadd.f32 v0, v1;
	_ =	sdelay $0x1  }
0x8a: {  	vm0 =	vgt.f32 v0, $0.0e+00;
	v1 =	vmul.f32 $9.999999770e-03, v0;
	_ =	sdelay $0x1  }
0x8b: {  	v0 =	vsel vm0, v0, v1  }
0x8c: {  	v0 =	vmul.f32 $1.442695020e+00, v0;
	_ =	sdelay $0x1  }
.Ltmp0:
0x8d: {  	(erf) = vpow2.f32 v0;
	(pc) =	sbr.rel @p0 .LBB2_2-.Ltmp0, $4  }
0x8e: {  	_ = 	snop  }
0x8f: {  	s18 =	sshra.s32 s17, $0x2  }
0x90: {  	v0 =	vld [tilespmem:s18+$0xFFFFFFC0]  }
0x91: {  	v1 =	vld [tilespmem:s18+$0x26D0]  }
0x92: {  	_ =	sdelay $0x4  }
0x93: {  	v2 =	vpop (erf)  }
0x94: {  	[tilespmem:s15+$0x9C40] =	vst v2  }
0x95: {  	v0 =	vld.idx.msk [tilespmem:v0+s11+$0x0], $0xffff  }
0x96: {  	v1 =	vld.idx.msk [tilespmem:v1+s12+$0x0], $0xffff;
	_ =	sdelay $0x4  }
0x97: {  	v0 =	vadd.f32 v1, v0;
	_ =	sdelay $0x1  }
0x98: {  	v1 =	vmul.f32 $9.999999770e-03, v0  }
0x99: {  	vm0 =	vgt.f32 v0, $0.0e+00  }
0x9a: {  	v0 =	vsel vm0, v0, v1  }
0x9b: {  	v0 =	vmul.f32 $1.442695020e+00, v0;
	_ =	sdelay $0x1  }
0x9c: {  	(erf) = vpow2.f32 v0;
	_ =	sdelay $0x2  }
0x9d: {  	v52 =	vld [tilespmem:s18+$0xFFFFFFD0]  }
0x9e: {  	v53 =	vld [tilespmem:s18+$0x26E0];
	_ =	sdelay $0x4  }
0x9f: {  	v54 =	vpop (erf)  }
0xa0: {  	[tilespmem:s18+$0x9C00] =	vst v54  }
0xa1: {  	v0 =	vld.idx.msk [tilespmem:v52+s11+$0x0], $0xffff  }
0xa2: {  	v1 =	vld.idx.msk [tilespmem:v53+s12+$0x0], $0xffff;
	_ =	sdelay $0x4  }
0xa3: {  	v0 =	vadd.f32 v1, v0;
	_ =	sdelay $0x1  }
0xa4: {  	v1 =	vmul.f32 $9.999999770e-03, v0  }
0xa5: {  	vm12 =	vgt.f32 v0, $0.0e+00  }
0xa6: {  	v0 =	vsel vm12, v0, v1  }
0xa7: {  	v0 =	vmul.f32 $1.442695020e+00, v0;
	_ =	sdelay $0x1  }
0xa8: {  	(erf) = vpow2.f32 v0;
	_ =	sdelay $0x2  }
0xa9: {  	v55 =	vld [tilespmem:s18+$0xFFFFFFE0]  }
0xaa: {  	v56 =	vld [tilespmem:s18+$0x26F0];
	_ =	sdelay $0x4  }
0xab: {  	v57 =	vpop (erf)  }
0xac: {  	[tilespmem:s18+$0x9C10] =	vst v57  }
0xad: {  	v0 =	vld.idx.msk [tilespmem:v55+s11+$0x0], $0xffff  }
0xae: {  	v1 =	vld.idx.msk [tilespmem:v56+s12+$0x0], $0xffff;
	_ =	sdelay $0x4  }
0xaf: {  	v0 =	vadd.f32 v1, v0;
	_ =	sdelay $0x1  }
0xb0: {  	v1 =	vmul.f32 $9.999999770e-03, v0  }
0xb1: {  	vm13 =	vgt.f32 v0, $0.0e+00  }
0xb2: {  	v0 =	vsel vm13, v0, v1  }
0xb3: {  	v0 =	vmul.f32 $1.442695020e+00, v0;
	_ =	sdelay $0x1  }
0xb4: {  	(erf) = vpow2.f32 v0;
	_ =	sdelay $0x2  }
0xb5: {  	v58 =	vld [tilespmem:s18+$0xFFFFFFF0]  }
0xb6: {  	v59 =	vld [tilespmem:s18+$0x2700];
	_ =	sdelay $0x4  }
0xb7: {  	v60 =	vpop (erf)  }
0xb8: {  	[tilespmem:s18+$0x9C20] =	vst v60  }
0xb9: {  	v0 =	vld.idx.msk [tilespmem:v58+s11+$0x0], $0xffff  }
0xba: {  	v1 =	vld.idx.msk [tilespmem:v59+s12+$0x0], $0xffff;
	_ =	sdelay $0x4  }
0xbb: {  	v0 =	vadd.f32 v1, v0;
	_ =	sdelay $0x1  }
0xbc: {  	v1 =	vmul.f32 $9.999999770e-03, v0  }
0xbd: {  	vm14 =	vgt.f32 v0, $0.0e+00  }
0xbe: {  	v0 =	vsel vm14, v0, v1  }
0xbf: {  	v0 =	vmul.f32 $1.442695020e+00, v0;
	_ =	sdelay $0x1  }
0xc0: {  	(erf) = vpow2.f32 v0;
	_ =	sdelay $0x2  }
0xc1: {  	v61 =	vld [tilespmem:s18+$0x0]  }
0xc2: {  	v62 =	vld [tilespmem:s18+$0x2710];
	_ =	sdelay $0x4  }
0xc3: {  	v63 =	vpop (erf)  }
0xc4: {  	[tilespmem:s18+$0x9C30] =	vst v63  }
0xc5: {  	v0 =	vld.idx.msk [tilespmem:v61+s11+$0x0], $0xffff  }
0xc6: {  	v1 =	vld.idx.msk [tilespmem:v62+s12+$0x0], $0xffff;
	_ =	sdelay $0x4  }
0xc7: {  	v0 =	vadd.f32 v1, v0;
	_ =	sdelay $0x1  }
0xc8: {  	v1 =	vmul.f32 $9.999999770e-03, v0  }
0xc9: {  	vm15 =	vgt.f32 v0, $0.0e+00  }
0xca: {  	v0 =	vsel vm15, v0, v1  }
0xcb: {  	v0 =	vmul.f32 $1.442695020e+00, v0;
	_ =	sdelay $0x1  }
0xcc: {  	(erf) = vpow2.f32 v0;
	_ =	sdelay $0x7  }
0xcd: {  	s14 =	sadd.s32 $0x1, s14  }
0xce: {  	p0 =	sne.s32 s14, s8;
	v0 =	vpop (erf)  }
.Ltmp1:
0xcf: {  	[tilespmem:s18+$0x9C40] =	vst v0;
	(pc) =	sbr.rel @p0 .LBB2_1-.Ltmp1, $4  }
0xd0: {  	[hbm4b:s7+s2] =	stream.linear.scatter [tilespmem:s13], [sflag:$0x1], $0x2710, $0x38;
	[tilespmem:$0xC350] =	vst v63  }
0xd1: {  	_ =	swait.ge [sflag:s9], $0x2710  }
0xd2: {  	[sflag:s9] =	ssyncset.done $0x0  }
0xd3: {  	[sflag:s9] =	ssyncadd.s32 $0xFFFFD8F0  }
0xd4: {  	_ =	sfence.sel $0x180000  }
0xd5: {  	[bflag:$0x0] =	sbarrier.arrive $0xFFFF  }
0xd6: {  	p0 =	sne.s32 s1, $0x0;
	_ =	strace $0x90000047  }
0xd7: {  	s0 =	sadd.s32 @!p0 $0x100000, s0;
	[bflag:$0x2] =	sbarrier.arrive $0xFFFF  }
0xd8: {  	[sflag:s0] =	ssyncadd.tile.s32 @!p0 $0x1;
	_ =	shalt  }
.Lfunc_end2:
_tile_overlayer_lowered:
.L_overlay_start_2:
0xd9: {  	(tag) =	ssettag $0x2  }
0xda: {  	s0 =	rddreg [dreg:$0x0];
	s2 =	stileid.u32  }
0xdb: {  	s1 =	rddreg [dreg:$0x1];
	p0 =	sne.s32 s2, $0x0  }
0xdc: {  	s3 =	rddreg [dreg:$0x2];
	[bflag:$0x3] =	sbarrier.arrive $0xFFFF;
	s2 =	simm.s32 @!p0 $0x1C01  }
0xdd: {  	[timem:s3], [sflag:s2] =	dma.local @!p0 [hbm:s0], s1  }
0xde: {  	s0 =	simm.s32 @!p0 $0x1  }
0xdf: {  	_ =	swait.ge @!p0 [sflag:s0], s1  }
0xe0: {  	s1 =	ssub.s32 @!p0 $0x0, s1;
	[sflag:s0] =	ssyncset.done @!p0 $0x0  }
0xe1: {  	[sflag:s0] =	ssyncadd.s32 @!p0 s1  }
0xe2: {  	[bflag:$0x3] =	sbarrier.arrive $0xFFFF  }
0xe3: {  	_ =	shalt  }

// kernel: kernel.9.cloned.1.call-start
scs
__scs_entry_jumppad:
0x0: {  	(pc) =	sbr.rel $0x88, $3  }
0x1: {  	(tag) =	ssettag $0x0;
	lr =	simm.s32 $0x1  }
0x2: {  	[smem:$0x3F9C] =	sst lr;
	_ =	strace $0xD0000000  }
0x3: {  	_ = 	snop  }
0x4: {  	_ = 	snop  }
0x5: {  	_ = 	snop  }
0x6: {  	_ = 	snop  }
0x7: {  	_ = 	snop  }
__scs_overlays_trampoline_lowered:
0x8: {  	[smem:$0x3FAB] =	sst s0  }
0x9: {  	[smem:$0x3FAC] =	sst s1  }
0xa: {  	[smem:$0x3FAD] =	sst s2  }
0xb: {  	[smem:$0x3FAE] =	sst s3  }
0xc: {  	[smem:$0x3FAF] =	sst s4  }
0xd: {  	[smem:$0x3FB0] =	sst s5  }
0xe: {  	[smem:$0x3FB1] =	sst s6  }
0xf: {  	[smem:$0x3FB2] =	sst s7  }
0x10: {  	[smem:$0x3FB3] =	sst s8  }
0x11: {  	[smem:$0x3FB4] =	sst s9;
	s0 =	simm.s32 @!p0 $0x0  }
0x12: {  	s1 =	sld [smem:$0x3F9A];
	s0 =	simm.s32 @p0 $0x1  }
0x13: {  	[smem:$0x3FB5] =	sst s0;
	s0 =	simm.s32 @!p1 $0x0  }
0x14: {  	s2 =	sld [smem:$0x3F99];
	s0 =	simm.s32 @p1 $0x1  }
0x15: {  	[smem:$0x3FB6] =	sst s0;
	s0 =	simm.s32 @!p2 $0x0  }
0x16: {  	s3 =	sld [smem:$0x3FDB];
	s0 =	simm.s32 @p2 $0x1  }
0x17: {  	s4 =	simm.s32 $0x1BF5;
	[smem:$0x3FB8] =	sst s0  }
0x18: {  	s0 =	sld [smem:$0x3F9B];
	_ =	swait.ge [sflag:s4], $0x0  }
0x19: {  	s7 =	sld [smem:$0x3F9C]  }
0x1a: {  	s8 =	sadd.s32 $0xFFFFE003, lr  }
0x1b: {  	s9 =	sadd.s32 $0xFFFFFEF7, lr;
	s5 =	simm.s32 $0xFFFFFFFF;
	p2 =	slt.u32 s8, $0xFFFFF086  }
0x1c: {  	p1 =	slt.u32 s9, $0xF7A;
	s5 =	simm.s32 @!p2 $0x0  }
0x1d: {  	s5 =	simm.s32 @p1 $0x1;
	p0 =	seq.s32 s7, s2  }
0x1e: {  	s7 =	smul.u32 @!p0 $0xF7A, s2;
	p2 =	seq.s32 @!p0 s5, $0x0  }
0x1f: {  	s9 =	smul.u32 $0xF7A, s1;
	s8 =	simm.s32 @!p0 $0x1BF5;
	p2 =	por !p2, p0  }
0x20: {  	[sflag:s8] =	ssyncset.s32 @!p0 $0xFFFFF086;
	s6 =	sadd.s32 @!p0 s3, s7;
	s7 =	simm.s32 @!p0 $0x108  }
0x21: {  	s3 =	sadd.s32 s3, s9;
	s6 =	sadd.s32 @!p0 $0x88, s6;
	s7 =	simm.s32 @p2 $0x1082  }
0x22: {  	[simem:s7], [sflag:s8] =	dma.local @!p0 [hbm:s6], $0xF7A  }
0x23: {  	s9 =	sor.u32 $0xD0000000, s2;
	s6 =	simm.s32 $0x108;
	_ =	swait.ge @!p0 [sflag:s8], $0x0  }
0x24: {  	s3 =	sadd.s32 $0x88, s3;
	s6 =	simm.s32 @!p1 $0x1082;
	[sflag:s4] =	ssyncset.s32 $0xFFFFF086  }
0x25: {  	[simem:s6], [sflag:s4] =	dma.local [hbm:s3], $0xF7A  }
0x26: {  	[smem:$0x3F9C] =	sst s1;
	(tag) =	ssettag s2;
	_ =	strace s9  }
0x27: {  	s1 =	sld [smem:$0x3FAC]  }
0x28: {  	s2 =	sld [smem:$0x3FAD]  }
0x29: {  	s4 =	sld [smem:$0x3FAF]  }
0x2a: {  	p0 =	seq.s32 s5, $0x0;
	s5 =	sld [smem:$0x3FB0]  }
0x2b: {  	s6 =	sld [smem:$0x3FB1]  }
0x2c: {  	s7 =	sld [smem:$0x3FB2]  }
0x2d: {  	s3 =	simm.s32 $0x108;
	s8 =	sld [smem:$0x3FB3]  }
0x2e: {  	s3 =	simm.s32 @!p0 $0x1082;
	s9 =	sld [smem:$0x3FB4]  }
0x2f: {  	lr =	sadd.s32 s0, s3;
	s0 =	sld [smem:$0x3FAB]  }
0x30: {  	s3 =	sld [smem:$0x3FAE]  }
0x31: {  	[smem:$0x3FB7] =	sst s10  }
0x32: {  	s10 =	sld [smem:$0x3FB5];
	_ =	sdelay $0x3  }
0x33: {  	p0 =	seq.s32 s10, $0x1;
	s10 =	sld [smem:$0x3FB7];
	_ =	sdelay $0x3  }
0x34: {  	[smem:$0x3FB7] =	sst s10  }
0x35: {  	s10 =	sld [smem:$0x3FB6];
	_ =	sdelay $0x3  }
0x36: {  	p1 =	seq.s32 s10, $0x1;
	s10 =	sld [smem:$0x3FB7];
	_ =	sdelay $0x3  }
0x37: {  	[smem:$0x3FB7] =	sst s10  }
0x38: {  	s10 =	sld [smem:$0x3FB8]  }
0x39: {  	_ = 	snop;
	(pc) =	sbr.ind lr, $3  }
0x3a: {  	_ = 	snop  }
0x3b: {  	_ = 	snop  }
0x3c: {  	p2 =	seq.s32 s10, $0x1;
	s10 =	sld [smem:$0x3FB7]  }
0x3d: {  	_ =	shalt  }
0x3e: {  	_ =	shalt  }
0x3f: {  	_ =	shalt  }
0x40: {  	_ =	shalt  }
0x41: {  	_ =	shalt  }
0x42: {  	_ =	shalt  }
0x43: {  	_ =	shalt  }
0x44: {  	_ =	shalt  }
0x45: {  	_ =	shalt  }
0x46: {  	_ =	shalt  }
0x47: {  	_ =	shalt  }
0x48: {  	_ =	shalt  }
0x49: {  	_ =	shalt  }
0x4a: {  	_ =	shalt  }
0x4b: {  	_ =	shalt  }
0x4c: {  	_ =	shalt  }
0x4d: {  	_ =	shalt  }
0x4e: {  	_ =	shalt  }
0x4f: {  	_ =	shalt  }
0x50: {  	_ =	shalt  }
0x51: {  	_ =	shalt  }
0x52: {  	_ =	shalt  }
0x53: {  	_ =	shalt  }
0x54: {  	_ =	shalt  }
0x55: {  	_ =	shalt  }
0x56: {  	_ =	shalt  }
0x57: {  	_ =	shalt  }
0x58: {  	_ =	shalt  }
0x59: {  	_ =	shalt  }
0x5a: {  	_ =	shalt  }
0x5b: {  	_ =	shalt  }
0x5c: {  	_ =	shalt  }
0x5d: {  	_ =	shalt  }
0x5e: {  	_ =	shalt  }
0x5f: {  	_ =	shalt  }
0x60: {  	_ =	shalt  }
0x61: {  	_ =	shalt  }
0x62: {  	_ =	shalt  }
0x63: {  	_ =	shalt  }
0x64: {  	_ =	shalt  }
0x65: {  	_ =	shalt  }
0x66: {  	_ =	shalt  }
0x67: {  	_ =	shalt  }
0x68: {  	_ =	shalt  }
0x69: {  	_ =	shalt  }
0x6a: {  	_ =	shalt  }
0x6b: {  	_ =	shalt  }
0x6c: {  	_ =	shalt  }
0x6d: {  	_ =	shalt  }
0x6e: {  	_ =	shalt  }
0x6f: {  	_ =	shalt  }
0x70: {  	_ =	shalt  }
0x71: {  	_ =	shalt  }
0x72: {  	_ =	shalt  }
0x73: {  	_ =	shalt  }
0x74: {  	_ =	shalt  }
0x75: {  	_ =	shalt  }
0x76: {  	_ =	shalt  }
0x77: {  	_ =	shalt  }
0x78: {  	_ =	shalt  }
0x79: {  	_ =	shalt  }
0x7a: {  	_ =	shalt  }
0x7b: {  	_ =	shalt  }
0x7c: {  	_ =	shalt  }
0x7d: {  	_ =	shalt  }
0x7e: {  	_ =	shalt  }
0x7f: {  	_ =	shalt  }
0x80: {  	_ =	shalt  }
0x81: {  	_ =	shalt  }
0x82: {  	_ =	shalt  }
0x83: {  	_ =	shalt  }
0x84: {  	_ =	shalt  }
0x85: {  	_ =	shalt  }
0x86: {  	_ =	shalt  }
0x87: {  	_ =	shalt  }
.Lfunc_end0:
.L_simem_size_0:
called_computation.1_lowered:
.L_overlay_start_0:
0x88: {  	s2 =	sld [smem:$0x3FD9]  }
0x89: {  	s3 =	sld [smem:$0x3FFE];
	_ =	sdelay $0x1  }
0x8a: {  	s1 =	srdreg.scid  }
0x8b: {  	s0 =	sand.u32 $0x1, s1  }
0x8c: {  	s17 =	sshll.u32 s0, $0xA;
	s2 =	sadd.s32 s3, s2  }
0x8d: {  	s2 =	sadd.s32 s2, s17  }
0x8e: {  	[smem:$0x3FC3] =	sst s2  }
0x8f: {  	_ = 	snop  }
0x90: {  	s2 =	sld [smem:$0x3FD0];
	(tm) =	ssettm $0x1  }
0x91: {  	s18 =	sld [smem:$0x3FFB];
	_ =	sdelay $0x3  }
0x92: {  	_ =	strace s18  }
0x93: {  	s3 =	sld [smem:$0x3FFC];
	_ =	sdelay $0x3  }
0x94: {  	_ =	strace s3  }
0x95: {  	s3 =	sld [smem:$0x3FFD];
	_ =	sdelay $0x3  }
0x96: {  	_ =	strace s3  }
0x97: {  	_ =	strace $0x8FFFFFFF  }
0x98: {  	s19 =	sld [smem:$0x3FDB];
	_ =	sdelay $0x1  }
0x99: {  	s4 =	simm.s32 $_scs_section_size  }
0x9a: {  	s5 =	simm.s32 $_size__tile_overlayer_lowered;
	s6 =	simm.s32 $_tile_overlayer_lowered  }
0x9b: {  	s22 =	simm.s32 $0x1BFF;
	s21 =	sshll.u32 s6, $0x1;
	s3 =	sadd.s32 s4, s19  }
0x9c: {  	s7 =	simm.s32 $0x0;
	s20 =	sshll.u32 s5, $0x1;
	s5 =	sadd.s32 s21, s3  }
0x9d: {  	[timem:s7], [sflag:s22] =	dma.local [hbm:s5], s20  }
0x9e: {  	_ =	swait.ge [sflag:s22], s20  }
0x9f: {  	s4 =	ssub.s32 $0x0, s20;
	[sflag:s22] =	ssyncset.done $0x0  }
0xa0: {  	[sflag:s22] =	ssyncadd.s32 s4;
	_ =	sdelay $0x1  }
0xa1: {  	s23 =	simm.s32 $0x1B8B  }
0xa2: {  	_ =	swait.ge [sflag:s23], $0x1  }
0xa3: {  	[sflag:s23] =	ssyncset.done $0x0  }
0xa4: {  	s25 =	simm.s32 $0x1B8E;
	s24 =	sld [smem:$0x3FFE];
	[sflag:s23] =	ssyncadd.s32 $0xFFFFFFFF  }
0xa5: {  	s26 =	simm.s32 $execute0_lowered;
	[smem:$0x3FD2] =	sst s25  }
0xa6: {  	s5 =	sshll.u32 s26, $0x1;
	_ =	strace $0x80000049;
	[dreg:$0x1] =	wrdreg $0xFFFFFFFF  }
0xa7: {  	s28 =	simm.s32 $_size_execute0_lowered;
	s3 =	sadd.s32 s3, s5;
	[dreg:$0x0] =	wrdreg $0x0  }
0xa8: {  	s5 =	sshll.u32 s28, $0x1;
	[dreg:$0x2] =	wrdreg s3  }
0xa9: {  	[dreg:$0x3] =	wrdreg s5  }
0xaa: {  	[dreg:$0x4] =	wrdreg $0xC0  }
0xab: {  	_ =	task [dreg:s7], $0x5FFFF  }
0xac: {  	[dreg:$0x1] =	wrdreg $0xFFFFFFFF  }
0xad: {  	[dreg:$0x0] =	wrdreg $0x60  }
0xae: {  	[dreg:$0x2] =	wrdreg s24  }
0xaf: {  	[dreg:$0x3] =	wrdreg s2  }
0xb0: {  	[dreg:$0x4] =	wrdreg $0x7B700  }
0xb1: {  	[dreg:$0x5] =	wrdreg $0x1B3F00  }
0xb2: {  	[dreg:$0x6] =	wrdreg $0x9  }
0xb3: {  	_ =	task.clear_ibuf [dreg:s7], $0x7FFFF;
	_ =	strace $0x90000049  }
0xb4: {  	s29 =	simm.s32 $0x9;
	_ =	strace $0x8000004B  }
0xb5: {  	_ =	swait.ge [sflag:s29], $0x1  }
0xb6: {  	[sflag:s29] =	ssyncadd.s32 $0xFFFFFFFF  }
0xb7: {  	_ =	strace $0x9000004B  }
0xb8: {  	_ =	sfence  }
0xb9: {  	s30 =	sld [smem:$0x0];
	_ =	sdelay $0x2  }
0xba: {  	s31 =	sshll.u32 s1, $0xD;
	s1 =	sshrl.u32 s1, $0x2  }
0xbb: {  	s3 =	sand.u32 $0x4000, s31;
	s1 =	sadd.s32 s1, s30  }
0xbc: {  	s0 =	sor.u32 s3, s0;
	s1 =	sshll.u32 s1, $0x11  }
0xbd: {  	s0 =	sor.u32 s1, s0  }
0xbe: {  	s0 =	sadd.s32 $0x8F2B, s0  }
0xbf: {  	[sflag:s0] =	ssyncadd.remote.s32 $0x1  }
0xc0: {  	_ =	sfence.sel $0xFFFF  }
0xc1: {  	[dreg:$0x0] =	wrdreg $0xFFFFFFFF;
	(pc) =	sbr.abs _section_cstart, $3  }
0xc2: {  	[dreg:$0x1] =	wrdreg $0xFFFFFFFF  }
0xc3: {  	_ =	task.clear_ibuf [dreg:s7], $0x2FFFF;
	_ =	strace $0x9FFFFFFF  }
0xc4: {  	(tm) =	ssettm $0x7FFFFFFF  }
0xc5: {  	_ =	shalt  }
tec
execute0_lowered:
.L_overlay_start_1:
0x0: {  	(tag) =	ssettag $0x1  }
0x1: {  	s0 =	rddreg [dreg:$0x0]  }
0x2: {  	s1 =	rddreg [dreg:$0x1]  }
0x3: {  	s2 =	rddreg [dreg:$0x2];
	s14 =	stileid.u32  }
0x4: {  	s3 =	rddreg [dreg:$0x3];
	s8 =	smul.u32 $0x3E8, s14  }
0x5: {  	s4 =	srdreg.scid;
	s11 =	smul.u32 $0x7D000, s14  }
0x6: {  	s5 =	simm.s32 $0x0;
	s4 =	sand.u32 $0x1, s4;
	s12 =	smul.u32 $0xFA00, s14  }
0x7: {  	[smem:$0x7FF] =	sst s5;
	p0 =	sgt.u32 s14, $0x9;
	s6 =	smul.u32 $0x27100, s4  }
0x8: {  	s7 =	sshll.u32 s4, $0x4;
	s9 =	smul.u32 $0x4E20, s4;
	s4 =	ssub.s32 $0x2, s4  }
0x9: {  	_ =	strace $0x8000004A;
	s7 =	sor.u32 s14, s7;
	s31 =	sshrl.u32 s4, $0x1  }
0xa: {  	s13 =	sshrl.u32 s11, $0x2;
	s15 =	sshrl.u32 s12, $0x2;
	s16 =	sadd.s32 $0x28, s8  }
0xb: {  	s18 =	sadd.s32 $0x50, s8;
	s23 =	sadd.s32 $0x78, s8;
	s12 =	smul.u32 $0x3E80, s14  }
0xc: {  	s24 =	sadd.s32 $0xA0, s8;
	s30 =	sadd.s32 $0xC8, s8;
	s7 =	smul.u32 $0x4E2, s7  }
0xd: {  	s10 =	sadd.s32 s6, s0;
	s9 =	sadd.s32 s9, s0;
	s4 =	ssub.s32 s4, s31  }
0xe: {  	s17 =	sshll.u32 s16, $0x7;
	s19 =	sshll.u32 s16, $0x4;
	s20 =	sshll.u32 s18, $0x7  }
0xf: {  	s22 =	sshll.u32 s18, $0x4;
	s25 =	sshll.u32 s23, $0x7;
	s26 =	sshll.u32 s24, $0x7  }
0x10: {  	s29 =	sshll.u32 s24, $0x4;
	s31 =	sshll.u32 s30, $0x7;
	s21 =	sadd.s32 s20, s2  }
0x11: {  	s11 =	sadd.s32 s25, s2;
	s28 =	sadd.s32 s26, s2;
	s10 =	sadd.s32 $0x28400, s10  }
0x12: {  	s9 =	sadd.s32 $0x1E600, s9;
	s20 =	sadd.s32 $0x118, s8;
	[dreg:$0x9] =	wrdreg s21  }
0x13: {  	s25 =	sadd.s32 $0x168, s8;
	s6 =	sadd.s32 s0, s7;
	[dreg:$0xb] =	wrdreg s11  }
0x14: {  	s0 =	sadd.s32 s13, s2;
	[dreg:$0xd] =	wrdreg s28;
	s11 =	smul.u32 $0x1F400, s14  }
0x15: {  	s7 =	sshll.u32 s30, $0x4;
	s14 =	sadd.s32 $0xF0, s8;
	s21 =	sshll.u32 s20, $0x7  }
0x16: {  	s26 =	sshll.u32 s25, $0x7;
	s28 =	sshll.u32 s25, $0x4;
	s25 =	sadd.s32 $0x280, s8  }
0x17: {  	[dreg:$0x5] =	wrdreg s0;
	s0 =	sadd.s32 s15, s3;
	s15 =	sadd.s32 s7, s3  }
0x18: {  	s16 =	sshll.u32 s14, $0x7;
	s7 =	sshll.u32 s20, $0x4;
	[dreg:$0x6] =	wrdreg s0  }
0x19: {  	s20 =	sadd.s32 $0x230, s8;
	s0 =	sadd.s32 s17, s2;
	[dreg:$0x10] =	wrdreg s15  }
0x1a: {  	s13 =	sshrl.u32 s11, $0x3;
	s15 =	sadd.s32 $0x208, s8;
	[dreg:$0x7] =	wrdreg s0  }
0x1b: {  	s0 =	sadd.s32 s19, s3;
	s17 =	sadd.s32 @!p0 s13, s10;
	s10 =	sshrl.u32 s12, $0x3  }
0x1c: {  	s19 =	sshll.u32 s14, $0x4;
	[dreg:$0x8] =	wrdreg s0;
	s0 =	sadd.s32 s22, s3  }
0x1d: {  	s18 =	sadd.s32 @!p0 s10, s9;
	s22 =	sadd.s32 s7, s3;
	[dreg:$0xa] =	wrdreg s0  }
0x1e: {  	s10 =	sadd.s32 $0x1E0, s8;
	s0 =	sshll.u32 s23, $0x4;
	[dreg:$0x14] =	wrdreg s22  }
0x1f: {  	s23 =	sadd.s32 $0x140, s8;
	s13 =	sshll.u32 s10, $0x7;
	s14 =	sshll.u32 s10, $0x4  }
0x20: {  	s22 =	sadd.s32 $0x258, s8;
	s10 =	sadd.s32 $0x2F8, s8;
	s0 =	sadd.s32 s0, s3  }
0x21: {  	s24 =	sshll.u32 s23, $0x7;
	[dreg:$0xc] =	wrdreg s0;
	s0 =	sadd.s32 s29, s3  }
0x22: {  	s7 =	sadd.s32 s24, s2;
	s29 =	sadd.s32 $0x190, s8;
	[dreg:$0xe] =	wrdreg s0  }
0x23: {  	s24 =	sshll.u32 s22, $0x4;
	s0 =	sadd.s32 s31, s2;
	[dreg:$0x15] =	wrdreg s7  }
0x24: {  	s7 =	sshll.u32 s29, $0x4;
	[dreg:$0xf] =	wrdreg s0;
	s0 =	sadd.s32 s16, s2  }
0x25: {  	s30 =	sshll.u32 s29, $0x7;
	s31 =	sadd.s32 s7, s3;
	[dreg:$0x11] =	wrdreg s0  }
0x26: {  	s29 =	sadd.s32 $0x2A8, s8;
	s0 =	sadd.s32 s19, s3;
	[dreg:$0x1a] =	wrdreg s31  }
0x27: {  	s7 =	sadd.s32 $0x1B8, s8;
	[dreg:$0x12] =	wrdreg s0;
	s0 =	sadd.s32 s21, s2  }
0x28: {  	s16 =	sshll.u32 s15, $0x7;
	[dreg:$0x13] =	wrdreg s0;
	s0 =	sshll.u32 s23, $0x4  }
0x29: {  	s9 =	sshll.u32 s7, $0x7;
	s31 =	sadd.s32 $0x2D0, s8;
	s0 =	sadd.s32 s0, s3  }
0x2a: {  	s21 =	sshll.u32 s20, $0x7;
	[dreg:$0x16] =	wrdreg s0;
	s0 =	sadd.s32 s26, s2  }
0x2b: {  	s23 =	sshll.u32 s22, $0x7;
	[dreg:$0x17] =	wrdreg s0;
	s0 =	sadd.s32 s28, s3  }
0x2c: {  	s22 =	sadd.s32 $0x370, s8;
	[dreg:$0x18] =	wrdreg s0;
	s0 =	sadd.s32 s30, s2  }
0x2d: {  	s26 =	sshll.u32 s25, $0x7;
	s30 =	sshll.u32 s29, $0x7;
	[dreg:$0x19] =	wrdreg s0  }
0x2e: {  	s0 =	sshll.u32 s7, $0x4;
	s7 =	sadd.s32 s9, s2;
	s9 =	sshll.u32 s31, $0x4  }
0x2f: {  	[dreg:$0x1b] =	wrdreg s7;
	s0 =	sadd.s32 s0, s3;
	s7 =	sshll.u32 s15, $0x4  }
0x30: {  	s15 =	sadd.s32 $0x320, s8;
	[dreg:$0x1c] =	wrdreg s0;
	s0 =	sadd.s32 s13, s2  }
0x31: {  	s19 =	sadd.s32 s7, s3;
	s7 =	sadd.s32 s21, s2;
	[dreg:$0x1d] =	wrdreg s0  }
0x32: {  	s13 =	sshll.u32 s10, $0x7;
	s0 =	sadd.s32 s14, s3;
	[smem:$0x7EA] =	sst s19  }
0x33: {  	[smem:$0x7EB] =	sst s7;
	s7 =	sshll.u32 s25, $0x4;
	s19 =	sadd.s32 $0x348, s8  }
0x34: {  	s25 =	sshll.u32 s22, $0x4;
	[dreg:$0x1e] =	wrdreg s0;
	s0 =	sadd.s32 s16, s2  }
0x35: {  	s28 =	sadd.s32 s7, s3;
	s7 =	sadd.s32 s30, s2;
	[dreg:$0x1f] =	wrdreg s0  }
0x36: {  	s16 =	sshll.u32 s15, $0x7;
	s21 =	sshll.u32 s19, $0x4;
	[smem:$0x7F0] =	sst s28  }
0x37: {  	s0 =	sshll.u32 s20, $0x4;
	[smem:$0x7F1] =	sst s7;
	s7 =	sshll.u32 s31, $0x7  }
0x38: {  	s20 =	sshll.u32 s19, $0x7;
	s19 =	simm.s32 $0x4E70;
	s0 =	sadd.s32 s0, s3  }
0x39: {  	[smem:$0x7EC] =	sst s0;
	s0 =	sadd.s32 s23, s2;
	s23 =	sshll.u32 s22, $0x7  }
0x3a: {  	s22 =	simm.s32 $0x4E20;
	[smem:$0x7ED] =	sst s0;
	s0 =	sadd.s32 s24, s3  }
0x3b: {  	s24 =	sadd.s32 $0x398, s8;
	[smem:$0x7EE] =	sst s0;
	s0 =	sadd.s32 s26, s2  }
0x3c: {  	s26 =	sshll.u32 s24, $0x7;
	s30 =	sshll.u32 s24, $0x4;
	s24 =	simm.s32 $0x0  }
0x3d: {  	[smem:$0x7EF] =	sst s0;
	s0 =	sshll.u32 s29, $0x4;
	s28 =	sadd.s32 s26, s2  }
0x3e: {  	s29 =	sadd.s32 $0x3C0, s8;
	s0 =	sadd.s32 s0, s3;
	[smem:$0x7FD] =	sst s28  }
0x3f: {  	s8 =	sadd.s32 s30, s3;
	[smem:$0x7F2] =	sst s0;
	s0 =	sadd.s32 s7, s2  }
0x40: {  	s7 =	sshll.u32 s10, $0x4;
	[smem:$0x7F3] =	sst s0;
	s0 =	sadd.s32 s9, s3  }
0x41: {  	s31 =	sshll.u32 s29, $0x7;
	s14 =	sadd.s32 s7, s3;
	[smem:$0x7F4] =	sst s0  }
0x42: {  	s7 =	sadd.s32 s16, s2;
	s0 =	sadd.s32 s13, s2;
	[smem:$0x7F6] =	sst s14  }
0x43: {  	s9 =	sadd.s32 s31, s2;
	[smem:$0x7F5] =	sst s0;
	s0 =	sshll.u32 s15, $0x4  }
0x44: {  	[smem:$0x7F7] =	sst s7;
	s7 =	sadd.s32 s12, s3;
	s0 =	sadd.s32 s0, s3  }
0x45: {  	s13 =	sadd.s32 $0x9E00, s6;
	[smem:$0x7F8] =	sst s0;
	s0 =	sadd.s32 s20, s2  }
0x46: {  	s14 =	sadd.s32 $0x14800, s6;
	[smem:$0x7F9] =	sst s0;
	s0 =	sadd.s32 s21, s3  }
0x47: {  	s12 =	sshrl.u32 @!p0 s7, $0x3;
	[smem:$0x7FA] =	sst s0;
	s0 =	sadd.s32 s23, s2  }
0x48: {  	s15 =	simm.s32 $0x2;
	[smem:$0x7FB] =	sst s0;
	s0 =	sadd.s32 s25, s3  }
0x49: {  	s20 =	simm.s32 $0x7670;
	[smem:$0x7FC] =	sst s0;
	s0 =	sshll.u32 s29, $0x4  }
0x4a: {  	s21 =	simm.s32 $0x50;
	s10 =	sadd.s32 s0, s3;
	s0 =	sadd.s32 s11, s2  }
0x4b: {  	v0 =	vimm.f32 $0.0e+00;
	s23 =	simm.s32 $0x1;
	s11 =	smax.u32 s4, $0x1;
	s4 =	sshrl.u32 @!p0 s0, $0x3  }
.LBB2_1:
0x4c: {  	[tilespmem:s5], [sflag:$0x2] =	stream.linear.gather [hbm4b:s13+s5], $0x2710, $0x38;
	[tilespmem:$0x1DB00] =	vst v63  }
0x4d: {  	_ =	swait.ge [sflag:s15], $0x2710  }
0x4e: {  	[sflag:s15] =	ssyncset.done $0x0  }
0x4f: {  	s0 =	simm.s32 $0x2710;
	[sflag:s15] =	ssyncadd.s32 $0xFFFFD8F0  }
0x50: {  	[tilespmem:s0], [sflag:$0x2] =	stream.linear.gather [hbm4b:s6+s5], $0x2710, $0x38;
	[tilespmem:$0x1DB00] =	vst v63  }
0x51: {  	_ =	swait.ge [sflag:s15], $0x2710  }
0x52: {  	[sflag:s15] =	ssyncset.done $0x0  }
0x53: {  	s0 =	simm.s32 $0x4EB0;
	[sflag:s15] =	ssyncadd.s32 $0xFFFFD8F0  }
0x54: {  	[tilespmem:s0+$0xFFFFFFD0] =	vst v0  }
0x55: {  	[tilespmem:s0+$0xFFFFFFE0] =	vst v0  }
0x56: {  	[tilespmem:s0+$0xFFFFFFF0] =	vst v0  }
0x57: {  	[tilespmem:s0+$0x0] =	vst v0  }
0x58: {  	[tilespmem:s0+$0x10] =	vst v0  }
0x59: {  	[tilespmem:s0+$0x20] =	vst v0  }
0x5a: {  	[tilespmem:s0+$0x30] =	vst v0  }
0x5b: {  	s25 =	simm.s32 $0x0;
	s7 =	simm.s32 $0x40;
	[tilespmem:s0+$0xFFFFFFC0] =	vst v0  }
.LBB2_2:
0x5c: {  	p1 =	sne.s32 s7, $0x9C0;
	[tilespmem:s25+$0x7670] =	vst v0;
	s0 =	sadd.s32 $0x80, s0  }
0x5d: {  	[tilespmem:s0+$0xFFFFFFD0] =	vst v0  }
0x5e: {  	[tilespmem:s0+$0xFFFFFFE0] =	vst v0  }
0x5f: {  	[tilespmem:s0+$0xFFFFFFF0] =	vst v0  }
.Ltmp0:
0x60: {  	[tilespmem:s0+$0x0] =	vst v0;
	(pc) =	sbr.rel @p1 .LBB2_2-.Ltmp0, $4  }
0x61: {  	[tilespmem:s0+$0x10] =	vst v0  }
0x62: {  	[tilespmem:s0+$0x20] =	vst v0  }
0x63: {  	[tilespmem:s0+$0x30] =	vst v0  }
0x64: {  	s25 =	sshra.s32 s7, $0x2;
	s7 =	sadd.s32 $0x40, s7;
	[tilespmem:s0+$0xFFFFFFC0] =	vst v0  }
.Ltmp1:
0x65: {  	(pc) =	sbr.rel @p0 .LBB2_5-.Ltmp1, $2  }
0x66: {  	_ =	sdelay $0x2  }
0x67: {  	[tilespmem:s25+$0x7670] =	vst v0  }
0x68: {  	s0 =	rddreg [dreg:$0x5]  }
0x69: {  	[spmem:s0] =	stream.linear.scatter [tilespmem:s19], [sflag:$0x2], $0x1400, $0x38;
	[tilespmem:$0x1DB00] =	vst v63  }
0x6a: {  	_ =	swait.ge [sflag:s15], $0x1400  }
0x6b: {  	[sflag:s15] =	ssyncset.done $0x0  }
0x6c: {  	s25 =	rddreg [dreg:$0x6];
	[sflag:s15] =	ssyncadd.s32 $0xFFFFEC00  }
0x6d: {  	[spmem:s25] =	stream.linear.scatter [tilespmem:s20], [sflag:$0x2], $0x280, $0x38;
	[tilespmem:$0x1DB00] =	vst v63  }
0x6e: {  	_ =	swait.ge [sflag:s15], $0x280  }
0x6f: {  	[sflag:s15] =	ssyncset.done $0x0  }
0x70: {  	s26 =	rddreg [dreg:$0x7];
	[sflag:s15] =	ssyncadd.s32 $0xFFFFFD80  }
0x71: {  	[spmem:s26] =	stream.linear.scatter [tilespmem:s19], [sflag:$0x2], $0x1400, $0x38;
	[tilespmem:$0x1DB00] =	vst v63  }
0x72: {  	_ =	swait.ge [sflag:s15], $0x1400  }
0x73: {  	[sflag:s15] =	ssyncset.done $0x0  }
0x74: {  	s28 =	rddreg [dreg:$0x8];
	[sflag:s15] =	ssyncadd.s32 $0xFFFFEC00  }
0x75: {  	[spmem:s28] =	stream.linear.scatter [tilespmem:s20], [sflag:$0x2], $0x280, $0x38;
	[tilespmem:$0x1DB00] =	vst v63  }
0x76: {  	_ =	swait.ge [sflag:s15], $0x280  }
0x77: {  	[sflag:s15] =	ssyncset.done $0x0  }
0x78: {  	s29 =	rddreg [dreg:$0x9];
	[sflag:s15] =	ssyncadd.s32 $0xFFFFFD80  }
0x79: {  	[spmem:s29] =	stream.linear.scatter [tilespmem:s19], [sflag:$0x2], $0x1400, $0x38;
	[tilespmem:$0x1DB00] =	vst v63  }
0x7a: {  	_ =	swait.ge [sflag:s15], $0x1400  }
0x7b: {  	[sflag:s15] =	ssyncset.done $0x0  }
0x7c: {  	s30 =	rddreg [dreg:$0xa];
	[sflag:s15] =	ssyncadd.s32 $0xFFFFEC00  }
0x7d: {  	[spmem:s30] =	stream.linear.scatter [tilespmem:s20], [sflag:$0x2], $0x280, $0x38;
	[tilespmem:$0x1DB00] =	vst v63  }
0x7e: {  	_ =	swait.ge [sflag:s15], $0x280  }
0x7f: {  	[sflag:s15] =	ssyncset.done $0x0  }
0x80: {  	s31 =	rddreg [dreg:$0xb];
	[sflag:s15] =	ssyncadd.s32 $0xFFFFFD80  }
0x81: {  	[spmem:s31] =	stream.linear.scatter [tilespmem:s19], [sflag:$0x2], $0x1400, $0x38;
	[tilespmem:$0x1DB00] =	vst v63  }
0x82: {  	_ =	swait.ge [sflag:s15], $0x1400  }
0x83: {  	[sflag:s15] =	ssyncset.done $0x0  }
0x84: {  	s7 =	rddreg [dreg:$0xc];
	[sflag:s15] =	ssyncadd.s32 $0xFFFFEC00  }
0x85: {  	[spmem:s7] =	stream.linear.scatter [tilespmem:s20], [sflag:$0x2], $0x280, $0x38;
	[tilespmem:$0x1DB00] =	vst v63  }
0x86: {  	_ =	swait.ge [sflag:s15], $0x280  }
0x87: {  	[sflag:s15] =	ssyncset.done $0x0  }
0x88: {  	s16 =	rddreg [dreg:$0xd];
	[sflag:s15] =	ssyncadd.s32 $0xFFFFFD80  }
0x89: {  	[spmem:s16] =	stream.linear.scatter [tilespmem:s19], [sflag:$0x2], $0x1400, $0x38;
	[tilespmem:$0x1DB00] =	vst v63  }
0x8a: {  	_ =	swait.ge [sflag:s15], $0x1400  }
0x8b: {  	[sflag:s15] =	ssyncset.done $0x0  }
0x8c: {  	s25 =	rddreg [dreg:$0xe];
	[sflag:s15] =	ssyncadd.s32 $0xFFFFEC00  }
0x8d: {  	[spmem:s25] =	stream.linear.scatter [tilespmem:s20], [sflag:$0x2], $0x280, $0x38;
	[tilespmem:$0x1DB00] =	vst v63  }
0x8e: {  	_ =	swait.ge [sflag:s15], $0x280  }
0x8f: {  	[sflag:s15] =	ssyncset.done $0x0  }
0x90: {  	s26 =	rddreg [dreg:$0xf];
	[sflag:s15] =	ssyncadd.s32 $0xFFFFFD80  }
0x91: {  	[spmem:s26] =	stream.linear.scatter [tilespmem:s19], [sflag:$0x2], $0x1400, $0x38;
	[tilespmem:$0x1DB00] =	vst v63  }
0x92: {  	_ =	swait.ge [sflag:s15], $0x1400  }
0x93: {  	[sflag:s15] =	ssyncset.done $0x0  }
0x94: {  	s28 =	rddreg [dreg:$0x10];
	[sflag:s15] =	ssyncadd.s32 $0xFFFFEC00  }
0x95: {  	[spmem:s28] =	stream.linear.scatter [tilespmem:s20], [sflag:$0x2], $0x280, $0x38;
	[tilespmem:$0x1DB00] =	vst v63  }
0x96: {  	_ =	swait.ge [sflag:s15], $0x280  }
0x97: {  	[sflag:s15] =	ssyncset.done $0x0  }
0x98: {  	s29 =	rddreg [dreg:$0x11];
	[sflag:s15] =	ssyncadd.s32 $0xFFFFFD80  }
0x99: {  	[spmem:s29] =	stream.linear.scatter [tilespmem:s19], [sflag:$0x2], $0x1400, $0x38;
	[tilespmem:$0x1DB00] =	vst v63  }
0x9a: {  	_ =	swait.ge [sflag:s15], $0x1400  }
0x9b: {  	[sflag:s15] =	ssyncset.done $0x0  }
0x9c: {  	s30 =	rddreg [dreg:$0x12];
	[sflag:s15] =	ssyncadd.s32 $0xFFFFEC00  }
0x9d: {  	[spmem:s30] =	stream.linear.scatter [tilespmem:s20], [sflag:$0x2], $0x280, $0x38;
	[tilespmem:$0x1DB00] =	vst v63  }
0x9e: {  	_ =	swait.ge [sflag:s15], $0x280  }
0x9f: {  	[sflag:s15] =	ssyncset.done $0x0  }
0xa0: {  	s31 =	rddreg [dreg:$0x13];
	[sflag:s15] =	ssyncadd.s32 $0xFFFFFD80  }
0xa1: {  	[spmem:s31] =	stream.linear.scatter [tilespmem:s19], [sflag:$0x2], $0x1400, $0x38;
	[tilespmem:$0x1DB00] =	vst v63  }
0xa2: {  	_ =	swait.ge [sflag:s15], $0x1400  }
0xa3: {  	[sflag:s15] =	ssyncset.done $0x0  }
0xa4: {  	s7 =	rddreg [dreg:$0x14];
	[sflag:s15] =	ssyncadd.s32 $0xFFFFEC00  }
0xa5: {  	[spmem:s7] =	stream.linear.scatter [tilespmem:s20], [sflag:$0x2], $0x280, $0x38;
	[tilespmem:$0x1DB00] =	vst v63  }
0xa6: {  	_ =	swait.ge [sflag:s15], $0x280  }
0xa7: {  	[sflag:s15] =	ssyncset.done $0x0  }
0xa8: {  	s16 =	rddreg [dreg:$0x15];
	[sflag:s15] =	ssyncadd.s32 $0xFFFFFD80  }
0xa9: {  	[spmem:s16] =	stream.linear.scatter [tilespmem:s19], [sflag:$0x2], $0x1400, $0x38;
	[tilespmem:$0x1DB00] =	vst v63  }
0xaa: {  	_ =	swait.ge [sflag:s15], $0x1400  }
0xab: {  	[sflag:s15] =	ssyncset.done $0x0  }
0xac: {  	s25 =	rddreg [dreg:$0x16];
	[sflag:s15] =	ssyncadd.s32 $0xFFFFEC00  }
0xad: {  	[spmem:s25] =	stream.linear.scatter [tilespmem:s20], [sflag:$0x2], $0x280, $0x38;
	[tilespmem:$0x1DB00] =	vst v63  }
0xae: {  	_ =	swait.ge [sflag:s15], $0x280  }
0xaf: {  	[sflag:s15] =	ssyncset.done $0x0  }
0xb0: {  	s26 =	rddreg [dreg:$0x17];
	[sflag:s15] =	ssyncadd.s32 $0xFFFFFD80  }
0xb1: {  	[spmem:s26] =	stream.linear.scatter [tilespmem:s19], [sflag:$0x2], $0x1400, $0x38;
	[tilespmem:$0x1DB00] =	vst v63  }
0xb2: {  	_ =	swait.ge [sflag:s15], $0x1400  }
0xb3: {  	[sflag:s15] =	ssyncset.done $0x0  }
0xb4: {  	s28 =	rddreg [dreg:$0x18];
	[sflag:s15] =	ssyncadd.s32 $0xFFFFEC00  }
0xb5: {  	[spmem:s28] =	stream.linear.scatter [tilespmem:s20], [sflag:$0x2], $0x280, $0x38;
	[tilespmem:$0x1DB00] =	vst v63  }
0xb6: {  	_ =	swait.ge [sflag:s15], $0x280  }
0xb7: {  	[sflag:s15] =	ssyncset.done $0x0  }
0xb8: {  	s29 =	rddreg [dreg:$0x19];
	[sflag:s15] =	ssyncadd.s32 $0xFFFFFD80  }
0xb9: {  	[spmem:s29] =	stream.linear.scatter [tilespmem:s19], [sflag:$0x2], $0x1400, $0x38;
	[tilespmem:$0x1DB00] =	vst v63  }
0xba: {  	_ =	swait.ge [sflag:s15], $0x1400  }
0xbb: {  	[sflag:s15] =	ssyncset.done $0x0  }
0xbc: {  	s30 =	rddreg [dreg:$0x1a];
	[sflag:s15] =	ssyncadd.s32 $0xFFFFEC00  }
0xbd: {  	[spmem:s30] =	stream.linear.scatter [tilespmem:s20], [sflag:$0x2], $0x280, $0x38;
	[tilespmem:$0x1DB00] =	vst v63  }
0xbe: {  	_ =	swait.ge [sflag:s15], $0x280  }
0xbf: {  	[sflag:s15] =	ssyncset.done $0x0  }
0xc0: {  	s31 =	rddreg [dreg:$0x1b];
	[sflag:s15] =	ssyncadd.s32 $0xFFFFFD80  }
0xc1: {  	[spmem:s31] =	stream.linear.scatter [tilespmem:s19], [sflag:$0x2], $0x1400, $0x38;
	[tilespmem:$0x1DB00] =	vst v63  }
0xc2: {  	_ =	swait.ge [sflag:s15], $0x1400  }
0xc3: {  	[sflag:s15] =	ssyncset.done $0x0  }
0xc4: {  	s7 =	rddreg [dreg:$0x1c];
	[sflag:s15] =	ssyncadd.s32 $0xFFFFEC00  }
0xc5: {  	[spmem:s7] =	stream.linear.scatter [tilespmem:s20], [sflag:$0x2], $0x280, $0x38;
	[tilespmem:$0x1DB00] =	vst v63  }
0xc6: {  	_ =	swait.ge [sflag:s15], $0x280  }
0xc7: {  	[sflag:s15] =	ssyncset.done $0x0  }
0xc8: {  	s16 =	rddreg [dreg:$0x1d];
	[sflag:s15] =	ssyncadd.s32 $0xFFFFFD80  }
0xc9: {  	[spmem:s16] =	stream.linear.scatter [tilespmem:s19], [sflag:$0x2], $0x1400, $0x38;
	[tilespmem:$0x1DB00] =	vst v63  }
0xca: {  	_ =	swait.ge [sflag:s15], $0x1400  }
0xcb: {  	[sflag:s15] =	ssyncset.done $0x0  }
0xcc: {  	s25 =	rddreg [dreg:$0x1e];
	[sflag:s15] =	ssyncadd.s32 $0xFFFFEC00  }
0xcd: {  	[spmem:s25] =	stream.linear.scatter [tilespmem:s20], [sflag:$0x2], $0x280, $0x38;
	[tilespmem:$0x1DB00] =	vst v63  }
0xce: {  	_ =	swait.ge [sflag:s15], $0x280  }
0xcf: {  	[sflag:s15] =	ssyncset.done $0x0  }
0xd0: {  	s26 =	rddreg [dreg:$0x1f];
	[sflag:s15] =	ssyncadd.s32 $0xFFFFFD80  }
0xd1: {  	[spmem:s26] =	stream.linear.scatter [tilespmem:s19], [sflag:$0x2], $0x1400, $0x38;
	[tilespmem:$0x1DB00] =	vst v63  }
0xd2: {  	_ =	swait.ge [sflag:s15], $0x1400  }
0xd3: {  	s28 =	sld [smem:$0x7EA]  }
0xd4: {  	[sflag:s15] =	ssyncset.done $0x0  }
0xd5: {  	[sflag:s15] =	ssyncadd.s32 $0xFFFFEC00  }
0xd6: {  	[spmem:s28] =	stream.linear.scatter [tilespmem:s20], [sflag:$0x2], $0x280, $0x38;
	[tilespmem:$0x1DB00] =	vst v63  }
0xd7: {  	_ =	swait.ge [sflag:s15], $0x280  }
0xd8: {  	s29 =	sld [smem:$0x7EB]  }
0xd9: {  	[sflag:s15] =	ssyncset.done $0x0  }
0xda: {  	[sflag:s15] =	ssyncadd.s32 $0xFFFFFD80  }
0xdb: {  	[spmem:s29] =	stream.linear.scatter [tilespmem:s19], [sflag:$0x2], $0x1400, $0x38;
	[tilespmem:$0x1DB00] =	vst v63  }
0xdc: {  	_ =	swait.ge [sflag:s15], $0x1400  }
0xdd: {  	s30 =	sld [smem:$0x7EC]  }
0xde: {  	[sflag:s15] =	ssyncset.done $0x0  }
0xdf: {  	[sflag:s15] =	ssyncadd.s32 $0xFFFFEC00  }
0xe0: {  	[spmem:s30] =	stream.linear.scatter [tilespmem:s20], [sflag:$0x2], $0x280, $0x38;
	[tilespmem:$0x1DB00] =	vst v63  }
0xe1: {  	_ =	swait.ge [sflag:s15], $0x280  }
0xe2: {  	s31 =	sld [smem:$0x7ED]  }
0xe3: {  	[sflag:s15] =	ssyncset.done $0x0  }
0xe4: {  	[sflag:s15] =	ssyncadd.s32 $0xFFFFFD80  }
0xe5: {  	[spmem:s31] =	stream.linear.scatter [tilespmem:s19], [sflag:$0x2], $0x1400, $0x38;
	[tilespmem:$0x1DB00] =	vst v63  }
0xe6: {  	_ =	swait.ge [sflag:s15], $0x1400  }
0xe7: {  	s7 =	sld [smem:$0x7EE]  }
0xe8: {  	[sflag:s15] =	ssyncset.done $0x0  }
0xe9: {  	[sflag:s15] =	ssyncadd.s32 $0xFFFFEC00  }
0xea: {  	[spmem:s7] =	stream.linear.scatter [tilespmem:s20], [sflag:$0x2], $0x280, $0x38;
	[tilespmem:$0x1DB00] =	vst v63  }
0xeb: {  	_ =	swait.ge [sflag:s15], $0x280  }
0xec: {  	s16 =	sld [smem:$0x7EF]  }
0xed: {  	[sflag:s15] =	ssyncset.done $0x0  }
0xee: {  	[sflag:s15] =	ssyncadd.s32 $0xFFFFFD80  }
0xef: {  	[spmem:s16] =	stream.linear.scatter [tilespmem:s19], [sflag:$0x2], $0x1400, $0x38;
	[tilespmem:$0x1DB00] =	vst v63  }
0xf0: {  	_ =	swait.ge [sflag:s15], $0x1400  }
0xf1: {  	s25 =	sld [smem:$0x7F0]  }
0xf2: {  	[sflag:s15] =	ssyncset.done $0x0  }
0xf3: {  	[sflag:s15] =	ssyncadd.s32 $0xFFFFEC00  }
0xf4: {  	[spmem:s25] =	stream.linear.scatter [tilespmem:s20], [sflag:$0x2], $0x280, $0x38;
	[tilespmem:$0x1DB00] =	vst v63  }
0xf5: {  	_ =	swait.ge [sflag:s15], $0x280  }
0xf6: {  	s26 =	sld [smem:$0x7F1]  }
0xf7: {  	[sflag:s15] =	ssyncset.done $0x0  }
0xf8: {  	[sflag:s15] =	ssyncadd.s32 $0xFFFFFD80  }
0xf9: {  	[spmem:s26] =	stream.linear.scatter [tilespmem:s19], [sflag:$0x2], $0x1400, $0x38;
	[tilespmem:$0x1DB00] =	vst v63  }
0xfa: {  	_ =	swait.ge [sflag:s15], $0x1400  }
0xfb: {  	s28 =	sld [smem:$0x7F2]  }
0xfc: {  	[sflag:s15] =	ssyncset.done $0x0  }
0xfd: {  	[sflag:s15] =	ssyncadd.s32 $0xFFFFEC00  }
0xfe: {  	[spmem:s28] =	stream.linear.scatter [tilespmem:s20], [sflag:$0x2], $0x280, $0x38;
	[tilespmem:$0x1DB00] =	vst v63  }
0xff: {  	_ =	swait.ge [sflag:s15], $0x280  }
0x100: {  	s29 =	sld [smem:$0x7F3]  }
0x101: {  	[sflag:s15] =	ssyncset.done $0x0  }
0x102: {  	[sflag:s15] =	ssyncadd.s32 $0xFFFFFD80  }
0x103: {  	[spmem:s29] =	stream.linear.scatter [tilespmem:s19], [sflag:$0x2], $0x1400, $0x38;
	[tilespmem:$0x1DB00] =	vst v63  }
0x104: {  	_ =	swait.ge [sflag:s15], $0x1400  }
0x105: {  	s30 =	sld [smem:$0x7F4]  }
0x106: {  	[sflag:s15] =	ssyncset.done $0x0  }
0x107: {  	[sflag:s15] =	ssyncadd.s32 $0xFFFFEC00  }
0x108: {  	[spmem:s30] =	stream.linear.scatter [tilespmem:s20], [sflag:$0x2], $0x280, $0x38;
	[tilespmem:$0x1DB00] =	vst v63  }
0x109: {  	_ =	swait.ge [sflag:s15], $0x280  }
0x10a: {  	s31 =	sld [smem:$0x7F5]  }
0x10b: {  	[sflag:s15] =	ssyncset.done $0x0  }
0x10c: {  	[sflag:s15] =	ssyncadd.s32 $0xFFFFFD80  }
0x10d: {  	[spmem:s31] =	stream.linear.scatter [tilespmem:s19], [sflag:$0x2], $0x1400, $0x38;
	[tilespmem:$0x1DB00] =	vst v63  }
0x10e: {  	_ =	swait.ge [sflag:s15], $0x1400  }
0x10f: {  	s7 =	sld [smem:$0x7F6]  }
0x110: {  	[sflag:s15] =	ssyncset.done $0x0  }
0x111: {  	[sflag:s15] =	ssyncadd.s32 $0xFFFFEC00  }
0x112: {  	[spmem:s7] =	stream.linear.scatter [tilespmem:s20], [sflag:$0x2], $0x280, $0x38;
	[tilespmem:$0x1DB00] =	vst v63  }
0x113: {  	_ =	swait.ge [sflag:s15], $0x280  }
0x114: {  	s16 =	sld [smem:$0x7F7]  }
0x115: {  	[sflag:s15] =	ssyncset.done $0x0  }
0x116: {  	[sflag:s15] =	ssyncadd.s32 $0xFFFFFD80  }
0x117: {  	[spmem:s16] =	stream.linear.scatter [tilespmem:s19], [sflag:$0x2], $0x1400, $0x38;
	[tilespmem:$0x1DB00] =	vst v63  }
0x118: {  	_ =	swait.ge [sflag:s15], $0x1400  }
0x119: {  	s25 =	sld [smem:$0x7F8]  }
0x11a: {  	[sflag:s15] =	ssyncset.done $0x0  }
0x11b: {  	[sflag:s15] =	ssyncadd.s32 $0xFFFFEC00  }
0x11c: {  	[spmem:s25] =	stream.linear.scatter [tilespmem:s20], [sflag:$0x2], $0x280, $0x38;
	[tilespmem:$0x1DB00] =	vst v63  }
0x11d: {  	_ =	swait.ge [sflag:s15], $0x280  }
0x11e: {  	s26 =	sld [smem:$0x7F9]  }
0x11f: {  	[sflag:s15] =	ssyncset.done $0x0  }
0x120: {  	[sflag:s15] =	ssyncadd.s32 $0xFFFFFD80  }
0x121: {  	[spmem:s26] =	stream.linear.scatter [tilespmem:s19], [sflag:$0x2], $0x1400, $0x38;
	[tilespmem:$0x1DB00] =	vst v63  }
0x122: {  	_ =	swait.ge [sflag:s15], $0x1400  }
0x123: {  	s28 =	sld [smem:$0x7FA]  }
0x124: {  	[sflag:s15] =	ssyncset.done $0x0  }
0x125: {  	[sflag:s15] =	ssyncadd.s32 $0xFFFFEC00  }
0x126: {  	[spmem:s28] =	stream.linear.scatter [tilespmem:s20], [sflag:$0x2], $0x280, $0x38;
	[tilespmem:$0x1DB00] =	vst v63  }
0x127: {  	_ =	swait.ge [sflag:s15], $0x280  }
0x128: {  	s29 =	sld [smem:$0x7FB]  }
0x129: {  	[sflag:s15] =	ssyncset.done $0x0  }
0x12a: {  	[sflag:s15] =	ssyncadd.s32 $0xFFFFFD80  }
0x12b: {  	[spmem:s29] =	stream.linear.scatter [tilespmem:s19], [sflag:$0x2], $0x1400, $0x38;
	[tilespmem:$0x1DB00] =	vst v63  }
0x12c: {  	_ =	swait.ge [sflag:s15], $0x1400  }
0x12d: {  	s30 =	sld [smem:$0x7FC]  }
0x12e: {  	[sflag:s15] =	ssyncset.done $0x0  }
0x12f: {  	[sflag:s15] =	ssyncadd.s32 $0xFFFFEC00  }
0x130: {  	[spmem:s30] =	stream.linear.scatter [tilespmem:s20], [sflag:$0x2], $0x280, $0x38;
	[tilespmem:$0x1DB00] =	vst v63  }
0x131: {  	_ =	swait.ge [sflag:s15], $0x280  }
0x132: {  	s31 =	sld [smem:$0x7FD]  }
0x133: {  	[sflag:s15] =	ssyncset.done $0x0  }
0x134: {  	[sflag:s15] =	ssyncadd.s32 $0xFFFFFD80  }
0x135: {  	[spmem:s31] =	stream.linear.scatter [tilespmem:s19], [sflag:$0x2], $0x1400, $0x38;
	[tilespmem:$0x1DB00] =	vst v63  }
0x136: {  	_ =	swait.ge [sflag:s15], $0x1400  }
0x137: {  	[sflag:s15] =	ssyncset.done $0x0  }
0x138: {  	[sflag:s15] =	ssyncadd.s32 $0xFFFFEC00  }
0x139: {  	[spmem:s8] =	stream.linear.scatter [tilespmem:s20], [sflag:$0x2], $0x280, $0x38;
	[tilespmem:$0x1DB00] =	vst v63  }
0x13a: {  	_ =	swait.ge [sflag:s15], $0x280  }
0x13b: {  	[sflag:s15] =	ssyncset.done $0x0  }
0x13c: {  	[sflag:s15] =	ssyncadd.s32 $0xFFFFFD80  }
0x13d: {  	[spmem:s9] =	stream.linear.scatter [tilespmem:s19], [sflag:$0x2], $0x1400, $0x38;
	[tilespmem:$0x1DB00] =	vst v63  }
0x13e: {  	_ =	swait.ge [sflag:s15], $0x1400  }
0x13f: {  	[sflag:s15] =	ssyncset.done $0x0  }
0x140: {  	[sflag:s15] =	ssyncadd.s32 $0xFFFFEC00  }
0x141: {  	[spmem:s10] =	stream.linear.scatter [tilespmem:s20], [sflag:$0x2], $0x280, $0x38;
	[tilespmem:$0x1DB00] =	vst v63  }
0x142: {  	_ =	swait.ge [sflag:s15], $0x280  }
0x143: {  	[sflag:s15] =	ssyncset.done $0x0  }
0x144: {  	[sflag:s15] =	ssyncadd.s32 $0xFFFFFD80  }
.LBB2_5:
0x145: {  	[bflag:$0x0] =	sbarrier.arrive $0xFFFF;
	s25 =	simm.s32 $0x0;
	s26 =	simm.s32 $0x0  }
.LBB2_6:
0x146: {  	s28 =	smul.u32 $0x50, s26;
	_ =	sdelay $0x1  }
0x147: {  	[tilespmem:s19], [sflag:$0x1] =	stream.indirect.gather [hbm4b:s1+s21], $0x80, s28, s21, $0xb8;
	[tilespmem:$0x1DB00] =	vst v63  }
0x148: {  	s0 =	sshrl.u32 s28, $0x3  }
0x149: {  	s0 =	sadd.s32 s0, s14  }
0x14a: {  	[tilespmem:s22], [sflag:$0x2] =	stream.linear.gather [hbm4b:s0+s25], $0x50, $0x38;
	[tilespmem:$0x1DB00] =	vst v63  }
0x14b: {  	_ =	swait.ge [sflag:s15], $0x50  }
0x14c: {  	[sflag:s15] =	ssyncset.done $0x0  }
0x14d: {  	[sflag:s15] =	ssyncadd.s32 $0xFFFFFFB0  }
0x14e: {  	_ =	swait.ge [sflag:s23], $0x2800  }
0x14f: {  	v1 =	vmov s25;
	[sflag:s23] =	ssyncset.done $0x0  }
0x150: {  	s31 =	simm.s32 $0x4EB0;
	[sflag:s23] =	ssyncadd.s32 $0xFFFFD800  }
0x151: {  	v4 =	vld [tilespmem:s31+$0xFFFFFFD0]  }
0x152: {  	v3 =	vld [tilespmem:s31+$0xFFFFFFE0]  }
0x153: {  	v5 =	vld [tilespmem:s31+$0xFFFFFFC0]  }
0x154: {  	v1 =	vld.idx.msk [tilespmem:v1+s22+$0x0], $0xffff  }
0x155: {  	v8 =	vld [tilespmem:s31+$0x10]  }
0x156: {  	v2 =	vld [tilespmem:s31+$0x0]  }
0x157: {  	s7 =	simm.s32 $0x1;
	v6 =	vld [tilespmem:s31+$0x20]  }
0x158: {  	s29 =	simm.s32 $0x4EB0;
	s30 =	simm.s32 $0x7670;
	s0 =	simm.s32 $0x7670;
	v7 =	vld [tilespmem:s31+$0xFFFFFFF0]  }
.LBB2_7:
0x159: {  	p1 =	sne.s32 s7, $0x4F;
	v4 =	vmul.f32 v4, v1;
	v3 =	vmul.f32 v3, v1;
	s0 =	sadd.s32 $0x10, s0;
	s31 =	sadd.s32 $0x80, s31  }
0x15a: {  	v5 =	vmul.f32 v5, v1;
	s16 =	smov.u32 s7;
	s7 =	sadd.s32 $0x1, s7;
	v8 =	vmul.f32 v8, v1;
	v9 =	vld [tilespmem:s29+$0x30]  }
0x15b: {  	[tilespmem:s29+$0xFFFFFFD0] =	vst v4  }
0x15c: {  	[tilespmem:s29+$0xFFFFFFC0] =	vst v5;
	v4 =	vmul.f32 v6, v1  }
0x15d: {  	v2 =	vmul.f32 v2, v1;
	v5 =	vmul.f32 v7, v1;
	[tilespmem:s29+$0x10] =	vst v8  }
0x15e: {  	[tilespmem:s29+$0x20] =	vst v4  }
0x15f: {  	v6 =	vmov s16;
	[tilespmem:s29+$0xFFFFFFF0] =	vst v5;
	v4 =	vmul.f32 v9, v1  }
0x160: {  	[tilespmem:s29+$0xFFFFFFE0] =	vst v3  }
0x161: {  	[tilespmem:s29+$0x30] =	vst v4  }
0x162: {  	[tilespmem:s29+$0x0] =	vst v2;
	s29 =	smov.u32 s31  }
0x163: {  	[tilespmem:s30+$0x0] =	vst v1;
	s30 =	smov.u32 s0  }
0x164: {  	v4 =	vld [tilespmem:s31+$0xFFFFFFD0]  }
0x165: {  	v3 =	vld [tilespmem:s31+$0xFFFFFFE0]  }
0x166: {  	v5 =	vld [tilespmem:s31+$0xFFFFFFC0]  }
0x167: {  	v1 =	vld.idx.msk [tilespmem:v6+s22+$0x0], $0xffff  }
.Ltmp2:
0x168: {  	v2 =	vld [tilespmem:s31+$0x0];
	(pc) =	sbr.rel @p1 .LBB2_7-.Ltmp2, $3  }
0x169: {  	v8 =	vld [tilespmem:s31+$0x10];
	_ =	sdelay $0x1  }
0x16a: {  	v6 =	vld [tilespmem:s31+$0x20]  }
0x16b: {  	v7 =	vld [tilespmem:s31+$0xFFFFFFF0]  }
0x16c: {  	v4 =	vmul.f32 v4, v1  }
0x16d: {  	v5 =	vmul.f32 v5, v1  }
0x16e: {  	v9 =	vld [tilespmem:s29+$0x30];
	v3 =	vmul.f32 v3, v1;
	[tilespmem:s29+$0xFFFFFFD0] =	vst v4  }
0x16f: {  	v2 =	vmul.f32 v2, v1;
	[tilespmem:s29+$0xFFFFFFC0] =	vst v5  }
0x170: {  	v8 =	vmul.f32 v8, v1;
	[tilespmem:s29+$0xFFFFFFE0] =	vst v3  }
0x171: {  	[tilespmem:s29+$0x0] =	vst v2;
	v61 =	vmul.f32 v6, v1  }
0x172: {  	[tilespmem:s29+$0x10] =	vst v8;
	v62 =	vmul.f32 v7, v1  }
0x173: {  	[tilespmem:s29+$0x20] =	vst v61;
	v63 =	vmul.f32 v9, v1  }
0x174: {  	[tilespmem:s29+$0xFFFFFFF0] =	vst v62  }
0x175: {  	[tilespmem:s29+$0x30] =	vst v63  }
0x176: {  	s0 =	sadd.s32 $0x2710, s28;
	[tilespmem:s30+$0x0] =	vst v1  }
0x177: {  	[spmem:s2] =	stream.indirect.scatter.add.f32 [tilespmem:s19], [sflag:$0x2], $0x80, s0, s21, $0xb8;
	[tilespmem:$0x1DB00] =	vst v63  }
0x178: {  	s26 =	sadd.s32 $0x1, s26;
	_ =	swait.ge [sflag:s15], $0x2800  }
0x179: {  	p1 =	sne.s32 s26, $0x7D;
	[sflag:s15] =	ssyncset.done $0x0  }
.Ltmp3:
0x17a: {  	[sflag:s15] =	ssyncadd.s32 $0xFFFFD800;
	(pc) =	sbr.rel @p1 .LBB2_6-.Ltmp3, $4  }
0x17b: {  	[spmem:s3] =	stream.indirect.scatter.add.f32 [tilespmem:s20], [sflag:$0x2], $0x10, s0, s21, $0xb8;
	[tilespmem:$0x1DB00] =	vst v63  }
0x17c: {  	_ =	swait.ge [sflag:s15], $0x500  }
0x17d: {  	[sflag:s15] =	ssyncset.done $0x0  }
0x17e: {  	[sflag:s15] =	ssyncadd.s32 $0xFFFFFB00  }
0x17f: {  	s0 =	stileid.u32  }
0x180: {  	s0 =	sshll.u32 @!p0 s0, $0x6  }
0x181: {  	[bflag:$0x0] =	sbarrier.arrive $0xFFFF;
	s7 =	simm.s32 @!p0 $0x2;
	s0 =	sor.u32 @!p0 $0x1C02, s0  }
0x182: {  	[hbm:s17], [sflag:s0] =	dma.local @!p0 [spmem:s4], $0x3E80  }
0x183: {  	s24 =	sadd.s32 $0x1, s24;
	_ =	swait.ge @!p0 [sflag:s7], $0x3E80  }
0x184: {  	p1 =	sne.s32 s24, s11;
	[sflag:s7] =	ssyncset.done @!p0 $0x0  }
.Ltmp4:
0x185: {  	[sflag:s7] =	ssyncadd.s32 @!p0 $0xFFFFC180;
	(pc) =	sbr.rel @p1 .LBB2_1-.Ltmp4, $4  }
0x186: {  	[hbm:s18], [sflag:s0] =	dma.local @!p0 [spmem:s12], $0x7D0  }
0x187: {  	_ =	swait.ge @!p0 [sflag:s7], $0x7D0  }
0x188: {  	[sflag:s7] =	ssyncset.done @!p0 $0x0  }
0x189: {  	[sflag:s7] =	ssyncadd.s32 @!p0 $0xFFFFF830  }
0x18a: {  	_ =	sfence.sel $0x180000  }
0x18b: {  	[bflag:$0x0] =	sbarrier.arrive $0xFFFF  }
0x18c: {  	_ =	strace $0x9000004A  }
0x18d: {  	s0 =	stileid.u32;
	[bflag:$0x2] =	sbarrier.arrive $0xFFFF  }
0x18e: {  	p0 =	sne.s32 s0, $0x0;
	s0 =	rddreg [dreg:$0x4]  }
0x18f: {  	s0 =	sadd.s32 @!p0 $0x100000, s0  }
0x190: {  	[sflag:s0] =	ssyncadd.tile.s32 @!p0 $0x1;
	_ =	shalt  }
.Lfunc_end2:
_tile_overlayer_lowered:
.L_overlay_start_2:
0x191: {  	(tag) =	ssettag $0x2  }
0x192: {  	s0 =	rddreg [dreg:$0x0];
	s2 =	stileid.u32  }
0x193: {  	s1 =	rddreg [dreg:$0x1];
	p0 =	sne.s32 s2, $0x0  }
0x194: {  	s3 =	rddreg [dreg:$0x2];
	[bflag:$0x3] =	sbarrier.arrive $0xFFFF;
	s2 =	simm.s32 @!p0 $0x1C02  }
0x195: {  	[timem:s3], [sflag:s2] =	dma.local @!p0 [hbm:s0], s1  }
0x196: {  	s0 =	simm.s32 @!p0 $0x2  }
0x197: {  	_ =	swait.ge @!p0 [sflag:s0], s1  }
0x198: {  	s1 =	ssub.s32 @!p0 $0x0, s1;
	[sflag:s0] =	ssyncset.done @!p0 $0x0  }
0x199: {  	[sflag:s0] =	ssyncadd.s32 @!p0 s1  }
0x19a: {  	[bflag:$0x3] =	sbarrier.arrive $0xFFFF  }
0x19b: {  	_ =	shalt  }

</sc_bundles>
